<compile_context>
chip_gen: v7x
topology: tpu7x:2x2x1
jax: 0.10.2.dev20260603
libtpu: 0.0.44.dev20260713+nightly
codegen_flags: <defaults>
</compile_context>

<pallas_src>
import functools

import jax
import jax.numpy as jnp
from jax import lax
from jax.experimental import pallas as pl
from jax.experimental.pallas import tpu as pltpu
from jax.experimental.pallas import tpu_sc as plsc

_B = 4096
_S = 200
_D = 32
_V = 1000000
_NW = 32


def _lk_body(
    xv, tab, pos_hbm, out,
    xidx, pos_v,
    r0, r1, r2, r3, t0, t1, t2, t3,
    g0, g1, g2, g3, w0, w1, w2, w3,
):
    cid = lax.axis_index("c")
    sid = lax.axis_index("s")
    wid = sid * 2 + cid

    rows = (r0, r1, r2, r3)
    tiles = (t0, t1, t2, t3)
    gsems = (g0, g1, g2, g3)
    wsems = (w0, w1, w2, w3)

    pltpu.sync_copy(pos_hbm, pos_v)
    pltpu.sync_copy(xv.at[:, wid], xidx)

    iota = lax.iota(jnp.int32, 16)
    bcs = [iota + 16 * b for b in range(8)]

    def fire_gather(s, j):
        pltpu.async_copy(
            tab.at[xidx.at[s // 8, lax.rem(s, 8)]], rows[j], gsems[j]
        )

    def drain(dst, sem, src):
        pltpu.make_async_copy(src, dst, sem).wait()

    for j in range(4):
        fire_gather(jnp.int32(j), j)

    @pl.loop(0, _S // 4)
    def _k(k):
        for j in range(4):
            s = k * 4 + j
            drain(rows[j], gsems[j], tab.at[pl.ds(0, 128)])

            @pl.when(k > 0)
            def _():
                drain(out.at[0, :, 0], wsems[j], tiles[j])

            ssp = jnp.full((16,), s, jnp.int32)

            @plsc.parallel_loop(0, _D, unroll=16)
            def _d(d):
                dsp = jnp.full((16,), d, jnp.int32)
                ps = plsc.load_gather(pos_v, [ssp, dsp])
                dq = d // 8
                dr = lax.rem(d, 8)
                for b in range(8):
                    v = plsc.load_gather(rows[j], [bcs[b], dsp]) + ps
                    tiles[j][dq, dr, pl.ds(16 * b, 16)] = v

            pltpu.async_copy(tiles[j], out.at[s, :, wid], wsems[j])

            @pl.when(k < _S // 4 - 1)
            def _():
                fire_gather(s + 4, j)

    for j in range(4):
        drain(out.at[0, :, 0], wsems[j], tiles[j])


@jax.jit
def _emb(x, token_table, pos_table):
    mesh = plsc.VectorSubcoreMesh(
        core_axis_name="c", subcore_axis_name="s", num_cores=2, num_subcores=16
    )
    cp = pltpu.CompilerParams(
        use_tc_tiling_on_sc=False, needs_layout_passes=False
    )

    f_lk = pl.kernel(
        _lk_body,
        out_type=jax.ShapeDtypeStruct((_S, 4, 32, 8, 128), jnp.float32),
        mesh=mesh,
        scratch_types=(
            [
                pltpu.VMEM((25, 8, 128), jnp.int32),
                pltpu.VMEM((_S, _D), jnp.float32),
            ]
            + [pltpu.VMEM((128, _D), jnp.float32)] * 4
            + [pltpu.VMEM((4, 8, 128), jnp.float32)] * 4
            + [pltpu.SemaphoreType.DMA] * 8
        ),
        compiler_params=cp,
    )

    xv = x.T.reshape(25, 8, 32, 128).transpose(0, 2, 1, 3)
    V = f_lk(xv, token_table, pos_table)
    return V.transpose(2, 4, 0, 1, 3).reshape(_B, _S, _D)


def kernel(x, token_table, pos_table):
    return _emb(x, token_table, pos_table)

# --- scband reference (transcript-rebuilt; emitter-appended) ---
"""Pipeline reference for scband-token-and-position-embedding-28149215658335 (READ-ONLY COPY).

The authoritative reference and input builder live on the scoring server;
editing this copy changes nothing except your own understanding.
"""

import jax, jax.numpy as jnp
import numpy as np

VOCAB_SIZE = 1000000
MAXLEN = 200
EMBED_DIM = 32
BATCH = 4096
SEQ = 200

def setup_inputs(seed: int = 0) -> dict:
    key = jax.random.key(seed)
    k1, k2, k3 = jax.random.split(key, 3)
    x = jax.random.randint(k1, (BATCH, SEQ), 0, VOCAB_SIZE, dtype=jnp.int64 if jax.config.jax_enable_x64 else jnp.int32)
    token_table = jax.random.normal(k2, (VOCAB_SIZE, EMBED_DIM), dtype=jnp.float32) * 0.05
    pos_table = jax.random.normal(k3, (MAXLEN, EMBED_DIM), dtype=jnp.float32) * 0.05
    return {"x": x, "token_table": token_table, "pos_table": pos_table}

def reference(x, token_table, pos_table):
    seqlen = x.shape[-1]
    positions = jnp.arange(0, seqlen)
    pos_emb = jnp.take(pos_table, positions, axis=0)  # [seq, embed_dim]
    tok_emb = jnp.take(token_table, x, axis=0)        # [batch, seq, embed_dim]
    return tok_emb + pos_emb

if __name__ == "__main__":
    import jax
    _d = setup_inputs()
    print(jax.jit(kernel)(*tuple(_d.values())))

</pallas_src>

<mosaic_0001>
#map = affine_map<(d0, d1) -> (0, 0, 0, 0)>
#map1 = affine_map<(d0, d1) -> (0, 0)>
#map2 = affine_map<(d0, d1) -> (0, 0, 0, 0, 0)>
module attributes {stable_mosaic.version = 14 : i64} {
  func.func @_lk_body(%arg0: i32, %arg1: i32, %arg2: memref<25x32x8x128xi32, #tpu.memory_space<hbm>>, %arg3: memref<1000000x32xf32, #tpu.memory_space<hbm>>, %arg4: memref<200x32xf32, #tpu.memory_space<hbm>>, %arg5: memref<200x4x32x8x128xf32, #tpu.memory_space<hbm>>, %arg6: memref<25x8x128xi32, #tpu.memory_space<vmem>>, %arg7: memref<200x32xf32, #tpu.memory_space<vmem>>, %arg8: memref<128x32xf32, #tpu.memory_space<vmem>>, %arg9: memref<128x32xf32, #tpu.memory_space<vmem>>, %arg10: memref<128x32xf32, #tpu.memory_space<vmem>>, %arg11: memref<128x32xf32, #tpu.memory_space<vmem>>, %arg12: memref<4x8x128xf32, #tpu.memory_space<vmem>>, %arg13: memref<4x8x128xf32, #tpu.memory_space<vmem>>, %arg14: memref<4x8x128xf32, #tpu.memory_space<vmem>>, %arg15: memref<4x8x128xf32, #tpu.memory_space<vmem>>, %arg16: memref<!tpu.dma_semaphore, #tpu.memory_space<semaphore_mem>>, %arg17: memref<!tpu.dma_semaphore, #tpu.memory_space<semaphore_mem>>, %arg18: memref<!tpu.dma_semaphore, #tpu.memory_space<semaphore_mem>>, %arg19: memref<!tpu.dma_semaphore, #tpu.memory_space<semaphore_mem>>, %arg20: memref<!tpu.dma_semaphore, #tpu.memory_space<semaphore_mem>>, %arg21: memref<!tpu.dma_semaphore, #tpu.memory_space<semaphore_mem>>, %arg22: memref<!tpu.dma_semaphore, #tpu.memory_space<semaphore_mem>>, %arg23: memref<!tpu.dma_semaphore, #tpu.memory_space<semaphore_mem>>) attributes {dimension_semantics = [#tpu.dimension_semantics<core_parallel>, #tpu.dimension_semantics<subcore_parallel>], iteration_bounds = array<i64: 2, 16>, scalar_prefetch = 0 : i64, scratch_operands = 18 : i64, tpu.core_type = #tpu.core_type<sc_vector_subcore>, window_params = [{transform_indices = #map}, {transform_indices = #map1}, {transform_indices = #map1}, {transform_indices = #map2}]} {
    %mul3A = arith.constant 2 : i32
    %mul3A_0 = arith.muli %arg1, %mul3A : i32
    %add3A = arith.addi %mul3A_0, %arg0 : i32
    "tpu.region"() ({
      %run_scoped3A = tpu.sem_alloc : memref<!tpu.dma_semaphore, #tpu.memory_space<semaphore_mem>>
      tpu.enqueue_dma source(%arg4 : memref<200x32xf32, #tpu.memory_space<hbm>>) target(%arg7 : memref<200x32xf32, #tpu.memory_space<vmem>>) target_semaphore(%run_scoped3A : memref<!tpu.dma_semaphore, #tpu.memory_space<semaphore_mem>>)
      tpu.wait_dma2 semaphore(%run_scoped3A : memref<!tpu.dma_semaphore, #tpu.memory_space<semaphore_mem>>) src(%arg4 : memref<200x32xf32, #tpu.memory_space<hbm>>) dst(%arg7 : memref<200x32xf32, #tpu.memory_space<vmem>>)
      tpu.yield
    }) : () -> ()
    "tpu.region"() ({
      %run_scoped3A = tpu.sem_alloc : memref<!tpu.dma_semaphore, #tpu.memory_space<semaphore_mem>>
      %dma_start3A_203 = arith.constant 0 : i32
      %dma_start3A_204 = arith.constant 0 : i32
      %dma_start3A_205 = arith.constant 0 : i32
      %dma_start3A_206 = tpu.memref_slice %arg2[%dma_start3A_203, %add3A, %dma_start3A_204, %dma_start3A_205] : memref<25x32x8x128xi32, #tpu.memory_space<hbm>> -> memref<25x1x8x128xi32, #tpu.memory_space<hbm>>
      %dma_start3A_207 = tpu.memref_squeeze %dma_start3A_206 : memref<25x1x8x128xi32, #tpu.memory_space<hbm>> -> memref<25x8x128xi32, #tpu.memory_space<hbm>>
      %dma_start3A_208 = arith.constant 0 : i32
      %dma_start3A_209 = arith.constant 0 : i32
      %dma_start3A_210 = arith.constant 0 : i32
      %dma_start3A_211 = tpu.memref_slice %arg2[%dma_start3A_208, %add3A, %dma_start3A_209, %dma_start3A_210] : memref<25x32x8x128xi32, #tpu.memory_space<hbm>> -> memref<25x1x8x128xi32, #tpu.memory_space<hbm>>
      %dma_start3A_212 = tpu.memref_squeeze %dma_start3A_211 : memref<25x1x8x128xi32, #tpu.memory_space<hbm>> -> memref<25x8x128xi32, #tpu.memory_space<hbm>>
      tpu.enqueue_dma source(%dma_start3A_212 : memref<25x8x128xi32, #tpu.memory_space<hbm>>) target(%arg6 : memref<25x8x128xi32, #tpu.memory_space<vmem>>) target_semaphore(%run_scoped3A : memref<!tpu.dma_semaphore, #tpu.memory_space<semaphore_mem>>)
      %dma_wait3A_213 = arith.constant 0 : i32
      %dma_wait3A_214 = arith.constant 0 : i32
      %dma_wait3A_215 = arith.constant 0 : i32
      %dma_wait3A_216 = tpu.memref_slice %arg2[%dma_wait3A_213, %add3A, %dma_wait3A_214, %dma_wait3A_215] : memref<25x32x8x128xi32, #tpu.memory_space<hbm>> -> memref<25x1x8x128xi32, #tpu.memory_space<hbm>>
      %dma_wait3A_217 = tpu.memref_squeeze %dma_wait3A_216 : memref<25x1x8x128xi32, #tpu.memory_space<hbm>> -> memref<25x8x128xi32, #tpu.memory_space<hbm>>
      %dma_wait3A_218 = arith.constant 0 : i32
      %dma_wait3A_219 = arith.constant 0 : i32
      %dma_wait3A_220 = arith.constant 0 : i32
      %dma_wait3A_221 = tpu.memref_slice %arg2[%dma_wait3A_218, %add3A, %dma_wait3A_219, %dma_wait3A_220] : memref<25x32x8x128xi32, #tpu.memory_space<hbm>> -> memref<25x1x8x128xi32, #tpu.memory_space<hbm>>
      %dma_wait3A_222 = tpu.memref_squeeze %dma_wait3A_221 : memref<25x1x8x128xi32, #tpu.memory_space<hbm>> -> memref<25x8x128xi32, #tpu.memory_space<hbm>>
      tpu.wait_dma2 semaphore(%run_scoped3A : memref<!tpu.dma_semaphore, #tpu.memory_space<semaphore_mem>>) src(%dma_wait3A_222 : memref<25x8x128xi32, #tpu.memory_space<hbm>>) dst(%arg6 : memref<25x8x128xi32, #tpu.memory_space<vmem>>)
      tpu.yield
    }) : () -> ()
    %iota3A = tpu.iota {dimensions = array<i32: 0>} : vector<16xi32>
    %add3A_1 = arith.constant 0 : i32
    %add3A_2 = vector.broadcast %add3A_1 : i32 to vector<16xi32>
    %add3A_3 = arith.addi %iota3A, %add3A_2 : vector<16xi32>
    %add3A_4 = arith.constant 16 : i32
    %add3A_5 = vector.broadcast %add3A_4 : i32 to vector<16xi32>
    %add3A_6 = arith.addi %iota3A, %add3A_5 : vector<16xi32>
    %add3A_7 = arith.constant 32 : i32
    %add3A_8 = vector.broadcast %add3A_7 : i32 to vector<16xi32>
    %add3A_9 = arith.addi %iota3A, %add3A_8 : vector<16xi32>
    %add3A_10 = arith.constant 48 : i32
    %add3A_11 = vector.broadcast %add3A_10 : i32 to vector<16xi32>
    %add3A_12 = arith.addi %iota3A, %add3A_11 : vector<16xi32>
    %add3A_13 = arith.constant 64 : i32
    %add3A_14 = vector.broadcast %add3A_13 : i32 to vector<16xi32>
    %add3A_15 = arith.addi %iota3A, %add3A_14 : vector<16xi32>
    %add3A_16 = arith.constant 80 : i32
    %add3A_17 = vector.broadcast %add3A_16 : i32 to vector<16xi32>
    %add3A_18 = arith.addi %iota3A, %add3A_17 : vector<16xi32>
    %add3A_19 = arith.constant 96 : i32
    %add3A_20 = vector.broadcast %add3A_19 : i32 to vector<16xi32>
    %add3A_21 = arith.addi %iota3A, %add3A_20 : vector<16xi32>
    %add3A_22 = arith.constant 112 : i32
    %add3A_23 = vector.broadcast %add3A_22 : i32 to vector<16xi32>
    %add3A_24 = arith.addi %iota3A, %add3A_23 : vector<16xi32>
    %jit3A = arith.constant 0 : i32
    %jit3A_25 = arith.constant 8 : i32
    %div3A = arith.divsi %jit3A, %jit3A_25 : i32
    %sign3A = arith.constant 0 : i32
    %sign3A_26 = arith.cmpi sgt, %jit3A, %sign3A : i32
    %sign3A_27 = arith.extui %sign3A_26 : i1 to i32
    %sign3A_28 = arith.constant 0 : i32
    %sign3A_29 = arith.cmpi slt, %jit3A, %sign3A_28 : i32
    %sign3A_30 = arith.extui %sign3A_29 : i1 to i32
    %sign3A_31 = arith.subi %sign3A_27, %sign3A_30 : i32
    %sign3A_32 = arith.constant 0 : i32
    %sign3A_33 = arith.cmpi sgt, %jit3A_25, %sign3A_32 : i32
    %sign3A_34 = arith.extui %sign3A_33 : i1 to i32
    %sign3A_35 = arith.constant 0 : i32
    %sign3A_36 = arith.cmpi slt, %jit3A_25, %sign3A_35 : i32
    %sign3A_37 = arith.extui %sign3A_36 : i1 to i32
    %sign3A_38 = arith.subi %sign3A_34, %sign3A_37 : i32
    %ne3A = arith.cmpi ne, %sign3A_31, %sign3A_38 : i32
    %rem3A = arith.remsi %jit3A, %jit3A_25 : i32
    %ne3A_39 = arith.constant 0 : i32
    %ne3A_40 = arith.cmpi ne, %rem3A, %ne3A_39 : i32
    %and3A = arith.andi %ne3A, %ne3A_40 : i1
    %sub3A = arith.constant 1 : i32
    %sub3A_41 = arith.subi %div3A, %sub3A : i32
    %select_n3A = arith.select %and3A, %sub3A_41, %div3A : i32
    %rem3A_42 = arith.constant 0 : i32
    %rem3A_43 = arith.constant 8 : i32
    %rem3A_44 = arith.remsi %rem3A_42, %rem3A_43 : i32
    %dma_start3A = arith.constant 0 : i32
    %dma_start3A_45 = tpu.memref_slice %arg6[%select_n3A, %rem3A_44, %dma_start3A] : memref<25x8x128xi32, #tpu.memory_space<vmem>> -> memref<1x1x128xi32, #tpu.memory_space<vmem>>
    %dma_start3A_46 = tpu.memref_squeeze %dma_start3A_45 : memref<1x1x128xi32, #tpu.memory_space<vmem>> -> memref<128xi32, #tpu.memory_space<vmem>>
    %dma_start3A_47 = arith.constant 0 : i32
    %dma_start3A_48 = arith.constant 0 : i32
    %dma_start3A_49 = tpu.memref_slice %arg3[%dma_start3A_47, %dma_start3A_48] : memref<1000000x32xf32, #tpu.memory_space<hbm>> -> memref<1000000x32xf32, #tpu.memory_space<hbm>>
    tpu.enqueue_indirect_dma source(%dma_start3A_49 : memref<1000000x32xf32, #tpu.memory_space<hbm>>) target(%arg8 : memref<128x32xf32, #tpu.memory_space<vmem>>) offsets(%dma_start3A_46 : memref<128xi32, #tpu.memory_space<vmem>>) semaphore(%arg16 : memref<!tpu.dma_semaphore, #tpu.memory_space<semaphore_mem>>)
    %jit3A_50 = arith.constant 1 : i32
    %jit3A_51 = arith.constant 8 : i32
    %div3A_52 = arith.divsi %jit3A_50, %jit3A_51 : i32
    %sign3A_53 = arith.constant 0 : i32
    %sign3A_54 = arith.cmpi sgt, %jit3A_50, %sign3A_53 : i32
    %sign3A_55 = arith.extui %sign3A_54 : i1 to i32
    %sign3A_56 = arith.constant 0 : i32
    %sign3A_57 = arith.cmpi slt, %jit3A_50, %sign3A_56 : i32
    %sign3A_58 = arith.extui %sign3A_57 : i1 to i32
    %sign3A_59 = arith.subi %sign3A_55, %sign3A_58 : i32
    %sign3A_60 = arith.constant 0 : i32
    %sign3A_61 = arith.cmpi sgt, %jit3A_51, %sign3A_60 : i32
    %sign3A_62 = arith.extui %sign3A_61 : i1 to i32
    %sign3A_63 = arith.constant 0 : i32
    %sign3A_64 = arith.cmpi slt, %jit3A_51, %sign3A_63 : i32
    %sign3A_65 = arith.extui %sign3A_64 : i1 to i32
    %sign3A_66 = arith.subi %sign3A_62, %sign3A_65 : i32
    %ne3A_67 = arith.cmpi ne, %sign3A_59, %sign3A_66 : i32
    %rem3A_68 = arith.remsi %jit3A_50, %jit3A_51 : i32
    %ne3A_69 = arith.constant 0 : i32
    %ne3A_70 = arith.cmpi ne, %rem3A_68, %ne3A_69 : i32
    %and3A_71 = arith.andi %ne3A_67, %ne3A_70 : i1
    %sub3A_72 = arith.constant 1 : i32
    %sub3A_73 = arith.subi %div3A_52, %sub3A_72 : i32
    %select_n3A_74 = arith.select %and3A_71, %sub3A_73, %div3A_52 : i32
    %rem3A_75 = arith.constant 1 : i32
    %rem3A_76 = arith.constant 8 : i32
    %rem3A_77 = arith.remsi %rem3A_75, %rem3A_76 : i32
    %dma_start3A_78 = arith.constant 0 : i32
    %dma_start3A_79 = tpu.memref_slice %arg6[%select_n3A_74, %rem3A_77, %dma_start3A_78] : memref<25x8x128xi32, #tpu.memory_space<vmem>> -> memref<1x1x128xi32, #tpu.memory_space<vmem>>
    %dma_start3A_80 = tpu.memref_squeeze %dma_start3A_79 : memref<1x1x128xi32, #tpu.memory_space<vmem>> -> memref<128xi32, #tpu.memory_space<vmem>>
    %dma_start3A_81 = arith.constant 0 : i32
    %dma_start3A_82 = arith.constant 0 : i32
    %dma_start3A_83 = tpu.memref_slice %arg3[%dma_start3A_81, %dma_start3A_82] : memref<1000000x32xf32, #tpu.memory_space<hbm>> -> memref<1000000x32xf32, #tpu.memory_space<hbm>>
    tpu.enqueue_indirect_dma source(%dma_start3A_83 : memref<1000000x32xf32, #tpu.memory_space<hbm>>) target(%arg9 : memref<128x32xf32, #tpu.memory_space<vmem>>) offsets(%dma_start3A_80 : memref<128xi32, #tpu.memory_space<vmem>>) semaphore(%arg17 : memref<!tpu.dma_semaphore, #tpu.memory_space<semaphore_mem>>)
    %jit3A_84 = arith.constant 2 : i32
    %jit3A_85 = arith.constant 8 : i32
    %div3A_86 = arith.divsi %jit3A_84, %jit3A_85 : i32
    %sign3A_87 = arith.constant 0 : i32
    %sign3A_88 = arith.cmpi sgt, %jit3A_84, %sign3A_87 : i32
    %sign3A_89 = arith.extui %sign3A_88 : i1 to i32
    %sign3A_90 = arith.constant 0 : i32
    %sign3A_91 = arith.cmpi slt, %jit3A_84, %sign3A_90 : i32
    %sign3A_92 = arith.extui %sign3A_91 : i1 to i32
    %sign3A_93 = arith.subi %sign3A_89, %sign3A_92 : i32
    %sign3A_94 = arith.constant 0 : i32
    %sign3A_95 = arith.cmpi sgt, %jit3A_85, %sign3A_94 : i32
    %sign3A_96 = arith.extui %sign3A_95 : i1 to i32
    %sign3A_97 = arith.constant 0 : i32
    %sign3A_98 = arith.cmpi slt, %jit3A_85, %sign3A_97 : i32
    %sign3A_99 = arith.extui %sign3A_98 : i1 to i32
    %sign3A_100 = arith.subi %sign3A_96, %sign3A_99 : i32
    %ne3A_101 = arith.cmpi ne, %sign3A_93, %sign3A_100 : i32
    %rem3A_102 = arith.remsi %jit3A_84, %jit3A_85 : i32
    %ne3A_103 = arith.constant 0 : i32
    %ne3A_104 = arith.cmpi ne, %rem3A_102, %ne3A_103 : i32
    %and3A_105 = arith.andi %ne3A_101, %ne3A_104 : i1
    %sub3A_106 = arith.constant 1 : i32
    %sub3A_107 = arith.subi %div3A_86, %sub3A_106 : i32
    %select_n3A_108 = arith.select %and3A_105, %sub3A_107, %div3A_86 : i32
    %rem3A_109 = arith.constant 2 : i32
    %rem3A_110 = arith.constant 8 : i32
    %rem3A_111 = arith.remsi %rem3A_109, %rem3A_110 : i32
    %dma_start3A_112 = arith.constant 0 : i32
    %dma_start3A_113 = tpu.memref_slice %arg6[%select_n3A_108, %rem3A_111, %dma_start3A_112] : memref<25x8x128xi32, #tpu.memory_space<vmem>> -> memref<1x1x128xi32, #tpu.memory_space<vmem>>
    %dma_start3A_114 = tpu.memref_squeeze %dma_start3A_113 : memref<1x1x128xi32, #tpu.memory_space<vmem>> -> memref<128xi32, #tpu.memory_space<vmem>>
    %dma_start3A_115 = arith.constant 0 : i32
    %dma_start3A_116 = arith.constant 0 : i32
    %dma_start3A_117 = tpu.memref_slice %arg3[%dma_start3A_115, %dma_start3A_116] : memref<1000000x32xf32, #tpu.memory_space<hbm>> -> memref<1000000x32xf32, #tpu.memory_space<hbm>>
    tpu.enqueue_indirect_dma source(%dma_start3A_117 : memref<1000000x32xf32, #tpu.memory_space<hbm>>) target(%arg10 : memref<128x32xf32, #tpu.memory_space<vmem>>) offsets(%dma_start3A_114 : memref<128xi32, #tpu.memory_space<vmem>>) semaphore(%arg18 : memref<!tpu.dma_semaphore, #tpu.memory_space<semaphore_mem>>)
    %jit3A_118 = arith.constant 3 : i32
    %jit3A_119 = arith.constant 8 : i32
    %div3A_120 = arith.divsi %jit3A_118, %jit3A_119 : i32
    %sign3A_121 = arith.constant 0 : i32
    %sign3A_122 = arith.cmpi sgt, %jit3A_118, %sign3A_121 : i32
    %sign3A_123 = arith.extui %sign3A_122 : i1 to i32
    %sign3A_124 = arith.constant 0 : i32
    %sign3A_125 = arith.cmpi slt, %jit3A_118, %sign3A_124 : i32
    %sign3A_126 = arith.extui %sign3A_125 : i1 to i32
    %sign3A_127 = arith.subi %sign3A_123, %sign3A_126 : i32
    %sign3A_128 = arith.constant 0 : i32
    %sign3A_129 = arith.cmpi sgt, %jit3A_119, %sign3A_128 : i32
    %sign3A_130 = arith.extui %sign3A_129 : i1 to i32
    %sign3A_131 = arith.constant 0 : i32
    %sign3A_132 = arith.cmpi slt, %jit3A_119, %sign3A_131 : i32
    %sign3A_133 = arith.extui %sign3A_132 : i1 to i32
    %sign3A_134 = arith.subi %sign3A_130, %sign3A_133 : i32
    %ne3A_135 = arith.cmpi ne, %sign3A_127, %sign3A_134 : i32
    %rem3A_136 = arith.remsi %jit3A_118, %jit3A_119 : i32
    %ne3A_137 = arith.constant 0 : i32
    %ne3A_138 = arith.cmpi ne, %rem3A_136, %ne3A_137 : i32
    %and3A_139 = arith.andi %ne3A_135, %ne3A_138 : i1
    %sub3A_140 = arith.constant 1 : i32
    %sub3A_141 = arith.subi %div3A_120, %sub3A_140 : i32
    %select_n3A_142 = arith.select %and3A_139, %sub3A_141, %div3A_120 : i32
    %rem3A_143 = arith.constant 3 : i32
    %rem3A_144 = arith.constant 8 : i32
    %rem3A_145 = arith.remsi %rem3A_143, %rem3A_144 : i32
    %dma_start3A_146 = arith.constant 0 : i32
    %dma_start3A_147 = tpu.memref_slice %arg6[%select_n3A_142, %rem3A_145, %dma_start3A_146] : memref<25x8x128xi32, #tpu.memory_space<vmem>> -> memref<1x1x128xi32, #tpu.memory_space<vmem>>
    %dma_start3A_148 = tpu.memref_squeeze %dma_start3A_147 : memref<1x1x128xi32, #tpu.memory_space<vmem>> -> memref<128xi32, #tpu.memory_space<vmem>>
    %dma_start3A_149 = arith.constant 0 : i32
    %dma_start3A_150 = arith.constant 0 : i32
    %dma_start3A_151 = tpu.memref_slice %arg3[%dma_start3A_149, %dma_start3A_150] : memref<1000000x32xf32, #tpu.memory_space<hbm>> -> memref<1000000x32xf32, #tpu.memory_space<hbm>>
    tpu.enqueue_indirect_dma source(%dma_start3A_151 : memref<1000000x32xf32, #tpu.memory_space<hbm>>) target(%arg11 : memref<128x32xf32, #tpu.memory_space<vmem>>) offsets(%dma_start3A_148 : memref<128xi32, #tpu.memory_space<vmem>>) semaphore(%arg19 : memref<!tpu.dma_semaphore, #tpu.memory_space<semaphore_mem>>)
    %scan3A = arith.constant 0 : i32
    %scan3A_152 = arith.constant 50 : i32
    %scan3A_153 = arith.addi %scan3A, %scan3A_152 : i32
    %scan3A_154 = arith.constant 1 : i32
    scf.for %scan3A_203 = %scan3A to %scan3A_153 step %scan3A_154  : i32 {
      %mul3A_204 = arith.constant 1 : i32
      %mul3A_205 = arith.muli %scan3A_203, %mul3A_204 : i32
      %add3A_206 = arith.constant 0 : i32
      %add3A_207 = arith.addi %add3A_206, %mul3A_205 : i32
      %mul3A_208 = arith.constant 4 : i32
      %mul3A_209 = arith.muli %add3A_207, %mul3A_208 : i32
      %add3A_210 = arith.constant 0 : i32
      %add3A_211 = arith.addi %mul3A_209, %add3A_210 : i32
      %dma_wait3A_212 = arith.constant 0 : i32
      %dma_wait3A_213 = arith.constant 0 : i32
      %dma_wait3A_214 = tpu.memref_slice %arg3[%dma_wait3A_212, %dma_wait3A_213] : memref<1000000x32xf32, #tpu.memory_space<hbm>> -> memref<128x32xf32, #tpu.memory_space<hbm>>
      %dma_wait3A_215 = arith.constant 0 : i32
      %dma_wait3A_216 = arith.constant 0 : i32
      %dma_wait3A_217 = tpu.memref_slice %arg3[%dma_wait3A_215, %dma_wait3A_216] : memref<1000000x32xf32, #tpu.memory_space<hbm>> -> memref<128x32xf32, #tpu.memory_space<hbm>>
      tpu.wait_dma2 semaphore(%arg16 : memref<!tpu.dma_semaphore, #tpu.memory_space<semaphore_mem>>) src(%dma_wait3A_217 : memref<128x32xf32, #tpu.memory_space<hbm>>) dst(%arg8 : memref<128x32xf32, #tpu.memory_space<vmem>>)
      %gt3A = arith.constant 0 : i32
      %gt3A_218 = arith.cmpi sgt, %add3A_207, %gt3A : i32
      %convert_element_type3A = arith.extui %gt3A_218 : i1 to i32
      %cond3A = arith.constant 0 : i32
      %cond3A_219 = arith.cmpi ne, %convert_element_type3A, %cond3A : i32
      scf.if %cond3A_219 {
        %dma_wait3A_338 = arith.constant 0 : i32
        %dma_wait3A_339 = arith.constant 0 : i32
        %dma_wait3A_340 = arith.constant 0 : i32
        %dma_wait3A_341 = arith.constant 0 : i32
        %dma_wait3A_342 = arith.constant 0 : i32
        %dma_wait3A_343 = tpu.memref_slice %arg5[%dma_wait3A_338, %dma_wait3A_340, %dma_wait3A_339, %dma_wait3A_341, %dma_wait3A_342] : memref<200x4x32x8x128xf32, #tpu.memory_space<hbm>> -> memref<1x4x1x8x128xf32, #tpu.memory_space<hbm>>
        %dma_wait3A_344 = tpu.memref_squeeze %dma_wait3A_343 : memref<1x4x1x8x128xf32, #tpu.memory_space<hbm>> -> memref<4x8x128xf32, #tpu.memory_space<hbm>>
        %dma_wait3A_345 = arith.constant 0 : i32
        %dma_wait3A_346 = arith.constant 0 : i32
        %dma_wait3A_347 = arith.constant 0 : i32
        %dma_wait3A_348 = tpu.memref_slice %arg5[%dma_wait3A_338, %dma_wait3A_345, %dma_wait3A_339, %dma_wait3A_346, %dma_wait3A_347] : memref<200x4x32x8x128xf32, #tpu.memory_space<hbm>> -> memref<1x4x1x8x128xf32, #tpu.memory_space<hbm>>
        %dma_wait3A_349 = tpu.memref_squeeze %dma_wait3A_348 : memref<1x4x1x8x128xf32, #tpu.memory_space<hbm>> -> memref<4x8x128xf32, #tpu.memory_space<hbm>>
        tpu.wait_dma2 semaphore(%arg20 : memref<!tpu.dma_semaphore, #tpu.memory_space<semaphore_mem>>) src(%arg12 : memref<4x8x128xf32, #tpu.memory_space<vmem>>) dst(%dma_wait3A_349 : memref<4x8x128xf32, #tpu.memory_space<hbm>>)
      } else {
      }
      %broadcast_in_dim3A = vector.broadcast %add3A_211 : i32 to vector<16xi32>
      %parallel_loop3A = arith.constant 0 : i32
      %parallel_loop3A_220 = arith.constant 32 : i32
      %parallel_loop3A_221 = arith.constant 1 : i32
      scf.for %parallel_loop3A_338 = %parallel_loop3A to %parallel_loop3A_220 step %parallel_loop3A_221  : i32 {
        %parallel_loop3A_339 = vector.broadcast %parallel_loop3A_338 : i32 to vector<16xi32>
        %parallel_loop3A_340 = tpu.vector_load_idx %arg7[%broadcast_in_dim3A, %parallel_loop3A_339] : memref<200x32xf32, #tpu.memory_space<vmem>>[vector<16xi32>, vector<16xi32>], vector<16xf32>,
        %parallel_loop3A_341 = arith.constant 8 : i32
        %parallel_loop3A_342 = arith.divsi %parallel_loop3A_338, %parallel_loop3A_341 : i32
        %parallel_loop3A_343 = arith.constant 0 : i32
        %parallel_loop3A_344 = arith.cmpi sgt, %parallel_loop3A_338, %parallel_loop3A_343 : i32
        %parallel_loop3A_345 = arith.extui %parallel_loop3A_344 : i1 to i32
        %parallel_loop3A_346 = arith.constant 0 : i32
        %parallel_loop3A_347 = arith.cmpi slt, %parallel_loop3A_338, %parallel_loop3A_346 : i32
        %parallel_loop3A_348 = arith.extui %parallel_loop3A_347 : i1 to i32
        %parallel_loop3A_349 = arith.subi %parallel_loop3A_345, %parallel_loop3A_348 : i32
        %parallel_loop3A_350 = arith.constant 0 : i32
        %parallel_loop3A_351 = arith.cmpi sgt, %parallel_loop3A_341, %parallel_loop3A_350 : i32
        %parallel_loop3A_352 = arith.extui %parallel_loop3A_351 : i1 to i32
        %parallel_loop3A_353 = arith.constant 0 : i32
        %parallel_loop3A_354 = arith.cmpi slt, %parallel_loop3A_341, %parallel_loop3A_353 : i32
        %parallel_loop3A_355 = arith.extui %parallel_loop3A_354 : i1 to i32
        %parallel_loop3A_356 = arith.subi %parallel_loop3A_352, %parallel_loop3A_355 : i32
        %parallel_loop3A_357 = arith.cmpi ne, %parallel_loop3A_349, %parallel_loop3A_356 : i32
        %parallel_loop3A_358 = arith.remsi %parallel_loop3A_338, %parallel_loop3A_341 : i32
        %parallel_loop3A_359 = arith.constant 0 : i32
        %parallel_loop3A_360 = arith.cmpi ne, %parallel_loop3A_358, %parallel_loop3A_359 : i32
        %parallel_loop3A_361 = arith.andi %parallel_loop3A_357, %parallel_loop3A_360 : i1
        %parallel_loop3A_362 = arith.constant 1 : i32
        %parallel_loop3A_363 = arith.subi %parallel_loop3A_342, %parallel_loop3A_362 : i32
        %parallel_loop3A_364 = arith.select %parallel_loop3A_361, %parallel_loop3A_363, %parallel_loop3A_342 : i32
        %parallel_loop3A_365 = arith.constant 8 : i32
        %parallel_loop3A_366 = arith.remsi %parallel_loop3A_338, %parallel_loop3A_365 : i32
        %parallel_loop3A_367 = tpu.vector_load_idx %arg8[%add3A_3, %parallel_loop3A_339] : memref<128x32xf32, #tpu.memory_space<vmem>>[vector<16xi32>, vector<16xi32>], vector<16xf32>,
        %parallel_loop3A_368 = arith.addf %parallel_loop3A_367, %parallel_loop3A_340 : vector<16xf32>
        %parallel_loop3A_369 = arith.index_cast %parallel_loop3A_364 : i32 to index
        %parallel_loop3A_370 = arith.index_cast %parallel_loop3A_366 : i32 to index
        %parallel_loop3A_371 = arith.constant 0 : index
        %parallel_loop3A_372 = tpu.vector_load %arg12[%parallel_loop3A_369, %parallel_loop3A_370, %parallel_loop3A_371] {strides = array<i32>} : memref<4x8x128xf32, #tpu.memory_space<vmem>>, vector<16xf32>,
        tpu.vector_store %arg12[%parallel_loop3A_369, %parallel_loop3A_370, %parallel_loop3A_371], %parallel_loop3A_368 {strides = array<i32>} : memref<4x8x128xf32, #tpu.memory_space<vmem>>, vector<16xf32>,
        %parallel_loop3A_373 = tpu.vector_load_idx %arg8[%add3A_6, %parallel_loop3A_339] : memref<128x32xf32, #tpu.memory_space<vmem>>[vector<16xi32>, vector<16xi32>], vector<16xf32>,
        %parallel_loop3A_374 = arith.addf %parallel_loop3A_373, %parallel_loop3A_340 : vector<16xf32>
        %parallel_loop3A_375 = arith.index_cast %parallel_loop3A_364 : i32 to index
        %parallel_loop3A_376 = arith.index_cast %parallel_loop3A_366 : i32 to index
        %parallel_loop3A_377 = arith.constant 16 : index
        %parallel_loop3A_378 = tpu.vector_load %arg12[%parallel_loop3A_375, %parallel_loop3A_376, %parallel_loop3A_377] {strides = array<i32>} : memref<4x8x128xf32, #tpu.memory_space<vmem>>, vector<16xf32>,
        tpu.vector_store %arg12[%parallel_loop3A_375, %parallel_loop3A_376, %parallel_loop3A_377], %parallel_loop3A_374 {strides = array<i32>} : memref<4x8x128xf32, #tpu.memory_space<vmem>>, vector<16xf32>,
        %parallel_loop3A_379 = tpu.vector_load_idx %arg8[%add3A_9, %parallel_loop3A_339] : memref<128x32xf32, #tpu.memory_space<vmem>>[vector<16xi32>, vector<16xi32>], vector<16xf32>,
        %parallel_loop3A_380 = arith.addf %parallel_loop3A_379, %parallel_loop3A_340 : vector<16xf32>
        %parallel_loop3A_381 = arith.index_cast %parallel_loop3A_364 : i32 to index
        %parallel_loop3A_382 = arith.index_cast %parallel_loop3A_366 : i32 to index
        %parallel_loop3A_383 = arith.constant 32 : index
        %parallel_loop3A_384 = tpu.vector_load %arg12[%parallel_loop3A_381, %parallel_loop3A_382, %parallel_loop3A_383] {strides = array<i32>} : memref<4x8x128xf32, #tpu.memory_space<vmem>>, vector<16xf32>,
        tpu.vector_store %arg12[%parallel_loop3A_381, %parallel_loop3A_382, %parallel_loop3A_383], %parallel_loop3A_380 {strides = array<i32>} : memref<4x8x128xf32, #tpu.memory_space<vmem>>, vector<16xf32>,
        %parallel_loop3A_385 = tpu.vector_load_idx %arg8[%add3A_12, %parallel_loop3A_339] : memref<128x32xf32, #tpu.memory_space<vmem>>[vector<16xi32>, vector<16xi32>], vector<16xf32>,
        %parallel_loop3A_386 = arith.addf %parallel_loop3A_385, %parallel_loop3A_340 : vector<16xf32>
        %parallel_loop3A_387 = arith.index_cast %parallel_loop3A_364 : i32 to index
        %parallel_loop3A_388 = arith.index_cast %parallel_loop3A_366 : i32 to index
        %parallel_loop3A_389 = arith.constant 48 : index
        %parallel_loop3A_390 = tpu.vector_load %arg12[%parallel_loop3A_387, %parallel_loop3A_388, %parallel_loop3A_389] {strides = array<i32>} : memref<4x8x128xf32, #tpu.memory_space<vmem>>, vector<16xf32>,
        tpu.vector_store %arg12[%parallel_loop3A_387, %parallel_loop3A_388, %parallel_loop3A_389], %parallel_loop3A_386 {strides = array<i32>} : memref<4x8x128xf32, #tpu.memory_space<vmem>>, vector<16xf32>,
        %parallel_loop3A_391 = tpu.vector_load_idx %arg8[%add3A_15, %parallel_loop3A_339] : memref<128x32xf32, #tpu.memory_space<vmem>>[vector<16xi32>, vector<16xi32>], vector<16xf32>,
        %parallel_loop3A_392 = arith.addf %parallel_loop3A_391, %parallel_loop3A_340 : vector<16xf32>
        %parallel_loop3A_393 = arith.index_cast %parallel_loop3A_364 : i32 to index
        %parallel_loop3A_394 = arith.index_cast %parallel_loop3A_366 : i32 to index
        %parallel_loop3A_395 = arith.constant 64 : index
        %parallel_loop3A_396 = tpu.vector_load %arg12[%parallel_loop3A_393, %parallel_loop3A_394, %parallel_loop3A_395] {strides = array<i32>} : memref<4x8x128xf32, #tpu.memory_space<vmem>>, vector<16xf32>,
        tpu.vector_store %arg12[%parallel_loop3A_393, %parallel_loop3A_394, %parallel_loop3A_395], %parallel_loop3A_392 {strides = array<i32>} : memref<4x8x128xf32, #tpu.memory_space<vmem>>, vector<16xf32>,
        %parallel_loop3A_397 = tpu.vector_load_idx %arg8[%add3A_18, %parallel_loop3A_339] : memref<128x32xf32, #tpu.memory_space<vmem>>[vector<16xi32>, vector<16xi32>], vector<16xf32>,
        %parallel_loop3A_398 = arith.addf %parallel_loop3A_397, %parallel_loop3A_340 : vector<16xf32>
        %parallel_loop3A_399 = arith.index_cast %parallel_loop3A_364 : i32 to index
        %parallel_loop3A_400 = arith.index_cast %parallel_loop3A_366 : i32 to index
        %parallel_loop3A_401 = arith.constant 80 : index
        %parallel_loop3A_402 = tpu.vector_load %arg12[%parallel_loop3A_399, %parallel_loop3A_400, %parallel_loop3A_401] {strides = array<i32>} : memref<4x8x128xf32, #tpu.memory_space<vmem>>, vector<16xf32>,
        tpu.vector_store %arg12[%parallel_loop3A_399, %parallel_loop3A_400, %parallel_loop3A_401], %parallel_loop3A_398 {strides = array<i32>} : memref<4x8x128xf32, #tpu.memory_space<vmem>>, vector<16xf32>,
        %parallel_loop3A_403 = tpu.vector_load_idx %arg8[%add3A_21, %parallel_loop3A_339] : memref<128x32xf32, #tpu.memory_space<vmem>>[vector<16xi32>, vector<16xi32>], vector<16xf32>,
        %parallel_loop3A_404 = arith.addf %parallel_loop3A_403, %parallel_loop3A_340 : vector<16xf32>
        %parallel_loop3A_405 = arith.index_cast %parallel_loop3A_364 : i32 to index
        %parallel_loop3A_406 = arith.index_cast %parallel_loop3A_366 : i32 to index
        %parallel_loop3A_407 = arith.constant 96 : index
        %parallel_loop3A_408 = tpu.vector_load %arg12[%parallel_loop3A_405, %parallel_loop3A_406, %parallel_loop3A_407] {strides = array<i32>} : memref<4x8x128xf32, #tpu.memory_space<vmem>>, vector<16xf32>,
        tpu.vector_store %arg12[%parallel_loop3A_405, %parallel_loop3A_406, %parallel_loop3A_407], %parallel_loop3A_404 {strides = array<i32>} : memref<4x8x128xf32, #tpu.memory_space<vmem>>, vector<16xf32>,
        %parallel_loop3A_409 = tpu.vector_load_idx %arg8[%add3A_24, %parallel_loop3A_339] : memref<128x32xf32, #tpu.memory_space<vmem>>[vector<16xi32>, vector<16xi32>], vector<16xf32>,
        %parallel_loop3A_410 = arith.addf %parallel_loop3A_409, %parallel_loop3A_340 : vector<16xf32>
        %parallel_loop3A_411 = arith.index_cast %parallel_loop3A_364 : i32 to index
        %parallel_loop3A_412 = arith.index_cast %parallel_loop3A_366 : i32 to index
        %parallel_loop3A_413 = arith.constant 112 : index
        %parallel_loop3A_414 = tpu.vector_load %arg12[%parallel_loop3A_411, %parallel_loop3A_412, %parallel_loop3A_413] {strides = array<i32>} : memref<4x8x128xf32, #tpu.memory_space<vmem>>, vector<16xf32>,
        tpu.vector_store %arg12[%parallel_loop3A_411, %parallel_loop3A_412, %parallel_loop3A_413], %parallel_loop3A_410 {strides = array<i32>} : memref<4x8x128xf32, #tpu.memory_space<vmem>>, vector<16xf32>,
      } {sc.loop_unroll_factor = 16 : i64, sc.parallel_access}
      %dma_start3A_222 = arith.constant 0 : i32
      %dma_start3A_223 = arith.constant 0 : i32
      %dma_start3A_224 = arith.constant 0 : i32
      %dma_start3A_225 = tpu.memref_slice %arg5[%add3A_211, %dma_start3A_222, %add3A, %dma_start3A_223, %dma_start3A_224] : memref<200x4x32x8x128xf32, #tpu.memory_space<hbm>> -> memref<1x4x1x8x128xf32, #tpu.memory_space<hbm>>
      %dma_start3A_226 = tpu.memref_squeeze %dma_start3A_225 : memref<1x4x1x8x128xf32, #tpu.memory_space<hbm>> -> memref<4x8x128xf32, #tpu.memory_space<hbm>>
      %dma_start3A_227 = arith.constant 0 : i32
      %dma_start3A_228 = arith.constant 0 : i32
      %dma_start3A_229 = arith.constant 0 : i32
      %dma_start3A_230 = tpu.memref_slice %arg5[%add3A_211, %dma_start3A_227, %add3A, %dma_start3A_228, %dma_start3A_229] : memref<200x4x32x8x128xf32, #tpu.memory_space<hbm>> -> memref<1x4x1x8x128xf32, #tpu.memory_space<hbm>>
      %dma_start3A_231 = tpu.memref_squeeze %dma_start3A_230 : memref<1x4x1x8x128xf32, #tpu.memory_space<hbm>> -> memref<4x8x128xf32, #tpu.memory_space<hbm>>
      tpu.enqueue_dma source(%arg12 : memref<4x8x128xf32, #tpu.memory_space<vmem>>) target(%dma_start3A_231 : memref<4x8x128xf32, #tpu.memory_space<hbm>>) target_semaphore(%arg20 : memref<!tpu.dma_semaphore, #tpu.memory_space<semaphore_mem>>)
      %lt3A = arith.constant 49 : i32
      %lt3A_232 = arith.cmpi slt, %add3A_207, %lt3A : i32
      %convert_element_type3A_233 = arith.extui %lt3A_232 : i1 to i32
      %cond3A_234 = arith.constant 0 : i32
      %cond3A_235 = arith.cmpi ne, %convert_element_type3A_233, %cond3A_234 : i32
      scf.if %cond3A_235 {
        %add3A_338 = arith.constant 4 : i32
        %add3A_339 = arith.addi %add3A_211, %add3A_338 : i32
        %jit3A_340 = arith.constant 8 : i32
        %div3A_341 = arith.divsi %add3A_339, %jit3A_340 : i32
        %sign3A_342 = arith.constant 0 : i32
        %sign3A_343 = arith.cmpi sgt, %add3A_339, %sign3A_342 : i32
        %sign3A_344 = arith.extui %sign3A_343 : i1 to i32
        %sign3A_345 = arith.constant 0 : i32
        %sign3A_346 = arith.cmpi slt, %add3A_339, %sign3A_345 : i32
        %sign3A_347 = arith.extui %sign3A_346 : i1 to i32
        %sign3A_348 = arith.subi %sign3A_344, %sign3A_347 : i32
        %sign3A_349 = arith.constant 0 : i32
        %sign3A_350 = arith.cmpi sgt, %jit3A_340, %sign3A_349 : i32
        %sign3A_351 = arith.extui %sign3A_350 : i1 to i32
        %sign3A_352 = arith.constant 0 : i32
        %sign3A_353 = arith.cmpi slt, %jit3A_340, %sign3A_352 : i32
        %sign3A_354 = arith.extui %sign3A_353 : i1 to i32
        %sign3A_355 = arith.subi %sign3A_351, %sign3A_354 : i32
        %ne3A_356 = arith.cmpi ne, %sign3A_348, %sign3A_355 : i32
        %rem3A_357 = arith.remsi %add3A_339, %jit3A_340 : i32
        %ne3A_358 = arith.constant 0 : i32
        %ne3A_359 = arith.cmpi ne, %rem3A_357, %ne3A_358 : i32
        %and3A_360 = arith.andi %ne3A_356, %ne3A_359 : i1
        %sub3A_361 = arith.constant 1 : i32
        %sub3A_362 = arith.subi %div3A_341, %sub3A_361 : i32
        %select_n3A_363 = arith.select %and3A_360, %sub3A_362, %div3A_341 : i32
        %rem3A_364 = arith.constant 8 : i32
        %rem3A_365 = arith.remsi %add3A_339, %rem3A_364 : i32
        %dma_start3A_366 = arith.constant 0 : i32
        %dma_start3A_367 = tpu.memref_slice %arg6[%select_n3A_363, %rem3A_365, %dma_start3A_366] : memref<25x8x128xi32, #tpu.memory_space<vmem>> -> memref<1x1x128xi32, #tpu.memory_space<vmem>>
        %dma_start3A_368 = tpu.memref_squeeze %dma_start3A_367 : memref<1x1x128xi32, #tpu.memory_space<vmem>> -> memref<128xi32, #tpu.memory_space<vmem>>
        %dma_start3A_369 = arith.constant 0 : i32
        %dma_start3A_370 = arith.constant 0 : i32
        %dma_start3A_371 = tpu.memref_slice %arg3[%dma_start3A_369, %dma_start3A_370] : memref<1000000x32xf32, #tpu.memory_space<hbm>> -> memref<1000000x32xf32, #tpu.memory_space<hbm>>
        tpu.enqueue_indirect_dma source(%dma_start3A_371 : memref<1000000x32xf32, #tpu.memory_space<hbm>>) target(%arg8 : memref<128x32xf32, #tpu.memory_space<vmem>>) offsets(%dma_start3A_368 : memref<128xi32, #tpu.memory_space<vmem>>) semaphore(%arg16 : memref<!tpu.dma_semaphore, #tpu.memory_space<semaphore_mem>>)
      } else {
      }
      %mul3A_236 = arith.constant 4 : i32
      %mul3A_237 = arith.muli %add3A_207, %mul3A_236 : i32
      %add3A_238 = arith.constant 1 : i32
      %add3A_239 = arith.addi %mul3A_237, %add3A_238 : i32
      %dma_wait3A_240 = arith.constant 0 : i32
      %dma_wait3A_241 = arith.constant 0 : i32
      %dma_wait3A_242 = tpu.memref_slice %arg3[%dma_wait3A_240, %dma_wait3A_241] : memref<1000000x32xf32, #tpu.memory_space<hbm>> -> memref<128x32xf32, #tpu.memory_space<hbm>>
      %dma_wait3A_243 = arith.constant 0 : i32
      %dma_wait3A_244 = arith.constant 0 : i32
      %dma_wait3A_245 = tpu.memref_slice %arg3[%dma_wait3A_243, %dma_wait3A_244] : memref<1000000x32xf32, #tpu.memory_space<hbm>> -> memref<128x32xf32, #tpu.memory_space<hbm>>
      tpu.wait_dma2 semaphore(%arg17 : memref<!tpu.dma_semaphore, #tpu.memory_space<semaphore_mem>>) src(%dma_wait3A_245 : memref<128x32xf32, #tpu.memory_space<hbm>>) dst(%arg9 : memref<128x32xf32, #tpu.memory_space<vmem>>)
      %gt3A_246 = arith.constant 0 : i32
      %gt3A_247 = arith.cmpi sgt, %add3A_207, %gt3A_246 : i32
      %convert_element_type3A_248 = arith.extui %gt3A_247 : i1 to i32
      %cond3A_249 = arith.constant 0 : i32
      %cond3A_250 = arith.cmpi ne, %convert_element_type3A_248, %cond3A_249 : i32
      scf.if %cond3A_250 {
        %dma_wait3A_338 = arith.constant 0 : i32
        %dma_wait3A_339 = arith.constant 0 : i32
        %dma_wait3A_340 = arith.constant 0 : i32
        %dma_wait3A_341 = arith.constant 0 : i32
        %dma_wait3A_342 = arith.constant 0 : i32
        %dma_wait3A_343 = tpu.memref_slice %arg5[%dma_wait3A_338, %dma_wait3A_340, %dma_wait3A_339, %dma_wait3A_341, %dma_wait3A_342] : memref<200x4x32x8x128xf32, #tpu.memory_space<hbm>> -> memref<1x4x1x8x128xf32, #tpu.memory_space<hbm>>
        %dma_wait3A_344 = tpu.memref_squeeze %dma_wait3A_343 : memref<1x4x1x8x128xf32, #tpu.memory_space<hbm>> -> memref<4x8x128xf32, #tpu.memory_space<hbm>>
        %dma_wait3A_345 = arith.constant 0 : i32
        %dma_wait3A_346 = arith.constant 0 : i32
        %dma_wait3A_347 = arith.constant 0 : i32
        %dma_wait3A_348 = tpu.memref_slice %arg5[%dma_wait3A_338, %dma_wait3A_345, %dma_wait3A_339, %dma_wait3A_346, %dma_wait3A_347] : memref<200x4x32x8x128xf32, #tpu.memory_space<hbm>> -> memref<1x4x1x8x128xf32, #tpu.memory_space<hbm>>
        %dma_wait3A_349 = tpu.memref_squeeze %dma_wait3A_348 : memref<1x4x1x8x128xf32, #tpu.memory_space<hbm>> -> memref<4x8x128xf32, #tpu.memory_space<hbm>>
        tpu.wait_dma2 semaphore(%arg21 : memref<!tpu.dma_semaphore, #tpu.memory_space<semaphore_mem>>) src(%arg13 : memref<4x8x128xf32, #tpu.memory_space<vmem>>) dst(%dma_wait3A_349 : memref<4x8x128xf32, #tpu.memory_space<hbm>>)
      } else {
      }
      %broadcast_in_dim3A_251 = vector.broadcast %add3A_239 : i32 to vector<16xi32>
      %parallel_loop3A_252 = arith.constant 0 : i32
      %parallel_loop3A_253 = arith.constant 32 : i32
      %parallel_loop3A_254 = arith.constant 1 : i32
      scf.for %parallel_loop3A_338 = %parallel_loop3A_252 to %parallel_loop3A_253 step %parallel_loop3A_254  : i32 {
        %parallel_loop3A_339 = vector.broadcast %parallel_loop3A_338 : i32 to vector<16xi32>
        %parallel_loop3A_340 = tpu.vector_load_idx %arg7[%broadcast_in_dim3A_251, %parallel_loop3A_339] : memref<200x32xf32, #tpu.memory_space<vmem>>[vector<16xi32>, vector<16xi32>], vector<16xf32>,
        %parallel_loop3A_341 = arith.constant 8 : i32
        %parallel_loop3A_342 = arith.divsi %parallel_loop3A_338, %parallel_loop3A_341 : i32
        %parallel_loop3A_343 = arith.constant 0 : i32
        %parallel_loop3A_344 = arith.cmpi sgt, %parallel_loop3A_338, %parallel_loop3A_343 : i32
        %parallel_loop3A_345 = arith.extui %parallel_loop3A_344 : i1 to i32
        %parallel_loop3A_346 = arith.constant 0 : i32
        %parallel_loop3A_347 = arith.cmpi slt, %parallel_loop3A_338, %parallel_loop3A_346 : i32
        %parallel_loop3A_348 = arith.extui %parallel_loop3A_347 : i1 to i32
        %parallel_loop3A_349 = arith.subi %parallel_loop3A_345, %parallel_loop3A_348 : i32
        %parallel_loop3A_350 = arith.constant 0 : i32
        %parallel_loop3A_351 = arith.cmpi sgt, %parallel_loop3A_341, %parallel_loop3A_350 : i32
        %parallel_loop3A_352 = arith.extui %parallel_loop3A_351 : i1 to i32
        %parallel_loop3A_353 = arith.constant 0 : i32
        %parallel_loop3A_354 = arith.cmpi slt, %parallel_loop3A_341, %parallel_loop3A_353 : i32
        %parallel_loop3A_355 = arith.extui %parallel_loop3A_354 : i1 to i32
        %parallel_loop3A_356 = arith.subi %parallel_loop3A_352, %parallel_loop3A_355 : i32
        %parallel_loop3A_357 = arith.cmpi ne, %parallel_loop3A_349, %parallel_loop3A_356 : i32
        %parallel_loop3A_358 = arith.remsi %parallel_loop3A_338, %parallel_loop3A_341 : i32
        %parallel_loop3A_359 = arith.constant 0 : i32
        %parallel_loop3A_360 = arith.cmpi ne, %parallel_loop3A_358, %parallel_loop3A_359 : i32
        %parallel_loop3A_361 = arith.andi %parallel_loop3A_357, %parallel_loop3A_360 : i1
        %parallel_loop3A_362 = arith.constant 1 : i32
        %parallel_loop3A_363 = arith.subi %parallel_loop3A_342, %parallel_loop3A_362 : i32
        %parallel_loop3A_364 = arith.select %parallel_loop3A_361, %parallel_loop3A_363, %parallel_loop3A_342 : i32
        %parallel_loop3A_365 = arith.constant 8 : i32
        %parallel_loop3A_366 = arith.remsi %parallel_loop3A_338, %parallel_loop3A_365 : i32
        %parallel_loop3A_367 = tpu.vector_load_idx %arg9[%add3A_3, %parallel_loop3A_339] : memref<128x32xf32, #tpu.memory_space<vmem>>[vector<16xi32>, vector<16xi32>], vector<16xf32>,
        %parallel_loop3A_368 = arith.addf %parallel_loop3A_367, %parallel_loop3A_340 : vector<16xf32>
        %parallel_loop3A_369 = arith.index_cast %parallel_loop3A_364 : i32 to index
        %parallel_loop3A_370 = arith.index_cast %parallel_loop3A_366 : i32 to index
        %parallel_loop3A_371 = arith.constant 0 : index
        %parallel_loop3A_372 = tpu.vector_load %arg13[%parallel_loop3A_369, %parallel_loop3A_370, %parallel_loop3A_371] {strides = array<i32>} : memref<4x8x128xf32, #tpu.memory_space<vmem>>, vector<16xf32>,
        tpu.vector_store %arg13[%parallel_loop3A_369, %parallel_loop3A_370, %parallel_loop3A_371], %parallel_loop3A_368 {strides = array<i32>} : memref<4x8x128xf32, #tpu.memory_space<vmem>>, vector<16xf32>,
        %parallel_loop3A_373 = tpu.vector_load_idx %arg9[%add3A_6, %parallel_loop3A_339] : memref<128x32xf32, #tpu.memory_space<vmem>>[vector<16xi32>, vector<16xi32>], vector<16xf32>,
        %parallel_loop3A_374 = arith.addf %parallel_loop3A_373, %parallel_loop3A_340 : vector<16xf32>
        %parallel_loop3A_375 = arith.index_cast %parallel_loop3A_364 : i32 to index
        %parallel_loop3A_376 = arith.index_cast %parallel_loop3A_366 : i32 to index
        %parallel_loop3A_377 = arith.constant 16 : index
        %parallel_loop3A_378 = tpu.vector_load %arg13[%parallel_loop3A_375, %parallel_loop3A_376, %parallel_loop3A_377] {strides = array<i32>} : memref<4x8x128xf32, #tpu.memory_space<vmem>>, vector<16xf32>,
        tpu.vector_store %arg13[%parallel_loop3A_375, %parallel_loop3A_376, %parallel_loop3A_377], %parallel_loop3A_374 {strides = array<i32>} : memref<4x8x128xf32, #tpu.memory_space<vmem>>, vector<16xf32>,
        %parallel_loop3A_379 = tpu.vector_load_idx %arg9[%add3A_9, %parallel_loop3A_339] : memref<128x32xf32, #tpu.memory_space<vmem>>[vector<16xi32>, vector<16xi32>], vector<16xf32>,
        %parallel_loop3A_380 = arith.addf %parallel_loop3A_379, %parallel_loop3A_340 : vector<16xf32>
        %parallel_loop3A_381 = arith.index_cast %parallel_loop3A_364 : i32 to index
        %parallel_loop3A_382 = arith.index_cast %parallel_loop3A_366 : i32 to index
        %parallel_loop3A_383 = arith.constant 32 : index
        %parallel_loop3A_384 = tpu.vector_load %arg13[%parallel_loop3A_381, %parallel_loop3A_382, %parallel_loop3A_383] {strides = array<i32>} : memref<4x8x128xf32, #tpu.memory_space<vmem>>, vector<16xf32>,
        tpu.vector_store %arg13[%parallel_loop3A_381, %parallel_loop3A_382, %parallel_loop3A_383], %parallel_loop3A_380 {strides = array<i32>} : memref<4x8x128xf32, #tpu.memory_space<vmem>>, vector<16xf32>,
        %parallel_loop3A_385 = tpu.vector_load_idx %arg9[%add3A_12, %parallel_loop3A_339] : memref<128x32xf32, #tpu.memory_space<vmem>>[vector<16xi32>, vector<16xi32>], vector<16xf32>,
        %parallel_loop3A_386 = arith.addf %parallel_loop3A_385, %parallel_loop3A_340 : vector<16xf32>
        %parallel_loop3A_387 = arith.index_cast %parallel_loop3A_364 : i32 to index
        %parallel_loop3A_388 = arith.index_cast %parallel_loop3A_366 : i32 to index
        %parallel_loop3A_389 = arith.constant 48 : index
        %parallel_loop3A_390 = tpu.vector_load %arg13[%parallel_loop3A_387, %parallel_loop3A_388, %parallel_loop3A_389] {strides = array<i32>} : memref<4x8x128xf32, #tpu.memory_space<vmem>>, vector<16xf32>,
        tpu.vector_store %arg13[%parallel_loop3A_387, %parallel_loop3A_388, %parallel_loop3A_389], %parallel_loop3A_386 {strides = array<i32>} : memref<4x8x128xf32, #tpu.memory_space<vmem>>, vector<16xf32>,
        %parallel_loop3A_391 = tpu.vector_load_idx %arg9[%add3A_15, %parallel_loop3A_339] : memref<128x32xf32, #tpu.memory_space<vmem>>[vector<16xi32>, vector<16xi32>], vector<16xf32>,
        %parallel_loop3A_392 = arith.addf %parallel_loop3A_391, %parallel_loop3A_340 : vector<16xf32>
        %parallel_loop3A_393 = arith.index_cast %parallel_loop3A_364 : i32 to index
        %parallel_loop3A_394 = arith.index_cast %parallel_loop3A_366 : i32 to index
        %parallel_loop3A_395 = arith.constant 64 : index
        %parallel_loop3A_396 = tpu.vector_load %arg13[%parallel_loop3A_393, %parallel_loop3A_394, %parallel_loop3A_395] {strides = array<i32>} : memref<4x8x128xf32, #tpu.memory_space<vmem>>, vector<16xf32>,
        tpu.vector_store %arg13[%parallel_loop3A_393, %parallel_loop3A_394, %parallel_loop3A_395], %parallel_loop3A_392 {strides = array<i32>} : memref<4x8x128xf32, #tpu.memory_space<vmem>>, vector<16xf32>,
        %parallel_loop3A_397 = tpu.vector_load_idx %arg9[%add3A_18, %parallel_loop3A_339] : memref<128x32xf32, #tpu.memory_space<vmem>>[vector<16xi32>, vector<16xi32>], vector<16xf32>,
        %parallel_loop3A_398 = arith.addf %parallel_loop3A_397, %parallel_loop3A_340 : vector<16xf32>
        %parallel_loop3A_399 = arith.index_cast %parallel_loop3A_364 : i32 to index
        %parallel_loop3A_400 = arith.index_cast %parallel_loop3A_366 : i32 to index
        %parallel_loop3A_401 = arith.constant 80 : index
        %parallel_loop3A_402 = tpu.vector_load %arg13[%parallel_loop3A_399, %parallel_loop3A_400, %parallel_loop3A_401] {strides = array<i32>} : memref<4x8x128xf32, #tpu.memory_space<vmem>>, vector<16xf32>,
        tpu.vector_store %arg13[%parallel_loop3A_399, %parallel_loop3A_400, %parallel_loop3A_401], %parallel_loop3A_398 {strides = array<i32>} : memref<4x8x128xf32, #tpu.memory_space<vmem>>, vector<16xf32>,
        %parallel_loop3A_403 = tpu.vector_load_idx %arg9[%add3A_21, %parallel_loop3A_339] : memref<128x32xf32, #tpu.memory_space<vmem>>[vector<16xi32>, vector<16xi32>], vector<16xf32>,
        %parallel_loop3A_404 = arith.addf %parallel_loop3A_403, %parallel_loop3A_340 : vector<16xf32>
        %parallel_loop3A_405 = arith.index_cast %parallel_loop3A_364 : i32 to index
        %parallel_loop3A_406 = arith.index_cast %parallel_loop3A_366 : i32 to index
        %parallel_loop3A_407 = arith.constant 96 : index
        %parallel_loop3A_408 = tpu.vector_load %arg13[%parallel_loop3A_405, %parallel_loop3A_406, %parallel_loop3A_407] {strides = array<i32>} : memref<4x8x128xf32, #tpu.memory_space<vmem>>, vector<16xf32>,
        tpu.vector_store %arg13[%parallel_loop3A_405, %parallel_loop3A_406, %parallel_loop3A_407], %parallel_loop3A_404 {strides = array<i32>} : memref<4x8x128xf32, #tpu.memory_space<vmem>>, vector<16xf32>,
        %parallel_loop3A_409 = tpu.vector_load_idx %arg9[%add3A_24, %parallel_loop3A_339] : memref<128x32xf32, #tpu.memory_space<vmem>>[vector<16xi32>, vector<16xi32>], vector<16xf32>,
        %parallel_loop3A_410 = arith.addf %parallel_loop3A_409, %parallel_loop3A_340 : vector<16xf32>
        %parallel_loop3A_411 = arith.index_cast %parallel_loop3A_364 : i32 to index
        %parallel_loop3A_412 = arith.index_cast %parallel_loop3A_366 : i32 to index
        %parallel_loop3A_413 = arith.constant 112 : index
        %parallel_loop3A_414 = tpu.vector_load %arg13[%parallel_loop3A_411, %parallel_loop3A_412, %parallel_loop3A_413] {strides = array<i32>} : memref<4x8x128xf32, #tpu.memory_space<vmem>>, vector<16xf32>,
        tpu.vector_store %arg13[%parallel_loop3A_411, %parallel_loop3A_412, %parallel_loop3A_413], %parallel_loop3A_410 {strides = array<i32>} : memref<4x8x128xf32, #tpu.memory_space<vmem>>, vector<16xf32>,
      } {sc.loop_unroll_factor = 16 : i64, sc.parallel_access}
      %dma_start3A_255 = arith.constant 0 : i32
      %dma_start3A_256 = arith.constant 0 : i32
      %dma_start3A_257 = arith.constant 0 : i32
      %dma_start3A_258 = tpu.memref_slice %arg5[%add3A_239, %dma_start3A_255, %add3A, %dma_start3A_256, %dma_start3A_257] : memref<200x4x32x8x128xf32, #tpu.memory_space<hbm>> -> memref<1x4x1x8x128xf32, #tpu.memory_space<hbm>>
      %dma_start3A_259 = tpu.memref_squeeze %dma_start3A_258 : memref<1x4x1x8x128xf32, #tpu.memory_space<hbm>> -> memref<4x8x128xf32, #tpu.memory_space<hbm>>
      %dma_start3A_260 = arith.constant 0 : i32
      %dma_start3A_261 = arith.constant 0 : i32
      %dma_start3A_262 = arith.constant 0 : i32
      %dma_start3A_263 = tpu.memref_slice %arg5[%add3A_239, %dma_start3A_260, %add3A, %dma_start3A_261, %dma_start3A_262] : memref<200x4x32x8x128xf32, #tpu.memory_space<hbm>> -> memref<1x4x1x8x128xf32, #tpu.memory_space<hbm>>
      %dma_start3A_264 = tpu.memref_squeeze %dma_start3A_263 : memref<1x4x1x8x128xf32, #tpu.memory_space<hbm>> -> memref<4x8x128xf32, #tpu.memory_space<hbm>>
      tpu.enqueue_dma source(%arg13 : memref<4x8x128xf32, #tpu.memory_space<vmem>>) target(%dma_start3A_264 : memref<4x8x128xf32, #tpu.memory_space<hbm>>) target_semaphore(%arg21 : memref<!tpu.dma_semaphore, #tpu.memory_space<semaphore_mem>>)
      %lt3A_265 = arith.constant 49 : i32
      %lt3A_266 = arith.cmpi slt, %add3A_207, %lt3A_265 : i32
      %convert_element_type3A_267 = arith.extui %lt3A_266 : i1 to i32
      %cond3A_268 = arith.constant 0 : i32
      %cond3A_269 = arith.cmpi ne, %convert_element_type3A_267, %cond3A_268 : i32
      scf.if %cond3A_269 {
        %add3A_338 = arith.constant 4 : i32
        %add3A_339 = arith.addi %add3A_239, %add3A_338 : i32
        %jit3A_340 = arith.constant 8 : i32
        %div3A_341 = arith.divsi %add3A_339, %jit3A_340 : i32
        %sign3A_342 = arith.constant 0 : i32
        %sign3A_343 = arith.cmpi sgt, %add3A_339, %sign3A_342 : i32
        %sign3A_344 = arith.extui %sign3A_343 : i1 to i32
        %sign3A_345 = arith.constant 0 : i32
        %sign3A_346 = arith.cmpi slt, %add3A_339, %sign3A_345 : i32
        %sign3A_347 = arith.extui %sign3A_346 : i1 to i32
        %sign3A_348 = arith.subi %sign3A_344, %sign3A_347 : i32
        %sign3A_349 = arith.constant 0 : i32
        %sign3A_350 = arith.cmpi sgt, %jit3A_340, %sign3A_349 : i32
        %sign3A_351 = arith.extui %sign3A_350 : i1 to i32
        %sign3A_352 = arith.constant 0 : i32
        %sign3A_353 = arith.cmpi slt, %jit3A_340, %sign3A_352 : i32
        %sign3A_354 = arith.extui %sign3A_353 : i1 to i32
        %sign3A_355 = arith.subi %sign3A_351, %sign3A_354 : i32
        %ne3A_356 = arith.cmpi ne, %sign3A_348, %sign3A_355 : i32
        %rem3A_357 = arith.remsi %add3A_339, %jit3A_340 : i32
        %ne3A_358 = arith.constant 0 : i32
        %ne3A_359 = arith.cmpi ne, %rem3A_357, %ne3A_358 : i32
        %and3A_360 = arith.andi %ne3A_356, %ne3A_359 : i1
        %sub3A_361 = arith.constant 1 : i32
        %sub3A_362 = arith.subi %div3A_341, %sub3A_361 : i32
        %select_n3A_363 = arith.select %and3A_360, %sub3A_362, %div3A_341 : i32
        %rem3A_364 = arith.constant 8 : i32
        %rem3A_365 = arith.remsi %add3A_339, %rem3A_364 : i32
        %dma_start3A_366 = arith.constant 0 : i32
        %dma_start3A_367 = tpu.memref_slice %arg6[%select_n3A_363, %rem3A_365, %dma_start3A_366] : memref<25x8x128xi32, #tpu.memory_space<vmem>> -> memref<1x1x128xi32, #tpu.memory_space<vmem>>
        %dma_start3A_368 = tpu.memref_squeeze %dma_start3A_367 : memref<1x1x128xi32, #tpu.memory_space<vmem>> -> memref<128xi32, #tpu.memory_space<vmem>>
        %dma_start3A_369 = arith.constant 0 : i32
        %dma_start3A_370 = arith.constant 0 : i32
        %dma_start3A_371 = tpu.memref_slice %arg3[%dma_start3A_369, %dma_start3A_370] : memref<1000000x32xf32, #tpu.memory_space<hbm>> -> memref<1000000x32xf32, #tpu.memory_space<hbm>>
        tpu.enqueue_indirect_dma source(%dma_start3A_371 : memref<1000000x32xf32, #tpu.memory_space<hbm>>) target(%arg9 : memref<128x32xf32, #tpu.memory_space<vmem>>) offsets(%dma_start3A_368 : memref<128xi32, #tpu.memory_space<vmem>>) semaphore(%arg17 : memref<!tpu.dma_semaphore, #tpu.memory_space<semaphore_mem>>)
      } else {
      }
      %mul3A_270 = arith.constant 4 : i32
      %mul3A_271 = arith.muli %add3A_207, %mul3A_270 : i32
      %add3A_272 = arith.constant 2 : i32
      %add3A_273 = arith.addi %mul3A_271, %add3A_272 : i32
      %dma_wait3A_274 = arith.constant 0 : i32
      %dma_wait3A_275 = arith.constant 0 : i32
      %dma_wait3A_276 = tpu.memref_slice %arg3[%dma_wait3A_274, %dma_wait3A_275] : memref<1000000x32xf32, #tpu.memory_space<hbm>> -> memref<128x32xf32, #tpu.memory_space<hbm>>
      %dma_wait3A_277 = arith.constant 0 : i32
      %dma_wait3A_278 = arith.constant 0 : i32
      %dma_wait3A_279 = tpu.memref_slice %arg3[%dma_wait3A_277, %dma_wait3A_278] : memref<1000000x32xf32, #tpu.memory_space<hbm>> -> memref<128x32xf32, #tpu.memory_space<hbm>>
      tpu.wait_dma2 semaphore(%arg18 : memref<!tpu.dma_semaphore, #tpu.memory_space<semaphore_mem>>) src(%dma_wait3A_279 : memref<128x32xf32, #tpu.memory_space<hbm>>) dst(%arg10 : memref<128x32xf32, #tpu.memory_space<vmem>>)
      %gt3A_280 = arith.constant 0 : i32
      %gt3A_281 = arith.cmpi sgt, %add3A_207, %gt3A_280 : i32
      %convert_element_type3A_282 = arith.extui %gt3A_281 : i1 to i32
      %cond3A_283 = arith.constant 0 : i32
      %cond3A_284 = arith.cmpi ne, %convert_element_type3A_282, %cond3A_283 : i32
      scf.if %cond3A_284 {
        %dma_wait3A_338 = arith.constant 0 : i32
        %dma_wait3A_339 = arith.constant 0 : i32
        %dma_wait3A_340 = arith.constant 0 : i32
        %dma_wait3A_341 = arith.constant 0 : i32
        %dma_wait3A_342 = arith.constant 0 : i32
        %dma_wait3A_343 = tpu.memref_slice %arg5[%dma_wait3A_338, %dma_wait3A_340, %dma_wait3A_339, %dma_wait3A_341, %dma_wait3A_342] : memref<200x4x32x8x128xf32, #tpu.memory_space<hbm>> -> memref<1x4x1x8x128xf32, #tpu.memory_space<hbm>>
        %dma_wait3A_344 = tpu.memref_squeeze %dma_wait3A_343 : memref<1x4x1x8x128xf32, #tpu.memory_space<hbm>> -> memref<4x8x128xf32, #tpu.memory_space<hbm>>
        %dma_wait3A_345 = arith.constant 0 : i32
        %dma_wait3A_346 = arith.constant 0 : i32
        %dma_wait3A_347 = arith.constant 0 : i32
        %dma_wait3A_348 = tpu.memref_slice %arg5[%dma_wait3A_338, %dma_wait3A_345, %dma_wait3A_339, %dma_wait3A_346, %dma_wait3A_347] : memref<200x4x32x8x128xf32, #tpu.memory_space<hbm>> -> memref<1x4x1x8x128xf32, #tpu.memory_space<hbm>>
        %dma_wait3A_349 = tpu.memref_squeeze %dma_wait3A_348 : memref<1x4x1x8x128xf32, #tpu.memory_space<hbm>> -> memref<4x8x128xf32, #tpu.memory_space<hbm>>
        tpu.wait_dma2 semaphore(%arg22 : memref<!tpu.dma_semaphore, #tpu.memory_space<semaphore_mem>>) src(%arg14 : memref<4x8x128xf32, #tpu.memory_space<vmem>>) dst(%dma_wait3A_349 : memref<4x8x128xf32, #tpu.memory_space<hbm>>)
      } else {
      }
      %broadcast_in_dim3A_285 = vector.broadcast %add3A_273 : i32 to vector<16xi32>
      %parallel_loop3A_286 = arith.constant 0 : i32
      %parallel_loop3A_287 = arith.constant 32 : i32
      %parallel_loop3A_288 = arith.constant 1 : i32
      scf.for %parallel_loop3A_338 = %parallel_loop3A_286 to %parallel_loop3A_287 step %parallel_loop3A_288  : i32 {
        %parallel_loop3A_339 = vector.broadcast %parallel_loop3A_338 : i32 to vector<16xi32>
        %parallel_loop3A_340 = tpu.vector_load_idx %arg7[%broadcast_in_dim3A_285, %parallel_loop3A_339] : memref<200x32xf32, #tpu.memory_space<vmem>>[vector<16xi32>, vector<16xi32>], vector<16xf32>,
        %parallel_loop3A_341 = arith.constant 8 : i32
        %parallel_loop3A_342 = arith.divsi %parallel_loop3A_338, %parallel_loop3A_341 : i32
        %parallel_loop3A_343 = arith.constant 0 : i32
        %parallel_loop3A_344 = arith.cmpi sgt, %parallel_loop3A_338, %parallel_loop3A_343 : i32
        %parallel_loop3A_345 = arith.extui %parallel_loop3A_344 : i1 to i32
        %parallel_loop3A_346 = arith.constant 0 : i32
        %parallel_loop3A_347 = arith.cmpi slt, %parallel_loop3A_338, %parallel_loop3A_346 : i32
        %parallel_loop3A_348 = arith.extui %parallel_loop3A_347 : i1 to i32
        %parallel_loop3A_349 = arith.subi %parallel_loop3A_345, %parallel_loop3A_348 : i32
        %parallel_loop3A_350 = arith.constant 0 : i32
        %parallel_loop3A_351 = arith.cmpi sgt, %parallel_loop3A_341, %parallel_loop3A_350 : i32
        %parallel_loop3A_352 = arith.extui %parallel_loop3A_351 : i1 to i32
        %parallel_loop3A_353 = arith.constant 0 : i32
        %parallel_loop3A_354 = arith.cmpi slt, %parallel_loop3A_341, %parallel_loop3A_353 : i32
        %parallel_loop3A_355 = arith.extui %parallel_loop3A_354 : i1 to i32
        %parallel_loop3A_356 = arith.subi %parallel_loop3A_352, %parallel_loop3A_355 : i32
        %parallel_loop3A_357 = arith.cmpi ne, %parallel_loop3A_349, %parallel_loop3A_356 : i32
        %parallel_loop3A_358 = arith.remsi %parallel_loop3A_338, %parallel_loop3A_341 : i32
        %parallel_loop3A_359 = arith.constant 0 : i32
        %parallel_loop3A_360 = arith.cmpi ne, %parallel_loop3A_358, %parallel_loop3A_359 : i32
        %parallel_loop3A_361 = arith.andi %parallel_loop3A_357, %parallel_loop3A_360 : i1
        %parallel_loop3A_362 = arith.constant 1 : i32
        %parallel_loop3A_363 = arith.subi %parallel_loop3A_342, %parallel_loop3A_362 : i32
        %parallel_loop3A_364 = arith.select %parallel_loop3A_361, %parallel_loop3A_363, %parallel_loop3A_342 : i32
        %parallel_loop3A_365 = arith.constant 8 : i32
        %parallel_loop3A_366 = arith.remsi %parallel_loop3A_338, %parallel_loop3A_365 : i32
        %parallel_loop3A_367 = tpu.vector_load_idx %arg10[%add3A_3, %parallel_loop3A_339] : memref<128x32xf32, #tpu.memory_space<vmem>>[vector<16xi32>, vector<16xi32>], vector<16xf32>,
        %parallel_loop3A_368 = arith.addf %parallel_loop3A_367, %parallel_loop3A_340 : vector<16xf32>
        %parallel_loop3A_369 = arith.index_cast %parallel_loop3A_364 : i32 to index
        %parallel_loop3A_370 = arith.index_cast %parallel_loop3A_366 : i32 to index
        %parallel_loop3A_371 = arith.constant 0 : index
        %parallel_loop3A_372 = tpu.vector_load %arg14[%parallel_loop3A_369, %parallel_loop3A_370, %parallel_loop3A_371] {strides = array<i32>} : memref<4x8x128xf32, #tpu.memory_space<vmem>>, vector<16xf32>,
        tpu.vector_store %arg14[%parallel_loop3A_369, %parallel_loop3A_370, %parallel_loop3A_371], %parallel_loop3A_368 {strides = array<i32>} : memref<4x8x128xf32, #tpu.memory_space<vmem>>, vector<16xf32>,
        %parallel_loop3A_373 = tpu.vector_load_idx %arg10[%add3A_6, %parallel_loop3A_339] : memref<128x32xf32, #tpu.memory_space<vmem>>[vector<16xi32>, vector<16xi32>], vector<16xf32>,
        %parallel_loop3A_374 = arith.addf %parallel_loop3A_373, %parallel_loop3A_340 : vector<16xf32>
        %parallel_loop3A_375 = arith.index_cast %parallel_loop3A_364 : i32 to index
        %parallel_loop3A_376 = arith.index_cast %parallel_loop3A_366 : i32 to index
        %parallel_loop3A_377 = arith.constant 16 : index
        %parallel_loop3A_378 = tpu.vector_load %arg14[%parallel_loop3A_375, %parallel_loop3A_376, %parallel_loop3A_377] {strides = array<i32>} : memref<4x8x128xf32, #tpu.memory_space<vmem>>, vector<16xf32>,
        tpu.vector_store %arg14[%parallel_loop3A_375, %parallel_loop3A_376, %parallel_loop3A_377], %parallel_loop3A_374 {strides = array<i32>} : memref<4x8x128xf32, #tpu.memory_space<vmem>>, vector<16xf32>,
        %parallel_loop3A_379 = tpu.vector_load_idx %arg10[%add3A_9, %parallel_loop3A_339] : memref<128x32xf32, #tpu.memory_space<vmem>>[vector<16xi32>, vector<16xi32>], vector<16xf32>,
        %parallel_loop3A_380 = arith.addf %parallel_loop3A_379, %parallel_loop3A_340 : vector<16xf32>
        %parallel_loop3A_381 = arith.index_cast %parallel_loop3A_364 : i32 to index
        %parallel_loop3A_382 = arith.index_cast %parallel_loop3A_366 : i32 to index
        %parallel_loop3A_383 = arith.constant 32 : index
        %parallel_loop3A_384 = tpu.vector_load %arg14[%parallel_loop3A_381, %parallel_loop3A_382, %parallel_loop3A_383] {strides = array<i32>} : memref<4x8x128xf32, #tpu.memory_space<vmem>>, vector<16xf32>,
        tpu.vector_store %arg14[%parallel_loop3A_381, %parallel_loop3A_382, %parallel_loop3A_383], %parallel_loop3A_380 {strides = array<i32>} : memref<4x8x128xf32, #tpu.memory_space<vmem>>, vector<16xf32>,
        %parallel_loop3A_385 = tpu.vector_load_idx %arg10[%add3A_12, %parallel_loop3A_339] : memref<128x32xf32, #tpu.memory_space<vmem>>[vector<16xi32>, vector<16xi32>], vector<16xf32>,
        %parallel_loop3A_386 = arith.addf %parallel_loop3A_385, %parallel_loop3A_340 : vector<16xf32>
        %parallel_loop3A_387 = arith.index_cast %parallel_loop3A_364 : i32 to index
        %parallel_loop3A_388 = arith.index_cast %parallel_loop3A_366 : i32 to index
        %parallel_loop3A_389 = arith.constant 48 : index
        %parallel_loop3A_390 = tpu.vector_load %arg14[%parallel_loop3A_387, %parallel_loop3A_388, %parallel_loop3A_389] {strides = array<i32>} : memref<4x8x128xf32, #tpu.memory_space<vmem>>, vector<16xf32>,
        tpu.vector_store %arg14[%parallel_loop3A_387, %parallel_loop3A_388, %parallel_loop3A_389], %parallel_loop3A_386 {strides = array<i32>} : memref<4x8x128xf32, #tpu.memory_space<vmem>>, vector<16xf32>,
        %parallel_loop3A_391 = tpu.vector_load_idx %arg10[%add3A_15, %parallel_loop3A_339] : memref<128x32xf32, #tpu.memory_space<vmem>>[vector<16xi32>, vector<16xi32>], vector<16xf32>,
        %parallel_loop3A_392 = arith.addf %parallel_loop3A_391, %parallel_loop3A_340 : vector<16xf32>
        %parallel_loop3A_393 = arith.index_cast %parallel_loop3A_364 : i32 to index
        %parallel_loop3A_394 = arith.index_cast %parallel_loop3A_366 : i32 to index
        %parallel_loop3A_395 = arith.constant 64 : index
        %parallel_loop3A_396 = tpu.vector_load %arg14[%parallel_loop3A_393, %parallel_loop3A_394, %parallel_loop3A_395] {strides = array<i32>} : memref<4x8x128xf32, #tpu.memory_space<vmem>>, vector<16xf32>,
        tpu.vector_store %arg14[%parallel_loop3A_393, %parallel_loop3A_394, %parallel_loop3A_395], %parallel_loop3A_392 {strides = array<i32>} : memref<4x8x128xf32, #tpu.memory_space<vmem>>, vector<16xf32>,
        %parallel_loop3A_397 = tpu.vector_load_idx %arg10[%add3A_18, %parallel_loop3A_339] : memref<128x32xf32, #tpu.memory_space<vmem>>[vector<16xi32>, vector<16xi32>], vector<16xf32>,
        %parallel_loop3A_398 = arith.addf %parallel_loop3A_397, %parallel_loop3A_340 : vector<16xf32>
        %parallel_loop3A_399 = arith.index_cast %parallel_loop3A_364 : i32 to index
        %parallel_loop3A_400 = arith.index_cast %parallel_loop3A_366 : i32 to index
        %parallel_loop3A_401 = arith.constant 80 : index
        %parallel_loop3A_402 = tpu.vector_load %arg14[%parallel_loop3A_399, %parallel_loop3A_400, %parallel_loop3A_401] {strides = array<i32>} : memref<4x8x128xf32, #tpu.memory_space<vmem>>, vector<16xf32>,
        tpu.vector_store %arg14[%parallel_loop3A_399, %parallel_loop3A_400, %parallel_loop3A_401], %parallel_loop3A_398 {strides = array<i32>} : memref<4x8x128xf32, #tpu.memory_space<vmem>>, vector<16xf32>,
        %parallel_loop3A_403 = tpu.vector_load_idx %arg10[%add3A_21, %parallel_loop3A_339] : memref<128x32xf32, #tpu.memory_space<vmem>>[vector<16xi32>, vector<16xi32>], vector<16xf32>,
        %parallel_loop3A_404 = arith.addf %parallel_loop3A_403, %parallel_loop3A_340 : vector<16xf32>
        %parallel_loop3A_405 = arith.index_cast %parallel_loop3A_364 : i32 to index
        %parallel_loop3A_406 = arith.index_cast %parallel_loop3A_366 : i32 to index
        %parallel_loop3A_407 = arith.constant 96 : index
        %parallel_loop3A_408 = tpu.vector_load %arg14[%parallel_loop3A_405, %parallel_loop3A_406, %parallel_loop3A_407] {strides = array<i32>} : memref<4x8x128xf32, #tpu.memory_space<vmem>>, vector<16xf32>,
        tpu.vector_store %arg14[%parallel_loop3A_405, %parallel_loop3A_406, %parallel_loop3A_407], %parallel_loop3A_404 {strides = array<i32>} : memref<4x8x128xf32, #tpu.memory_space<vmem>>, vector<16xf32>,
        %parallel_loop3A_409 = tpu.vector_load_idx %arg10[%add3A_24, %parallel_loop3A_339] : memref<128x32xf32, #tpu.memory_space<vmem>>[vector<16xi32>, vector<16xi32>], vector<16xf32>,
        %parallel_loop3A_410 = arith.addf %parallel_loop3A_409, %parallel_loop3A_340 : vector<16xf32>
        %parallel_loop3A_411 = arith.index_cast %parallel_loop3A_364 : i32 to index
        %parallel_loop3A_412 = arith.index_cast %parallel_loop3A_366 : i32 to index
        %parallel_loop3A_413 = arith.constant 112 : index
        %parallel_loop3A_414 = tpu.vector_load %arg14[%parallel_loop3A_411, %parallel_loop3A_412, %parallel_loop3A_413] {strides = array<i32>} : memref<4x8x128xf32, #tpu.memory_space<vmem>>, vector<16xf32>,
        tpu.vector_store %arg14[%parallel_loop3A_411, %parallel_loop3A_412, %parallel_loop3A_413], %parallel_loop3A_410 {strides = array<i32>} : memref<4x8x128xf32, #tpu.memory_space<vmem>>, vector<16xf32>,
      } {sc.loop_unroll_factor = 16 : i64, sc.parallel_access}
      %dma_start3A_289 = arith.constant 0 : i32
      %dma_start3A_290 = arith.constant 0 : i32
      %dma_start3A_291 = arith.constant 0 : i32
      %dma_start3A_292 = tpu.memref_slice %arg5[%add3A_273, %dma_start3A_289, %add3A, %dma_start3A_290, %dma_start3A_291] : memref<200x4x32x8x128xf32, #tpu.memory_space<hbm>> -> memref<1x4x1x8x128xf32, #tpu.memory_space<hbm>>
      %dma_start3A_293 = tpu.memref_squeeze %dma_start3A_292 : memref<1x4x1x8x128xf32, #tpu.memory_space<hbm>> -> memref<4x8x128xf32, #tpu.memory_space<hbm>>
      %dma_start3A_294 = arith.constant 0 : i32
      %dma_start3A_295 = arith.constant 0 : i32
      %dma_start3A_296 = arith.constant 0 : i32
      %dma_start3A_297 = tpu.memref_slice %arg5[%add3A_273, %dma_start3A_294, %add3A, %dma_start3A_295, %dma_start3A_296] : memref<200x4x32x8x128xf32, #tpu.memory_space<hbm>> -> memref<1x4x1x8x128xf32, #tpu.memory_space<hbm>>
      %dma_start3A_298 = tpu.memref_squeeze %dma_start3A_297 : memref<1x4x1x8x128xf32, #tpu.memory_space<hbm>> -> memref<4x8x128xf32, #tpu.memory_space<hbm>>
      tpu.enqueue_dma source(%arg14 : memref<4x8x128xf32, #tpu.memory_space<vmem>>) target(%dma_start3A_298 : memref<4x8x128xf32, #tpu.memory_space<hbm>>) target_semaphore(%arg22 : memref<!tpu.dma_semaphore, #tpu.memory_space<semaphore_mem>>)
      %lt3A_299 = arith.constant 49 : i32
      %lt3A_300 = arith.cmpi slt, %add3A_207, %lt3A_299 : i32
      %convert_element_type3A_301 = arith.extui %lt3A_300 : i1 to i32
      %cond3A_302 = arith.constant 0 : i32
      %cond3A_303 = arith.cmpi ne, %convert_element_type3A_301, %cond3A_302 : i32
      scf.if %cond3A_303 {
        %add3A_338 = arith.constant 4 : i32
        %add3A_339 = arith.addi %add3A_273, %add3A_338 : i32
        %jit3A_340 = arith.constant 8 : i32
        %div3A_341 = arith.divsi %add3A_339, %jit3A_340 : i32
        %sign3A_342 = arith.constant 0 : i32
        %sign3A_343 = arith.cmpi sgt, %add3A_339, %sign3A_342 : i32
        %sign3A_344 = arith.extui %sign3A_343 : i1 to i32
        %sign3A_345 = arith.constant 0 : i32
        %sign3A_346 = arith.cmpi slt, %add3A_339, %sign3A_345 : i32
        %sign3A_347 = arith.extui %sign3A_346 : i1 to i32
        %sign3A_348 = arith.subi %sign3A_344, %sign3A_347 : i32
        %sign3A_349 = arith.constant 0 : i32
        %sign3A_350 = arith.cmpi sgt, %jit3A_340, %sign3A_349 : i32
        %sign3A_351 = arith.extui %sign3A_350 : i1 to i32
        %sign3A_352 = arith.constant 0 : i32
        %sign3A_353 = arith.cmpi slt, %jit3A_340, %sign3A_352 : i32
        %sign3A_354 = arith.extui %sign3A_353 : i1 to i32
        %sign3A_355 = arith.subi %sign3A_351, %sign3A_354 : i32
        %ne3A_356 = arith.cmpi ne, %sign3A_348, %sign3A_355 : i32
        %rem3A_357 = arith.remsi %add3A_339, %jit3A_340 : i32
        %ne3A_358 = arith.constant 0 : i32
        %ne3A_359 = arith.cmpi ne, %rem3A_357, %ne3A_358 : i32
        %and3A_360 = arith.andi %ne3A_356, %ne3A_359 : i1
        %sub3A_361 = arith.constant 1 : i32
        %sub3A_362 = arith.subi %div3A_341, %sub3A_361 : i32
        %select_n3A_363 = arith.select %and3A_360, %sub3A_362, %div3A_341 : i32
        %rem3A_364 = arith.constant 8 : i32
        %rem3A_365 = arith.remsi %add3A_339, %rem3A_364 : i32
        %dma_start3A_366 = arith.constant 0 : i32
        %dma_start3A_367 = tpu.memref_slice %arg6[%select_n3A_363, %rem3A_365, %dma_start3A_366] : memref<25x8x128xi32, #tpu.memory_space<vmem>> -> memref<1x1x128xi32, #tpu.memory_space<vmem>>
        %dma_start3A_368 = tpu.memref_squeeze %dma_start3A_367 : memref<1x1x128xi32, #tpu.memory_space<vmem>> -> memref<128xi32, #tpu.memory_space<vmem>>
        %dma_start3A_369 = arith.constant 0 : i32
        %dma_start3A_370 = arith.constant 0 : i32
        %dma_start3A_371 = tpu.memref_slice %arg3[%dma_start3A_369, %dma_start3A_370] : memref<1000000x32xf32, #tpu.memory_space<hbm>> -> memref<1000000x32xf32, #tpu.memory_space<hbm>>
        tpu.enqueue_indirect_dma source(%dma_start3A_371 : memref<1000000x32xf32, #tpu.memory_space<hbm>>) target(%arg10 : memref<128x32xf32, #tpu.memory_space<vmem>>) offsets(%dma_start3A_368 : memref<128xi32, #tpu.memory_space<vmem>>) semaphore(%arg18 : memref<!tpu.dma_semaphore, #tpu.memory_space<semaphore_mem>>)
      } else {
      }
      %mul3A_304 = arith.constant 4 : i32
      %mul3A_305 = arith.muli %add3A_207, %mul3A_304 : i32
      %add3A_306 = arith.constant 3 : i32
      %add3A_307 = arith.addi %mul3A_305, %add3A_306 : i32
      %dma_wait3A_308 = arith.constant 0 : i32
      %dma_wait3A_309 = arith.constant 0 : i32
      %dma_wait3A_310 = tpu.memref_slice %arg3[%dma_wait3A_308, %dma_wait3A_309] : memref<1000000x32xf32, #tpu.memory_space<hbm>> -> memref<128x32xf32, #tpu.memory_space<hbm>>
      %dma_wait3A_311 = arith.constant 0 : i32
      %dma_wait3A_312 = arith.constant 0 : i32
      %dma_wait3A_313 = tpu.memref_slice %arg3[%dma_wait3A_311, %dma_wait3A_312] : memref<1000000x32xf32, #tpu.memory_space<hbm>> -> memref<128x32xf32, #tpu.memory_space<hbm>>
      tpu.wait_dma2 semaphore(%arg19 : memref<!tpu.dma_semaphore, #tpu.memory_space<semaphore_mem>>) src(%dma_wait3A_313 : memref<128x32xf32, #tpu.memory_space<hbm>>) dst(%arg11 : memref<128x32xf32, #tpu.memory_space<vmem>>)
      %gt3A_314 = arith.constant 0 : i32
      %gt3A_315 = arith.cmpi sgt, %add3A_207, %gt3A_314 : i32
      %convert_element_type3A_316 = arith.extui %gt3A_315 : i1 to i32
      %cond3A_317 = arith.constant 0 : i32
      %cond3A_318 = arith.cmpi ne, %convert_element_type3A_316, %cond3A_317 : i32
      scf.if %cond3A_318 {
        %dma_wait3A_338 = arith.constant 0 : i32
        %dma_wait3A_339 = arith.constant 0 : i32
        %dma_wait3A_340 = arith.constant 0 : i32
        %dma_wait3A_341 = arith.constant 0 : i32
        %dma_wait3A_342 = arith.constant 0 : i32
        %dma_wait3A_343 = tpu.memref_slice %arg5[%dma_wait3A_338, %dma_wait3A_340, %dma_wait3A_339, %dma_wait3A_341, %dma_wait3A_342] : memref<200x4x32x8x128xf32, #tpu.memory_space<hbm>> -> memref<1x4x1x8x128xf32, #tpu.memory_space<hbm>>
        %dma_wait3A_344 = tpu.memref_squeeze %dma_wait3A_343 : memref<1x4x1x8x128xf32, #tpu.memory_space<hbm>> -> memref<4x8x128xf32, #tpu.memory_space<hbm>>
        %dma_wait3A_345 = arith.constant 0 : i32
        %dma_wait3A_346 = arith.constant 0 : i32
        %dma_wait3A_347 = arith.constant 0 : i32
        %dma_wait3A_348 = tpu.memref_slice %arg5[%dma_wait3A_338, %dma_wait3A_345, %dma_wait3A_339, %dma_wait3A_346, %dma_wait3A_347] : memref<200x4x32x8x128xf32, #tpu.memory_space<hbm>> -> memref<1x4x1x8x128xf32, #tpu.memory_space<hbm>>
        %dma_wait3A_349 = tpu.memref_squeeze %dma_wait3A_348 : memref<1x4x1x8x128xf32, #tpu.memory_space<hbm>> -> memref<4x8x128xf32, #tpu.memory_space<hbm>>
        tpu.wait_dma2 semaphore(%arg23 : memref<!tpu.dma_semaphore, #tpu.memory_space<semaphore_mem>>) src(%arg15 : memref<4x8x128xf32, #tpu.memory_space<vmem>>) dst(%dma_wait3A_349 : memref<4x8x128xf32, #tpu.memory_space<hbm>>)
      } else {
      }
      %broadcast_in_dim3A_319 = vector.broadcast %add3A_307 : i32 to vector<16xi32>
      %parallel_loop3A_320 = arith.constant 0 : i32
      %parallel_loop3A_321 = arith.constant 32 : i32
      %parallel_loop3A_322 = arith.constant 1 : i32
      scf.for %parallel_loop3A_338 = %parallel_loop3A_320 to %parallel_loop3A_321 step %parallel_loop3A_322  : i32 {
        %parallel_loop3A_339 = vector.broadcast %parallel_loop3A_338 : i32 to vector<16xi32>
        %parallel_loop3A_340 = tpu.vector_load_idx %arg7[%broadcast_in_dim3A_319, %parallel_loop3A_339] : memref<200x32xf32, #tpu.memory_space<vmem>>[vector<16xi32>, vector<16xi32>], vector<16xf32>,
        %parallel_loop3A_341 = arith.constant 8 : i32
        %parallel_loop3A_342 = arith.divsi %parallel_loop3A_338, %parallel_loop3A_341 : i32
        %parallel_loop3A_343 = arith.constant 0 : i32
        %parallel_loop3A_344 = arith.cmpi sgt, %parallel_loop3A_338, %parallel_loop3A_343 : i32
        %parallel_loop3A_345 = arith.extui %parallel_loop3A_344 : i1 to i32
        %parallel_loop3A_346 = arith.constant 0 : i32
        %parallel_loop3A_347 = arith.cmpi slt, %parallel_loop3A_338, %parallel_loop3A_346 : i32
        %parallel_loop3A_348 = arith.extui %parallel_loop3A_347 : i1 to i32
        %parallel_loop3A_349 = arith.subi %parallel_loop3A_345, %parallel_loop3A_348 : i32
        %parallel_loop3A_350 = arith.constant 0 : i32
        %parallel_loop3A_351 = arith.cmpi sgt, %parallel_loop3A_341, %parallel_loop3A_350 : i32
        %parallel_loop3A_352 = arith.extui %parallel_loop3A_351 : i1 to i32
        %parallel_loop3A_353 = arith.constant 0 : i32
        %parallel_loop3A_354 = arith.cmpi slt, %parallel_loop3A_341, %parallel_loop3A_353 : i32
        %parallel_loop3A_355 = arith.extui %parallel_loop3A_354 : i1 to i32
        %parallel_loop3A_356 = arith.subi %parallel_loop3A_352, %parallel_loop3A_355 : i32
        %parallel_loop3A_357 = arith.cmpi ne, %parallel_loop3A_349, %parallel_loop3A_356 : i32
        %parallel_loop3A_358 = arith.remsi %parallel_loop3A_338, %parallel_loop3A_341 : i32
        %parallel_loop3A_359 = arith.constant 0 : i32
        %parallel_loop3A_360 = arith.cmpi ne, %parallel_loop3A_358, %parallel_loop3A_359 : i32
        %parallel_loop3A_361 = arith.andi %parallel_loop3A_357, %parallel_loop3A_360 : i1
        %parallel_loop3A_362 = arith.constant 1 : i32
        %parallel_loop3A_363 = arith.subi %parallel_loop3A_342, %parallel_loop3A_362 : i32
        %parallel_loop3A_364 = arith.select %parallel_loop3A_361, %parallel_loop3A_363, %parallel_loop3A_342 : i32
        %parallel_loop3A_365 = arith.constant 8 : i32
        %parallel_loop3A_366 = arith.remsi %parallel_loop3A_338, %parallel_loop3A_365 : i32
        %parallel_loop3A_367 = tpu.vector_load_idx %arg11[%add3A_3, %parallel_loop3A_339] : memref<128x32xf32, #tpu.memory_space<vmem>>[vector<16xi32>, vector<16xi32>], vector<16xf32>,
        %parallel_loop3A_368 = arith.addf %parallel_loop3A_367, %parallel_loop3A_340 : vector<16xf32>
        %parallel_loop3A_369 = arith.index_cast %parallel_loop3A_364 : i32 to index
        %parallel_loop3A_370 = arith.index_cast %parallel_loop3A_366 : i32 to index
        %parallel_loop3A_371 = arith.constant 0 : index
        %parallel_loop3A_372 = tpu.vector_load %arg15[%parallel_loop3A_369, %parallel_loop3A_370, %parallel_loop3A_371] {strides = array<i32>} : memref<4x8x128xf32, #tpu.memory_space<vmem>>, vector<16xf32>,
        tpu.vector_store %arg15[%parallel_loop3A_369, %parallel_loop3A_370, %parallel_loop3A_371], %parallel_loop3A_368 {strides = array<i32>} : memref<4x8x128xf32, #tpu.memory_space<vmem>>, vector<16xf32>,
        %parallel_loop3A_373 = tpu.vector_load_idx %arg11[%add3A_6, %parallel_loop3A_339] : memref<128x32xf32, #tpu.memory_space<vmem>>[vector<16xi32>, vector<16xi32>], vector<16xf32>,
        %parallel_loop3A_374 = arith.addf %parallel_loop3A_373, %parallel_loop3A_340 : vector<16xf32>
        %parallel_loop3A_375 = arith.index_cast %parallel_loop3A_364 : i32 to index
        %parallel_loop3A_376 = arith.index_cast %parallel_loop3A_366 : i32 to index
        %parallel_loop3A_377 = arith.constant 16 : index
        %parallel_loop3A_378 = tpu.vector_load %arg15[%parallel_loop3A_375, %parallel_loop3A_376, %parallel_loop3A_377] {strides = array<i32>} : memref<4x8x128xf32, #tpu.memory_space<vmem>>, vector<16xf32>,
        tpu.vector_store %arg15[%parallel_loop3A_375, %parallel_loop3A_376, %parallel_loop3A_377], %parallel_loop3A_374 {strides = array<i32>} : memref<4x8x128xf32, #tpu.memory_space<vmem>>, vector<16xf32>,
        %parallel_loop3A_379 = tpu.vector_load_idx %arg11[%add3A_9, %parallel_loop3A_339] : memref<128x32xf32, #tpu.memory_space<vmem>>[vector<16xi32>, vector<16xi32>], vector<16xf32>,
        %parallel_loop3A_380 = arith.addf %parallel_loop3A_379, %parallel_loop3A_340 : vector<16xf32>
        %parallel_loop3A_381 = arith.index_cast %parallel_loop3A_364 : i32 to index
        %parallel_loop3A_382 = arith.index_cast %parallel_loop3A_366 : i32 to index
        %parallel_loop3A_383 = arith.constant 32 : index
        %parallel_loop3A_384 = tpu.vector_load %arg15[%parallel_loop3A_381, %parallel_loop3A_382, %parallel_loop3A_383] {strides = array<i32>} : memref<4x8x128xf32, #tpu.memory_space<vmem>>, vector<16xf32>,
        tpu.vector_store %arg15[%parallel_loop3A_381, %parallel_loop3A_382, %parallel_loop3A_383], %parallel_loop3A_380 {strides = array<i32>} : memref<4x8x128xf32, #tpu.memory_space<vmem>>, vector<16xf32>,
        %parallel_loop3A_385 = tpu.vector_load_idx %arg11[%add3A_12, %parallel_loop3A_339] : memref<128x32xf32, #tpu.memory_space<vmem>>[vector<16xi32>, vector<16xi32>], vector<16xf32>,
        %parallel_loop3A_386 = arith.addf %parallel_loop3A_385, %parallel_loop3A_340 : vector<16xf32>
        %parallel_loop3A_387 = arith.index_cast %parallel_loop3A_364 : i32 to index
        %parallel_loop3A_388 = arith.index_cast %parallel_loop3A_366 : i32 to index
        %parallel_loop3A_389 = arith.constant 48 : index
        %parallel_loop3A_390 = tpu.vector_load %arg15[%parallel_loop3A_387, %parallel_loop3A_388, %parallel_loop3A_389] {strides = array<i32>} : memref<4x8x128xf32, #tpu.memory_space<vmem>>, vector<16xf32>,
        tpu.vector_store %arg15[%parallel_loop3A_387, %parallel_loop3A_388, %parallel_loop3A_389], %parallel_loop3A_386 {strides = array<i32>} : memref<4x8x128xf32, #tpu.memory_space<vmem>>, vector<16xf32>,
        %parallel_loop3A_391 = tpu.vector_load_idx %arg11[%add3A_15, %parallel_loop3A_339] : memref<128x32xf32, #tpu.memory_space<vmem>>[vector<16xi32>, vector<16xi32>], vector<16xf32>,
        %parallel_loop3A_392 = arith.addf %parallel_loop3A_391, %parallel_loop3A_340 : vector<16xf32>
        %parallel_loop3A_393 = arith.index_cast %parallel_loop3A_364 : i32 to index
        %parallel_loop3A_394 = arith.index_cast %parallel_loop3A_366 : i32 to index
        %parallel_loop3A_395 = arith.constant 64 : index
        %parallel_loop3A_396 = tpu.vector_load %arg15[%parallel_loop3A_393, %parallel_loop3A_394, %parallel_loop3A_395] {strides = array<i32>} : memref<4x8x128xf32, #tpu.memory_space<vmem>>, vector<16xf32>,
        tpu.vector_store %arg15[%parallel_loop3A_393, %parallel_loop3A_394, %parallel_loop3A_395], %parallel_loop3A_392 {strides = array<i32>} : memref<4x8x128xf32, #tpu.memory_space<vmem>>, vector<16xf32>,
        %parallel_loop3A_397 = tpu.vector_load_idx %arg11[%add3A_18, %parallel_loop3A_339] : memref<128x32xf32, #tpu.memory_space<vmem>>[vector<16xi32>, vector<16xi32>], vector<16xf32>,
        %parallel_loop3A_398 = arith.addf %parallel_loop3A_397, %parallel_loop3A_340 : vector<16xf32>
        %parallel_loop3A_399 = arith.index_cast %parallel_loop3A_364 : i32 to index
        %parallel_loop3A_400 = arith.index_cast %parallel_loop3A_366 : i32 to index
        %parallel_loop3A_401 = arith.constant 80 : index
        %parallel_loop3A_402 = tpu.vector_load %arg15[%parallel_loop3A_399, %parallel_loop3A_400, %parallel_loop3A_401] {strides = array<i32>} : memref<4x8x128xf32, #tpu.memory_space<vmem>>, vector<16xf32>,
        tpu.vector_store %arg15[%parallel_loop3A_399, %parallel_loop3A_400, %parallel_loop3A_401], %parallel_loop3A_398 {strides = array<i32>} : memref<4x8x128xf32, #tpu.memory_space<vmem>>, vector<16xf32>,
        %parallel_loop3A_403 = tpu.vector_load_idx %arg11[%add3A_21, %parallel_loop3A_339] : memref<128x32xf32, #tpu.memory_space<vmem>>[vector<16xi32>, vector<16xi32>], vector<16xf32>,
        %parallel_loop3A_404 = arith.addf %parallel_loop3A_403, %parallel_loop3A_340 : vector<16xf32>
        %parallel_loop3A_405 = arith.index_cast %parallel_loop3A_364 : i32 to index
        %parallel_loop3A_406 = arith.index_cast %parallel_loop3A_366 : i32 to index
        %parallel_loop3A_407 = arith.constant 96 : index
        %parallel_loop3A_408 = tpu.vector_load %arg15[%parallel_loop3A_405, %parallel_loop3A_406, %parallel_loop3A_407] {strides = array<i32>} : memref<4x8x128xf32, #tpu.memory_space<vmem>>, vector<16xf32>,
        tpu.vector_store %arg15[%parallel_loop3A_405, %parallel_loop3A_406, %parallel_loop3A_407], %parallel_loop3A_404 {strides = array<i32>} : memref<4x8x128xf32, #tpu.memory_space<vmem>>, vector<16xf32>,
        %parallel_loop3A_409 = tpu.vector_load_idx %arg11[%add3A_24, %parallel_loop3A_339] : memref<128x32xf32, #tpu.memory_space<vmem>>[vector<16xi32>, vector<16xi32>], vector<16xf32>,
        %parallel_loop3A_410 = arith.addf %parallel_loop3A_409, %parallel_loop3A_340 : vector<16xf32>
        %parallel_loop3A_411 = arith.index_cast %parallel_loop3A_364 : i32 to index
        %parallel_loop3A_412 = arith.index_cast %parallel_loop3A_366 : i32 to index
        %parallel_loop3A_413 = arith.constant 112 : index
        %parallel_loop3A_414 = tpu.vector_load %arg15[%parallel_loop3A_411, %parallel_loop3A_412, %parallel_loop3A_413] {strides = array<i32>} : memref<4x8x128xf32, #tpu.memory_space<vmem>>, vector<16xf32>,
        tpu.vector_store %arg15[%parallel_loop3A_411, %parallel_loop3A_412, %parallel_loop3A_413], %parallel_loop3A_410 {strides = array<i32>} : memref<4x8x128xf32, #tpu.memory_space<vmem>>, vector<16xf32>,
      } {sc.loop_unroll_factor = 16 : i64, sc.parallel_access}
      %dma_start3A_323 = arith.constant 0 : i32
      %dma_start3A_324 = arith.constant 0 : i32
      %dma_start3A_325 = arith.constant 0 : i32
      %dma_start3A_326 = tpu.memref_slice %arg5[%add3A_307, %dma_start3A_323, %add3A, %dma_start3A_324, %dma_start3A_325] : memref<200x4x32x8x128xf32, #tpu.memory_space<hbm>> -> memref<1x4x1x8x128xf32, #tpu.memory_space<hbm>>
      %dma_start3A_327 = tpu.memref_squeeze %dma_start3A_326 : memref<1x4x1x8x128xf32, #tpu.memory_space<hbm>> -> memref<4x8x128xf32, #tpu.memory_space<hbm>>
      %dma_start3A_328 = arith.constant 0 : i32
      %dma_start3A_329 = arith.constant 0 : i32
      %dma_start3A_330 = arith.constant 0 : i32
      %dma_start3A_331 = tpu.memref_slice %arg5[%add3A_307, %dma_start3A_328, %add3A, %dma_start3A_329, %dma_start3A_330] : memref<200x4x32x8x128xf32, #tpu.memory_space<hbm>> -> memref<1x4x1x8x128xf32, #tpu.memory_space<hbm>>
      %dma_start3A_332 = tpu.memref_squeeze %dma_start3A_331 : memref<1x4x1x8x128xf32, #tpu.memory_space<hbm>> -> memref<4x8x128xf32, #tpu.memory_space<hbm>>
      tpu.enqueue_dma source(%arg15 : memref<4x8x128xf32, #tpu.memory_space<vmem>>) target(%dma_start3A_332 : memref<4x8x128xf32, #tpu.memory_space<hbm>>) target_semaphore(%arg23 : memref<!tpu.dma_semaphore, #tpu.memory_space<semaphore_mem>>)
      %lt3A_333 = arith.constant 49 : i32
      %lt3A_334 = arith.cmpi slt, %add3A_207, %lt3A_333 : i32
      %convert_element_type3A_335 = arith.extui %lt3A_334 : i1 to i32
      %cond3A_336 = arith.constant 0 : i32
      %cond3A_337 = arith.cmpi ne, %convert_element_type3A_335, %cond3A_336 : i32
      scf.if %cond3A_337 {
        %add3A_338 = arith.constant 4 : i32
        %add3A_339 = arith.addi %add3A_307, %add3A_338 : i32
        %jit3A_340 = arith.constant 8 : i32
        %div3A_341 = arith.divsi %add3A_339, %jit3A_340 : i32
        %sign3A_342 = arith.constant 0 : i32
        %sign3A_343 = arith.cmpi sgt, %add3A_339, %sign3A_342 : i32
        %sign3A_344 = arith.extui %sign3A_343 : i1 to i32
        %sign3A_345 = arith.constant 0 : i32
        %sign3A_346 = arith.cmpi slt, %add3A_339, %sign3A_345 : i32
        %sign3A_347 = arith.extui %sign3A_346 : i1 to i32
        %sign3A_348 = arith.subi %sign3A_344, %sign3A_347 : i32
        %sign3A_349 = arith.constant 0 : i32
        %sign3A_350 = arith.cmpi sgt, %jit3A_340, %sign3A_349 : i32
        %sign3A_351 = arith.extui %sign3A_350 : i1 to i32
        %sign3A_352 = arith.constant 0 : i32
        %sign3A_353 = arith.cmpi slt, %jit3A_340, %sign3A_352 : i32
        %sign3A_354 = arith.extui %sign3A_353 : i1 to i32
        %sign3A_355 = arith.subi %sign3A_351, %sign3A_354 : i32
        %ne3A_356 = arith.cmpi ne, %sign3A_348, %sign3A_355 : i32
        %rem3A_357 = arith.remsi %add3A_339, %jit3A_340 : i32
        %ne3A_358 = arith.constant 0 : i32
        %ne3A_359 = arith.cmpi ne, %rem3A_357, %ne3A_358 : i32
        %and3A_360 = arith.andi %ne3A_356, %ne3A_359 : i1
        %sub3A_361 = arith.constant 1 : i32
        %sub3A_362 = arith.subi %div3A_341, %sub3A_361 : i32
        %select_n3A_363 = arith.select %and3A_360, %sub3A_362, %div3A_341 : i32
        %rem3A_364 = arith.constant 8 : i32
        %rem3A_365 = arith.remsi %add3A_339, %rem3A_364 : i32
        %dma_start3A_366 = arith.constant 0 : i32
        %dma_start3A_367 = tpu.memref_slice %arg6[%select_n3A_363, %rem3A_365, %dma_start3A_366] : memref<25x8x128xi32, #tpu.memory_space<vmem>> -> memref<1x1x128xi32, #tpu.memory_space<vmem>>
        %dma_start3A_368 = tpu.memref_squeeze %dma_start3A_367 : memref<1x1x128xi32, #tpu.memory_space<vmem>> -> memref<128xi32, #tpu.memory_space<vmem>>
        %dma_start3A_369 = arith.constant 0 : i32
        %dma_start3A_370 = arith.constant 0 : i32
        %dma_start3A_371 = tpu.memref_slice %arg3[%dma_start3A_369, %dma_start3A_370] : memref<1000000x32xf32, #tpu.memory_space<hbm>> -> memref<1000000x32xf32, #tpu.memory_space<hbm>>
        tpu.enqueue_indirect_dma source(%dma_start3A_371 : memref<1000000x32xf32, #tpu.memory_space<hbm>>) target(%arg11 : memref<128x32xf32, #tpu.memory_space<vmem>>) offsets(%dma_start3A_368 : memref<128xi32, #tpu.memory_space<vmem>>) semaphore(%arg19 : memref<!tpu.dma_semaphore, #tpu.memory_space<semaphore_mem>>)
      } else {
      }
    }
    %scan3A_155 = arith.constant 50 : i32
    %dma_wait3A = arith.constant 0 : i32
    %dma_wait3A_156 = arith.constant 0 : i32
    %dma_wait3A_157 = arith.constant 0 : i32
    %dma_wait3A_158 = arith.constant 0 : i32
    %dma_wait3A_159 = arith.constant 0 : i32
    %dma_wait3A_160 = tpu.memref_slice %arg5[%dma_wait3A, %dma_wait3A_157, %dma_wait3A_156, %dma_wait3A_158, %dma_wait3A_159] : memref<200x4x32x8x128xf32, #tpu.memory_space<hbm>> -> memref<1x4x1x8x128xf32, #tpu.memory_space<hbm>>
    %dma_wait3A_161 = tpu.memref_squeeze %dma_wait3A_160 : memref<1x4x1x8x128xf32, #tpu.memory_space<hbm>> -> memref<4x8x128xf32, #tpu.memory_space<hbm>>
    %dma_wait3A_162 = arith.constant 0 : i32
    %dma_wait3A_163 = arith.constant 0 : i32
    %dma_wait3A_164 = arith.constant 0 : i32
    %dma_wait3A_165 = tpu.memref_slice %arg5[%dma_wait3A, %dma_wait3A_162, %dma_wait3A_156, %dma_wait3A_163, %dma_wait3A_164] : memref<200x4x32x8x128xf32, #tpu.memory_space<hbm>> -> memref<1x4x1x8x128xf32, #tpu.memory_space<hbm>>
    %dma_wait3A_166 = tpu.memref_squeeze %dma_wait3A_165 : memref<1x4x1x8x128xf32, #tpu.memory_space<hbm>> -> memref<4x8x128xf32, #tpu.memory_space<hbm>>
    tpu.wait_dma2 semaphore(%arg20 : memref<!tpu.dma_semaphore, #tpu.memory_space<semaphore_mem>>) src(%arg12 : memref<4x8x128xf32, #tpu.memory_space<vmem>>) dst(%dma_wait3A_166 : memref<4x8x128xf32, #tpu.memory_space<hbm>>)
    %dma_wait3A_167 = arith.constant 0 : i32
    %dma_wait3A_168 = arith.constant 0 : i32
    %dma_wait3A_169 = arith.constant 0 : i32
    %dma_wait3A_170 = arith.constant 0 : i32
    %dma_wait3A_171 = arith.constant 0 : i32
    %dma_wait3A_172 = tpu.memref_slice %arg5[%dma_wait3A_167, %dma_wait3A_169, %dma_wait3A_168, %dma_wait3A_170, %dma_wait3A_171] : memref<200x4x32x8x128xf32, #tpu.memory_space<hbm>> -> memref<1x4x1x8x128xf32, #tpu.memory_space<hbm>>
    %dma_wait3A_173 = tpu.memref_squeeze %dma_wait3A_172 : memref<1x4x1x8x128xf32, #tpu.memory_space<hbm>> -> memref<4x8x128xf32, #tpu.memory_space<hbm>>
    %dma_wait3A_174 = arith.constant 0 : i32
    %dma_wait3A_175 = arith.constant 0 : i32
    %dma_wait3A_176 = arith.constant 0 : i32
    %dma_wait3A_177 = tpu.memref_slice %arg5[%dma_wait3A_167, %dma_wait3A_174, %dma_wait3A_168, %dma_wait3A_175, %dma_wait3A_176] : memref<200x4x32x8x128xf32, #tpu.memory_space<hbm>> -> memref<1x4x1x8x128xf32, #tpu.memory_space<hbm>>
    %dma_wait3A_178 = tpu.memref_squeeze %dma_wait3A_177 : memref<1x4x1x8x128xf32, #tpu.memory_space<hbm>> -> memref<4x8x128xf32, #tpu.memory_space<hbm>>
    tpu.wait_dma2 semaphore(%arg21 : memref<!tpu.dma_semaphore, #tpu.memory_space<semaphore_mem>>) src(%arg13 : memref<4x8x128xf32, #tpu.memory_space<vmem>>) dst(%dma_wait3A_178 : memref<4x8x128xf32, #tpu.memory_space<hbm>>)
    %dma_wait3A_179 = arith.constant 0 : i32
    %dma_wait3A_180 = arith.constant 0 : i32
    %dma_wait3A_181 = arith.constant 0 : i32
    %dma_wait3A_182 = arith.constant 0 : i32
    %dma_wait3A_183 = arith.constant 0 : i32
    %dma_wait3A_184 = tpu.memref_slice %arg5[%dma_wait3A_179, %dma_wait3A_181, %dma_wait3A_180, %dma_wait3A_182, %dma_wait3A_183] : memref<200x4x32x8x128xf32, #tpu.memory_space<hbm>> -> memref<1x4x1x8x128xf32, #tpu.memory_space<hbm>>
    %dma_wait3A_185 = tpu.memref_squeeze %dma_wait3A_184 : memref<1x4x1x8x128xf32, #tpu.memory_space<hbm>> -> memref<4x8x128xf32, #tpu.memory_space<hbm>>
    %dma_wait3A_186 = arith.constant 0 : i32
    %dma_wait3A_187 = arith.constant 0 : i32
    %dma_wait3A_188 = arith.constant 0 : i32
    %dma_wait3A_189 = tpu.memref_slice %arg5[%dma_wait3A_179, %dma_wait3A_186, %dma_wait3A_180, %dma_wait3A_187, %dma_wait3A_188] : memref<200x4x32x8x128xf32, #tpu.memory_space<hbm>> -> memref<1x4x1x8x128xf32, #tpu.memory_space<hbm>>
    %dma_wait3A_190 = tpu.memref_squeeze %dma_wait3A_189 : memref<1x4x1x8x128xf32, #tpu.memory_space<hbm>> -> memref<4x8x128xf32, #tpu.memory_space<hbm>>
    tpu.wait_dma2 semaphore(%arg22 : memref<!tpu.dma_semaphore, #tpu.memory_space<semaphore_mem>>) src(%arg14 : memref<4x8x128xf32, #tpu.memory_space<vmem>>) dst(%dma_wait3A_190 : memref<4x8x128xf32, #tpu.memory_space<hbm>>)
    %dma_wait3A_191 = arith.constant 0 : i32
    %dma_wait3A_192 = arith.constant 0 : i32
    %dma_wait3A_193 = arith.constant 0 : i32
    %dma_wait3A_194 = arith.constant 0 : i32
    %dma_wait3A_195 = arith.constant 0 : i32
    %dma_wait3A_196 = tpu.memref_slice %arg5[%dma_wait3A_191, %dma_wait3A_193, %dma_wait3A_192, %dma_wait3A_194, %dma_wait3A_195] : memref<200x4x32x8x128xf32, #tpu.memory_space<hbm>> -> memref<1x4x1x8x128xf32, #tpu.memory_space<hbm>>
    %dma_wait3A_197 = tpu.memref_squeeze %dma_wait3A_196 : memref<1x4x1x8x128xf32, #tpu.memory_space<hbm>> -> memref<4x8x128xf32, #tpu.memory_space<hbm>>
    %dma_wait3A_198 = arith.constant 0 : i32
    %dma_wait3A_199 = arith.constant 0 : i32
    %dma_wait3A_200 = arith.constant 0 : i32
    %dma_wait3A_201 = tpu.memref_slice %arg5[%dma_wait3A_191, %dma_wait3A_198, %dma_wait3A_192, %dma_wait3A_199, %dma_wait3A_200] : memref<200x4x32x8x128xf32, #tpu.memory_space<hbm>> -> memref<1x4x1x8x128xf32, #tpu.memory_space<hbm>>
    %dma_wait3A_202 = tpu.memref_squeeze %dma_wait3A_201 : memref<1x4x1x8x128xf32, #tpu.memory_space<hbm>> -> memref<4x8x128xf32, #tpu.memory_space<hbm>>
    tpu.wait_dma2 semaphore(%arg23 : memref<!tpu.dma_semaphore, #tpu.memory_space<semaphore_mem>>) src(%arg15 : memref<4x8x128xf32, #tpu.memory_space<vmem>>) dst(%dma_wait3A_202 : memref<4x8x128xf32, #tpu.memory_space<hbm>>)
    return
  }
}

</mosaic_0001>

<sc_bundles>
// kernel: _emb.3.cloned.1.call-start
scs
__scs_entry_jumppad:
0x0: {  	(pc) =	sbr.rel $0x88, $3  }
0x1: {  	(tag) =	ssettag $0x0;
	lr =	simm.s32 $0x1  }
0x2: {  	[smem:$0x3F9E] =	sst lr;
	_ =	strace $0xD0000000  }
0x3: {  	_ = 	snop  }
0x4: {  	_ = 	snop  }
0x5: {  	_ = 	snop  }
0x6: {  	_ = 	snop  }
0x7: {  	_ = 	snop  }
__scs_overlays_trampoline_lowered:
0x8: {  	[smem:$0x3FAD] =	sst s0  }
0x9: {  	[smem:$0x3FAE] =	sst s1  }
0xa: {  	[smem:$0x3FAF] =	sst s2  }
0xb: {  	[smem:$0x3FB0] =	sst s3  }
0xc: {  	[smem:$0x3FB1] =	sst s4  }
0xd: {  	[smem:$0x3FB2] =	sst s5  }
0xe: {  	[smem:$0x3FB3] =	sst s6  }
0xf: {  	[smem:$0x3FB4] =	sst s7  }
0x10: {  	[smem:$0x3FB5] =	sst s8  }
0x11: {  	[smem:$0x3FB6] =	sst s9;
	s0 =	simm.s32 @!p0 $0x0  }
0x12: {  	s1 =	sld [smem:$0x3F9C];
	s0 =	simm.s32 @p0 $0x1  }
0x13: {  	[smem:$0x3FB7] =	sst s0;
	s0 =	simm.s32 @!p1 $0x0  }
0x14: {  	s2 =	sld [smem:$0x3F9B];
	s0 =	simm.s32 @p1 $0x1  }
0x15: {  	[smem:$0x3FB8] =	sst s0;
	s0 =	simm.s32 @!p2 $0x0  }
0x16: {  	s3 =	sld [smem:$0x3FDB];
	s0 =	simm.s32 @p2 $0x1  }
0x17: {  	s4 =	simm.s32 $0x1BF5;
	[smem:$0x3FBA] =	sst s0  }
0x18: {  	s0 =	sld [smem:$0x3F9D];
	_ =	swait.ge [sflag:s4], $0x0  }
0x19: {  	s7 =	sld [smem:$0x3F9E]  }
0x1a: {  	s8 =	sadd.s32 $0xFFFFE003, lr  }
0x1b: {  	s9 =	sadd.s32 $0xFFFFFEF7, lr;
	s5 =	simm.s32 $0xFFFFFFFF;
	p2 =	slt.u32 s8, $0xFFFFF086  }
0x1c: {  	p1 =	slt.u32 s9, $0xF7A;
	s5 =	simm.s32 @!p2 $0x0  }
0x1d: {  	s5 =	simm.s32 @p1 $0x1;
	p0 =	seq.s32 s7, s2  }
0x1e: {  	s7 =	smul.u32 @!p0 $0xF7A, s2;
	p2 =	seq.s32 @!p0 s5, $0x0  }
0x1f: {  	s9 =	smul.u32 $0xF7A, s1;
	s8 =	simm.s32 @!p0 $0x1BF5;
	p2 =	por !p2, p0  }
0x20: {  	[sflag:s8] =	ssyncset.s32 @!p0 $0xFFFFF086;
	s6 =	sadd.s32 @!p0 s3, s7;
	s7 =	simm.s32 @!p0 $0x108  }
0x21: {  	s3 =	sadd.s32 s3, s9;
	s6 =	sadd.s32 @!p0 $0x88, s6;
	s7 =	simm.s32 @p2 $0x1082  }
0x22: {  	[simem:s7], [sflag:s8] =	dma.local @!p0 [hbm:s6], $0xF7A  }
0x23: {  	s9 =	sor.u32 $0xD0000000, s2;
	s6 =	simm.s32 $0x108;
	_ =	swait.ge @!p0 [sflag:s8], $0x0  }
0x24: {  	s3 =	sadd.s32 $0x88, s3;
	s6 =	simm.s32 @!p1 $0x1082;
	[sflag:s4] =	ssyncset.s32 $0xFFFFF086  }
0x25: {  	[simem:s6], [sflag:s4] =	dma.local [hbm:s3], $0xF7A  }
0x26: {  	[smem:$0x3F9E] =	sst s1;
	(tag) =	ssettag s2;
	_ =	strace s9  }
0x27: {  	s1 =	sld [smem:$0x3FAE]  }
0x28: {  	s2 =	sld [smem:$0x3FAF]  }
0x29: {  	s4 =	sld [smem:$0x3FB1]  }
0x2a: {  	p0 =	seq.s32 s5, $0x0;
	s5 =	sld [smem:$0x3FB2]  }
0x2b: {  	s6 =	sld [smem:$0x3FB3]  }
0x2c: {  	s7 =	sld [smem:$0x3FB4]  }
0x2d: {  	s3 =	simm.s32 $0x108;
	s8 =	sld [smem:$0x3FB5]  }
0x2e: {  	s3 =	simm.s32 @!p0 $0x1082;
	s9 =	sld [smem:$0x3FB6]  }
0x2f: {  	lr =	sadd.s32 s0, s3;
	s0 =	sld [smem:$0x3FAD]  }
0x30: {  	s3 =	sld [smem:$0x3FB0]  }
0x31: {  	[smem:$0x3FB9] =	sst s10  }
0x32: {  	s10 =	sld [smem:$0x3FB7];
	_ =	sdelay $0x3  }
0x33: {  	p0 =	seq.s32 s10, $0x1;
	s10 =	sld [smem:$0x3FB9];
	_ =	sdelay $0x3  }
0x34: {  	[smem:$0x3FB9] =	sst s10  }
0x35: {  	s10 =	sld [smem:$0x3FB8];
	_ =	sdelay $0x3  }
0x36: {  	p1 =	seq.s32 s10, $0x1;
	s10 =	sld [smem:$0x3FB9];
	_ =	sdelay $0x3  }
0x37: {  	[smem:$0x3FB9] =	sst s10  }
0x38: {  	s10 =	sld [smem:$0x3FBA]  }
0x39: {  	_ = 	snop;
	(pc) =	sbr.ind lr, $3  }
0x3a: {  	_ = 	snop  }
0x3b: {  	_ = 	snop  }
0x3c: {  	p2 =	seq.s32 s10, $0x1;
	s10 =	sld [smem:$0x3FB9]  }
0x3d: {  	_ =	shalt  }
0x3e: {  	_ =	shalt  }
0x3f: {  	_ =	shalt  }
0x40: {  	_ =	shalt  }
0x41: {  	_ =	shalt  }
0x42: {  	_ =	shalt  }
0x43: {  	_ =	shalt  }
0x44: {  	_ =	shalt  }
0x45: {  	_ =	shalt  }
0x46: {  	_ =	shalt  }
0x47: {  	_ =	shalt  }
0x48: {  	_ =	shalt  }
0x49: {  	_ =	shalt  }
0x4a: {  	_ =	shalt  }
0x4b: {  	_ =	shalt  }
0x4c: {  	_ =	shalt  }
0x4d: {  	_ =	shalt  }
0x4e: {  	_ =	shalt  }
0x4f: {  	_ =	shalt  }
0x50: {  	_ =	shalt  }
0x51: {  	_ =	shalt  }
0x52: {  	_ =	shalt  }
0x53: {  	_ =	shalt  }
0x54: {  	_ =	shalt  }
0x55: {  	_ =	shalt  }
0x56: {  	_ =	shalt  }
0x57: {  	_ =	shalt  }
0x58: {  	_ =	shalt  }
0x59: {  	_ =	shalt  }
0x5a: {  	_ =	shalt  }
0x5b: {  	_ =	shalt  }
0x5c: {  	_ =	shalt  }
0x5d: {  	_ =	shalt  }
0x5e: {  	_ =	shalt  }
0x5f: {  	_ =	shalt  }
0x60: {  	_ =	shalt  }
0x61: {  	_ =	shalt  }
0x62: {  	_ =	shalt  }
0x63: {  	_ =	shalt  }
0x64: {  	_ =	shalt  }
0x65: {  	_ =	shalt  }
0x66: {  	_ =	shalt  }
0x67: {  	_ =	shalt  }
0x68: {  	_ =	shalt  }
0x69: {  	_ =	shalt  }
0x6a: {  	_ =	shalt  }
0x6b: {  	_ =	shalt  }
0x6c: {  	_ =	shalt  }
0x6d: {  	_ =	shalt  }
0x6e: {  	_ =	shalt  }
0x6f: {  	_ =	shalt  }
0x70: {  	_ =	shalt  }
0x71: {  	_ =	shalt  }
0x72: {  	_ =	shalt  }
0x73: {  	_ =	shalt  }
0x74: {  	_ =	shalt  }
0x75: {  	_ =	shalt  }
0x76: {  	_ =	shalt  }
0x77: {  	_ =	shalt  }
0x78: {  	_ =	shalt  }
0x79: {  	_ =	shalt  }
0x7a: {  	_ =	shalt  }
0x7b: {  	_ =	shalt  }
0x7c: {  	_ =	shalt  }
0x7d: {  	_ =	shalt  }
0x7e: {  	_ =	shalt  }
0x7f: {  	_ =	shalt  }
0x80: {  	_ =	shalt  }
0x81: {  	_ =	shalt  }
0x82: {  	_ =	shalt  }
0x83: {  	_ =	shalt  }
0x84: {  	_ =	shalt  }
0x85: {  	_ =	shalt  }
0x86: {  	_ =	shalt  }
0x87: {  	_ =	shalt  }
.Lfunc_end0:
.L_simem_size_0:
called_computation_lowered:
.L_overlay_start_0:
0x88: {  	s2 =	sld [smem:$0x3FD9]  }
0x89: {  	s3 =	sld [smem:$0x3FFE];
	_ =	sdelay $0x1  }
0x8a: {  	s1 =	srdreg.scid  }
0x8b: {  	s0 =	sand.u32 $0x1, s1  }
0x8c: {  	s17 =	sshll.u32 s0, $0xA;
	s2 =	sadd.s32 s3, s2  }
0x8d: {  	s2 =	sadd.s32 s2, s17  }
0x8e: {  	[smem:$0x3FC5] =	sst s2  }
0x8f: {  	_ = 	snop  }
0x90: {  	s2 =	sld [smem:$0x3FC9]  }
0x91: {  	s18 =	sld [smem:$0x3FD0];
	(tm) =	ssettm $0x1  }
0x92: {  	s4 =	sld [smem:$0x3FFB];
	_ =	sdelay $0x3  }
0x93: {  	_ =	strace s4  }
0x94: {  	s4 =	sld [smem:$0x3FFC];
	_ =	sdelay $0x3  }
0x95: {  	_ =	strace s4  }
0x96: {  	s4 =	sld [smem:$0x3FFD];
	_ =	sdelay $0x3  }
0x97: {  	_ =	strace s4  }
0x98: {  	_ =	strace $0x8FFFFFFF  }
0x99: {  	s19 =	sld [smem:$0x3FDB];
	_ =	sdelay $0x1  }
0x9a: {  	s5 =	simm.s32 $_scs_section_size  }
0x9b: {  	s6 =	simm.s32 $_size__tile_overlayer_lowered;
	s7 =	simm.s32 $_tile_overlayer_lowered  }
0x9c: {  	s22 =	simm.s32 $0x1BFF;
	s21 =	sshll.u32 s7, $0x1;
	s4 =	sadd.s32 s5, s19  }
0x9d: {  	s8 =	simm.s32 $0x0;
	s20 =	sshll.u32 s6, $0x1;
	s6 =	sadd.s32 s21, s4  }
0x9e: {  	[timem:s8], [sflag:s22] =	dma.local [hbm:s6], s20  }
0x9f: {  	_ =	swait.ge [sflag:s22], s20  }
0xa0: {  	s5 =	ssub.s32 $0x0, s20;
	[sflag:s22] =	ssyncset.done $0x0  }
0xa1: {  	[sflag:s22] =	ssyncadd.s32 s5;
	_ =	sdelay $0x1  }
0xa2: {  	s23 =	simm.s32 $0x1B8B  }
0xa3: {  	_ =	swait.ge [sflag:s23], $0x1  }
0xa4: {  	[sflag:s23] =	ssyncset.done $0x0  }
0xa5: {  	s25 =	simm.s32 $0x1B8E;
	s24 =	sld [smem:$0x3FFE];
	[sflag:s23] =	ssyncadd.s32 $0xFFFFFFFF  }
0xa6: {  	s26 =	simm.s32 $execute0_lowered;
	[smem:$0x3FD2] =	sst s25  }
0xa7: {  	s6 =	sshll.u32 s26, $0x1;
	_ =	strace $0x80000046;
	[dreg:$0x1] =	wrdreg $0xFFFFFFFF  }
0xa8: {  	s28 =	simm.s32 $_size_execute0_lowered;
	s4 =	sadd.s32 s4, s6;
	[dreg:$0x0] =	wrdreg $0x0  }
0xa9: {  	s6 =	sshll.u32 s28, $0x1;
	[dreg:$0x2] =	wrdreg s4  }
0xaa: {  	[dreg:$0x3] =	wrdreg s6  }
0xab: {  	[dreg:$0x4] =	wrdreg $0xC0  }
0xac: {  	_ =	task [dreg:s8], $0x5FFFF  }
0xad: {  	[dreg:$0x1] =	wrdreg $0xFFFFFFFF  }
0xae: {  	[dreg:$0x0] =	wrdreg $0x60  }
0xaf: {  	[dreg:$0x2] =	wrdreg s2  }
0xb0: {  	[dreg:$0x3] =	wrdreg s24  }
0xb1: {  	[dreg:$0x4] =	wrdreg s18  }
0xb2: {  	[dreg:$0x5] =	wrdreg $0x9  }
0xb3: {  	_ =	task.clear_ibuf [dreg:s8], $0x6FFFF;
	_ =	strace $0x90000046  }
0xb4: {  	s29 =	simm.s32 $0x9;
	_ =	strace $0x80000048  }
0xb5: {  	_ =	swait.ge [sflag:s29], $0x1  }
0xb6: {  	[sflag:s29] =	ssyncadd.s32 $0xFFFFFFFF  }
0xb7: {  	_ =	strace $0x90000048  }
0xb8: {  	_ =	sfence  }
0xb9: {  	s30 =	sld [smem:$0x0];
	_ =	sdelay $0x2  }
0xba: {  	s31 =	sshll.u32 s1, $0xD;
	s1 =	sshrl.u32 s1, $0x2  }
0xbb: {  	s3 =	sand.u32 $0x4000, s31;
	s1 =	sadd.s32 s1, s30  }
0xbc: {  	s0 =	sor.u32 s3, s0;
	s1 =	sshll.u32 s1, $0x11  }
0xbd: {  	s0 =	sor.u32 s1, s0  }
0xbe: {  	s0 =	sadd.s32 $0x8F2B, s0  }
0xbf: {  	[sflag:s0] =	ssyncadd.remote.s32 $0x1  }
0xc0: {  	_ =	sfence.sel $0xFFFF  }
0xc1: {  	[dreg:$0x0] =	wrdreg $0xFFFFFFFF;
	(pc) =	sbr.abs _section_cstart, $3  }
0xc2: {  	[dreg:$0x1] =	wrdreg $0xFFFFFFFF  }
0xc3: {  	_ =	task.clear_ibuf [dreg:s8], $0x2FFFF;
	_ =	strace $0x9FFFFFFF  }
0xc4: {  	(tm) =	ssettm $0x7FFFFFFF  }
0xc5: {  	_ =	shalt  }
tec
execute0_lowered:
.L_overlay_start_1:
0x0: {  	(tag) =	ssettag $0x1  }
0x1: {  	v0 =	vlaneseq.u32;
	s0 =	rddreg [dreg:$0x0]  }
0x2: {  	s2 =	rddreg [dreg:$0x1];
	s4 =	simm.s32 $0x0;
	v0 =	vmul.u32 $0x20, v0  }
0x3: {  	[smem:$0x7FF] =	sst s4  }
0x4: {  	s1 =	rddreg [dreg:$0x2];
	_ =	strace $0x80000047;
	v2 =	vor.u32 $0x3, v0;
	[tilespmem:$0x1FD40] =	vst v0  }
0x5: {  	v3 =	vor.u32 $0x403, v0;
	[tilespmem:$0x1FC90] =	vst v2  }
0x6: {  	v37 =	vor.u32 $0x1, v0;
	[tilespmem:$0x1FCA0] =	vst v3  }
0x7: {  	v39 =	vor.u32 $0x600, v0;
	[tilespmem:$0x1FD50] =	vst v37  }
0x8: {  	v40 =	vor.u32 $0x400, v0;
	[tilespmem:$0x1FD60] =	vst v39  }
0x9: {  	v41 =	vor.u32 $0x800, v0;
	[tilespmem:$0x1FD70] =	vst v40  }
0xa: {  	v42 =	vor.u32 $0xA00, v0;
	[tilespmem:$0x1FD80] =	vst v41  }
0xb: {  	v43 =	vor.u32 $0x200, v0;
	[tilespmem:$0x1FD90] =	vst v42  }
0xc: {  	v57 =	vor.u32 $0xC00, v0;
	[tilespmem:$0x1FDA0] =	vst v43  }
0xd: {  	v36 =	vor.u32 $0xE04, v0;
	[tilespmem:$0x1FDB0] =	vst v57  }
0xe: {  	v6 =	vor.u32 $0xA02, v0;
	[tilespmem:$0x1FDC0] =	vst v36  }
0xf: {  	v50 =	vor.u32 $0x602, v0;
	[tilespmem:$0x1FDD0] =	vst v6  }
0x10: {  	v45 =	vor.u32 $0x402, v0;
	[tilespmem:$0x1FDE0] =	vst v50  }
0x11: {  	v46 =	vor.u32 $0xC01, v0;
	[tilespmem:$0x1FDF0] =	vst v45  }
0x12: {  	v10 =	vor.u32 $0xA06, v0;
	[tilespmem:$0x1FE00] =	vst v46  }
0x13: {  	v34 =	vor.u32 $0xE01, v0;
	[tilespmem:$0x1FE10] =	vst v10  }
0x14: {  	v35 =	vor.u32 $0xE02, v0;
	[tilespmem:$0x1FE20] =	vst v34  }
0x15: {  	v14 =	vor.u32 $0x404, v0;
	[tilespmem:$0x1FE30] =	vst v35  }
0x16: {  	v15 =	vor.u32 $0x804, v0;
	[tilespmem:$0x1FE40] =	vst v14  }
0x17: {  	v27 =	vor.u32 $0xC06, v0;
	[tilespmem:$0x1FE50] =	vst v15  }
0x18: {  	v55 =	vor.u32 $0x601, v0;
	[tilespmem:$0x1FE60] =	vst v27  }
0x19: {  	v12 =	vor.u32 $0x4, v0;
	[tilespmem:$0x1FE70] =	vst v55  }
0x1a: {  	v38 =	vor.u32 $0x2, v0;
	[tilespmem:$0x1FE80] =	vst v12  }
0x1b: {  	v5 =	vor.u32 $0x802, v0;
	[tilespmem:$0x1FE90] =	vst v38  }
0x1c: {  	v19 =	vor.u32 $0x805, v0;
	[tilespmem:$0x1FEA0] =	vst v5  }
0x1d: {  	v4 =	vor.u32 $0x202, v0;
	[tilespmem:$0x1FEB0] =	vst v19  }
0x1e: {  	v47 =	vor.u32 $0xA01, v0;
	[tilespmem:$0x1FEC0] =	vst v4  }
0x1f: {  	v17 =	vor.u32 $0x205, v0;
	[tilespmem:$0x1FED0] =	vst v47  }
0x20: {  	v8 =	vor.u32 $0x603, v0;
	[tilespmem:$0x1FEE0] =	vst v17  }
0x21: {  	v21 =	vor.u32 $0x6, v0;
	[tilespmem:$0x1FF00] =	vst v8  }
0x22: {  	v51 =	vor.u32 $0xE00, v0;
	[tilespmem:$0x1FF10] =	vst v21  }
0x23: {  	v13 =	vor.u32 $0x204, v0;
	[tilespmem:$0x1FF20] =	vst v51  }
0x24: {  	v23 =	vor.u32 $0x406, v0;
	[tilespmem:$0x1FF30] =	vst v13  }
0x25: {  	v54 =	vor.u32 $0x401, v0;
	[tilespmem:$0x1FF40] =	vst v23  }
0x26: {  	v52 =	vor.u32 $0x801, v0;
	[tilespmem:$0x1FF50] =	vst v54  }
0x27: {  	v18 =	vor.u32 $0x405, v0;
	[tilespmem:$0x1FF60] =	vst v52  }
0x28: {  	v11 =	vor.u32 $0xA03, v0;
	[tilespmem:$0x1FF70] =	vst v18  }
0x29: {  	v7 =	vor.u32 $0xC02, v0;
	[tilespmem:$0x1FF80] =	vst v11  }
0x2a: {  	v53 =	vor.u32 $0x201, v0;
	[tilespmem:$0x1FF90] =	vst v7  }
0x2b: {  	v9 =	vor.u32 $0x806, v0;
	[tilespmem:$0x1FFA0] =	vst v53  }
0x2c: {  	v22 =	vor.u32 $0x206, v0;
	[tilespmem:$0x1FFB0] =	vst v9  }
0x2d: {  	v16 =	vor.u32 $0x5, v0;
	[tilespmem:$0x1FFC0] =	vst v22  }
0x2e: {  	v20 =	vor.u32 $0xE05, v0;
	[tilespmem:$0x1FFD0] =	vst v16  }
0x2f: {  	v3 =	vor.u32 $0x803, v0;
	[tilespmem:$0x1FFF0] =	vst v20  }
0x30: {  	s3 =	srdreg.scid;
	s26 =	stileid.u32;
	v2 =	vor.u32 $0x203, v0;
	[tilespmem:$0x1FCB0] =	vst v3  }
0x31: {  	s9 =	simm.s32 $0x6400;
	s11 =	simm.s32 $0x400;
	s12 =	simm.s32 $0x8000;
	v3 =	vor.u32 $0xC03, v0;
	[tilespmem:$0x1FEF0] =	vst v2  }
0x32: {  	s13 =	simm.s32 $0x80;
	s14 =	simm.s32 $0x7D00;
	s15 =	simm.s32 $0x8D00;
	[tilespmem:$0x1FCC0] =	vst v3;
	v3 =	vor.u32 $0xE03, v0  }
0x33: {  	s17 =	simm.s32 $0x9D00;
	s19 =	simm.s32 $0xAD00;
	s20 =	simm.s32 $0x1;
	[tilespmem:$0x1FCD0] =	vst v3;
	v3 =	vor.u32 $0x604, v0  }
0x34: {  	s22 =	simm.s32 $0x2;
	s24 =	simm.s32 $0x3;
	s3 =	sand.u32 $0x1, s3;
	[tilespmem:$0x1FCE0] =	vst v3;
	v3 =	vor.u32 $0xA04, v0  }
0x35: {  	s4 =	sshll.u32 s26, $0xB;
	s6 =	ssub.s32 $0x2, s3;
	s3 =	sshll.u32 s3, $0xA;
	[tilespmem:$0x1FCF0] =	vst v3;
	v3 =	vor.u32 $0xC04, v0  }
.Ltmp0:
0x36: {  	s5 =	sadd.s32 $0xF42A00, s2;
	s4 =	sor.u32 s3, s4;
	[tilespmem:$0x1FD00] =	vst v3;
	v3 =	vor.u32 $0x605, v0;
	(pc) =	sbr.rel .LBB2_1-.Ltmp0, $4  }
0x37: {  	s2 =	sadd.s32 $0x600, s2;
	s7 =	sshrl.u32 s6, $0x1;
	s30 =	sshrl.u32 s4, $0x3;
	[tilespmem:$0x1FD10] =	vst v3;
	v3 =	vor.u32 $0xA05, v0  }
0x38: {  	[dreg:$0x4] =	wrdreg s2;
	s29 =	ssub.s32 s6, s7;
	s0 =	sadd.s32 s0, s30;
	[tilespmem:$0x1FD20] =	vst v3;
	v3 =	vor.u32 $0xC05, v0  }
0x39: {  	v1 =	vimm.s32 $0x0;
	vm0 =	vcmask $0x300;
	s28 =	simm.s32 $0xED00;
	s31 =	smax.u32 s29, $0x1;
	[dreg:$0x5] =	wrdreg s0;
	[tilespmem:$0x1FD30] =	vst v3;
	v3 =	vor.u32 $0x606, v0  }
0x3a: {  	v1 =	vsel vm0, $0x3, v1;
	s26 =	simm.s32 $0x4;
	s3 =	simm.s32 $0x0;
	[dreg:$0x6] =	wrdreg s31;
	[tilespmem:$0x1FFE0] =	vst v3  }
.LBB2_12:
0x3b: {  	s0 =	simm.s32 $0x5  }
0x3c: {  	_ =	swait.ge [sflag:s0], $0x1000  }
0x3d: {  	[sflag:s0] =	ssyncset.done $0x0  }
0x3e: {  	s29 =	simm.s32 $0x6;
	[sflag:s0] =	ssyncadd.s32 $0xFFFFF000  }
0x3f: {  	_ =	swait.ge [sflag:s29], $0x1000  }
0x40: {  	[sflag:s29] =	ssyncset.done $0x0  }
0x41: {  	s30 =	simm.s32 $0x7;
	[sflag:s29] =	ssyncadd.s32 $0xFFFFF000  }
0x42: {  	_ =	swait.ge [sflag:s30], $0x1000  }
0x43: {  	[sflag:s30] =	ssyncset.done $0x0  }
0x44: {  	s2 =	simm.s32 $0x8;
	[sflag:s30] =	ssyncadd.s32 $0xFFFFF000  }
0x45: {  	_ =	swait.ge [sflag:s2], $0x1000  }
0x46: {  	s3 =	rddreg [dreg:$0x7]  }
0x47: {  	s31 =	rddreg [dreg:$0x6];
	s3 =	sadd.s32 $0x1, s3  }
0x48: {  	p0 =	sne.s32 s3, s31  }
.Ltmp1:
0x49: {  	_ = 	snop;
	(pc) =	sbr.rel @!p0 .LBB2_13-.Ltmp1, $3  }
0x4a: {  	_ =	sdelay $0x1  }
0x4b: {  	[sflag:s2] =	ssyncset.done $0x0  }
0x4c: {  	v7 =	vmov v24;
	[sflag:s2] =	ssyncadd.s32 $0xFFFFF000  }
.LBB2_1:
0x4d: {  	[dreg:$0x7] =	wrdreg s3  }
0x4e: {  	s0 =	simm.s32 $0x0;
	s2 =	rddreg [dreg:$0x4];
	s25 =	simm.s32 $0x9  }
0x4f: {  	[tilespmem:s9], [sflag:$0x9] =	stream.linear.gather [hbm4b:s2+s0], $0x1900, $0x38;
	[tilespmem:$0xFD00] =	vst v63  }
0x50: {  	_ =	swait.ge [sflag:s25], $0x1900  }
0x51: {  	[sflag:s25] =	ssyncset.done $0x0  }
0x52: {  	s29 =	rddreg [dreg:$0x5];
	[sflag:s25] =	ssyncadd.s32 $0xFFFFE700  }
0x53: {  	[tilespmem:s0], [sflag:$0x9] =	stream.strided.gather [hbm4b:s29+s11], $0x6400, s12, s11, $0x38;
	[tilespmem:$0xFD00] =	vst v63  }
0x54: {  	_ =	swait.ge [sflag:s25], $0x6400  }
0x55: {  	[sflag:s25] =	ssyncset.done $0x0  }
0x56: {  	[sflag:s25] =	ssyncadd.s32 $0xFFFF9C00  }
0x57: {  	[tilespmem:s14], [sflag:$0x1] =	stream.indirect.gather [hbm4b:s5+s13], $0x20, s0, s13, $0xb8;
	[tilespmem:$0xFD00] =	vst v63  }
0x58: {  	_ = 	snop  }
0x59: {  	[tilespmem:s15], [sflag:$0x2] =	stream.indirect.gather [hbm4b:s5+s13], $0x20, s13, s13, $0xb8;
	[tilespmem:$0xFD00] =	vst v63  }
0x5a: {  	s30 =	simm.s32 $0x100  }
0x5b: {  	[tilespmem:s17], [sflag:$0x3] =	stream.indirect.gather [hbm4b:s5+s13], $0x20, s30, s13, $0xb8;
	[tilespmem:$0xFD00] =	vst v63  }
0x5c: {  	s31 =	simm.s32 $0x180;
	s16 =	simm.s32 $0x0  }
0x5d: {  	[tilespmem:s19], [sflag:$0x4] =	stream.indirect.gather [hbm4b:s5+s13], $0x20, s31, s13, $0xb8;
	[tilespmem:$0xFD00] =	vst v63  }
.LBB2_2:
0x5e: {  	s18 =	sshll.u32 s16, $0x2;
	_ =	swait.ge [sflag:s20], $0x1000  }
0x5f: {  	p0 =	seq.s32 s16, $0x0;
	[sflag:s20] =	ssyncset.done $0x0;
	s0 =	sshll.u32 s18, $0x5  }
0x60: {  	[sflag:s20] =	ssyncadd.s32 $0xFFFFF000;
	v0 =	vmov s0;
	s0 =	simm.s32 @!p0 $0x5  }
0x61: {  	_ =	swait.ge @!p0 [sflag:s0], $0x1000;
	v3 =	vor.u32 $0x1, v0  }
0x62: {  	[tilespmem:$0x1FC10] =	vst v3;
	v3 =	vor.u32 $0x2, v0  }
0x63: {  	[tilespmem:$0x1FC20] =	vst v3;
	v3 =	vor.u32 $0x3, v0  }
0x64: {  	[tilespmem:$0x1FC30] =	vst v3;
	v3 =	vor.u32 $0x4, v0  }
0x65: {  	[tilespmem:$0x1FC40] =	vst v3;
	v3 =	vor.u32 $0x5, v0  }
0x66: {  	[tilespmem:$0x1FC50] =	vst v3;
	v3 =	vor.u32 $0x6, v0  }
0x67: {  	v33 =	vmov v55;
	[tilespmem:$0x1FC70] =	vst v0  }
0x68: {  	v9 =	vmovc v47;
	v6 =	vmovc v2;
	v53 =	vmov v8;
	v54 =	vmov v12;
	[sflag:s0] =	ssyncset.done @!p0 $0x0;
	v0 =	vor.u32 $0x7, v0;
	[tilespmem:$0x1FC60] =	vst v3  }
0x69: {  	s7 =	simm.s32 $0x0;
	p1 =	por $0x1, $0x1;
	v52 =	vmovc v13;
	v47 =	vmovc v16;
	v55 =	vmov v18;
	v51 =	vmov v20;
	[sflag:s0] =	ssyncadd.s32 @!p0 $0xFFFFF000;
	[tilespmem:$0x1FC80] =	vst v0;
	v3 =	vmov v4  }
.LBB2_3:
0x6a: {  	v2 =	vmov s7;
	v5 =	vld [tilespmem:$0x1FC70]  }
0x6b: {  	v0 =	vld [tilespmem:$0x1FD40];
	v2 =	vshrl.u32 v2, $0x3  }
0x6c: {  	v2 =	vshll.u32 v2, v1  }
0x6d: {  	v18 =	vbroadcast v2, $0x0;
	_ =	sdelay $0x1  }
0x6e: {  	v2 =	vor.u32 v5, v18  }
0x6f: {  	v11 =	vor.u32 v0, v18;
	_ =	sdelay $0x3  }
0x70: {  	v2 =	vld.idx.msk [tilespmem:v2+s9+$0x0], $0xffff  }
0x71: {  	v11 =	vld.idx.msk [tilespmem:v11+s14+$0x0], $0xffff;
	_ =	sdelay $0x2  }
0x72: {  	v12 =	vor.u32 v43, v18;
	_ =	sdelay $0x1  }
0x73: {  	s0 =	sshll.u32 s7, $0x7;
	v11 =	vadd.f32 v11, v2  }
0x74: {  	s6 =	sand.u32 $0x3FFFFF80, s0  }
0x75: {  	[tilespmem:s6+$0xBD00] =	vst v11  }
0x76: {  	v11 =	vld.idx.msk [tilespmem:v12+s14+$0x0], $0xffff;
	_ =	sdelay $0x2  }
0x77: {  	v56 =	vor.u32 v40, v18;
	_ =	sdelay $0x1  }
0x78: {  	v11 =	vadd.f32 v11, v2;
	_ =	sdelay $0x1  }
0x79: {  	v43 =	vld [tilespmem:$0x1FC90];
	[tilespmem:s6+$0xBD10] =	vst v11  }
0x7a: {  	v19 =	vld.idx.msk [tilespmem:v56+s14+$0x0], $0xffff  }
0x7b: {  	v56 =	vld [tilespmem:$0x1FC30];
	_ =	sdelay $0x2  }
0x7c: {  	v17 =	vor.u32 v43, v18  }
0x7d: {  	v11 =	vor.u32 v38, v18  }
0x7e: {  	v8 =	vmov v57;
	v57 =	vor.u32 v18, v56;
	_ =	sdelay $0x1  }
0x7f: {  	v62 =	vor.u32 v3, v18;
	v3 =	vld [tilespmem:$0x1FEE0]  }
0x80: {  	v24 =	vld.idx.msk [tilespmem:v17+s14+$0x0], $0xffff  }
0x81: {  	v21 =	vld.idx.msk [tilespmem:v11+s14+$0x0], $0xffff  }
0x82: {  	v11 =	vld.idx.msk [tilespmem:v57+s9+$0x0], $0xffff  }
0x83: {  	v40 =	vld [tilespmem:$0x1FC10]  }
0x84: {  	v30 =	vmov v7;
	v7 =	vld [tilespmem:$0x1FC20]  }
0x85: {  	v4 =	vld [tilespmem:$0x1FF10]  }
0x86: {  	v46 =	vld [tilespmem:$0x1FC60];
	v14 =	vor.u32 v37, v18  }
0x87: {  	v63 =	vadd.f32 v24, v11;
	v24 =	vor.u32 v3, v18;
	v3 =	vld [tilespmem:$0x1FFC0]  }
0x88: {  	v13 =	vor.u32 v18, v40  }
0x89: {  	v10 =	vld [tilespmem:$0x1FC40]  }
0x8a: {  	v16 =	vor.u32 v18, v7;
	v25 =	vor.u32 v4, v18;
	v4 =	vld [tilespmem:$0x1FFA0]  }
0x8b: {  	v60 =	vor.u32 v18, v46;
	v20 =	vld.idx.msk [tilespmem:v14+s14+$0x0], $0xffff  }
0x8c: {  	v38 =	vor.u32 v3, v18;
	v3 =	vld [tilespmem:$0x1FF50]  }
0x8d: {  	v15 =	vld.idx.msk [tilespmem:v13+s9+$0x0], $0xffff  }
0x8e: {  	v59 =	vor.u32 v54, v18  }
0x8f: {  	v58 =	vor.u32 v18, v10;
	v13 =	vld.idx.msk [tilespmem:v16+s9+$0x0], $0xffff  }
0x90: {  	v28 =	vor.u32 v4, v18;
	v16 =	vld.idx.msk [tilespmem:v60+s9+$0x0], $0xffff  }
0x91: {  	v60 =	vor.u32 v3, v18;
	v3 =	vld [tilespmem:$0x1FDF0]  }
0x92: {  	v48 =	vld [tilespmem:$0x1FC50];
	v20 =	vadd.f32 v20, v15  }
0x93: {  	v26 =	vld.idx.msk [tilespmem:v59+s14+$0x0], $0xffff  }
0x94: {  	v12 =	vld.idx.msk [tilespmem:v58+s9+$0x0], $0xffff;
	[tilespmem:s6+$0xBD80] =	vst v20  }
0x95: {  	v28 =	vld.idx.msk [tilespmem:v28+s14+$0x0], $0xffff  }
0x96: {  	v57 =	vor.u32 v3, v18;
	v3 =	vld [tilespmem:$0x1FCA0]  }
0x97: {  	v21 =	vadd.f32 v21, v13;
	_ =	sdelay $0x1  }
0x98: {  	[tilespmem:s6+$0xBE00] =	vst v21  }
0x99: {  	v22 =	vor.u32 v18, v48;
	v31 =	vadd.f32 v26, v12;
	v26 =	vld.idx.msk [tilespmem:v62+s14+$0x0], $0xffff  }
0x9a: {  	[tilespmem:s6+$0xBE80] =	vst v63;
	v63 =	vadd.f32 v28, v15;
	v28 =	vor.u32 v3, v18;
	v3 =	vld [tilespmem:$0x1FE40]  }
0x9b: {  	v23 =	vor.u32 v47, v18  }
0x9c: {  	v49 =	vld [tilespmem:$0x1FC80]  }
0x9d: {  	v25 =	vld.idx.msk [tilespmem:v25+s14+$0x0], $0xffff;
	v58 =	vor.u32 v6, v18  }
0x9e: {  	v14 =	vld.idx.msk [tilespmem:v22+s9+$0x0], $0xffff  }
0x9f: {  	[tilespmem:s6+$0xBF00] =	vst v31;
	v31 =	vadd.f32 v26, v13;
	v26 =	vor.u32 v3, v18;
	v3 =	vld [tilespmem:$0x1FF40]  }
0xa0: {  	v44 =	vor.u32 $0x7, v0;
	v23 =	vld.idx.msk [tilespmem:v23+s14+$0x0], $0xffff  }
0xa1: {  	v61 =	vor.u32 v44, v18  }
0xa2: {  	v27 =	vor.u32 v18, v49;
	v50 =	vadd.f32 v25, v16;
	v58 =	vld.idx.msk [tilespmem:v58+s14+$0x0], $0xffff;
	_ =	sdelay $0x1  }
0xa3: {  	[tilespmem:s6+$0xC000] =	vst v50;
	v50 =	vor.u32 v3, v18;
	v3 =	vld [tilespmem:$0x1FDE0]  }
0xa4: {  	v32 =	vadd.f32 v23, v14  }
0xa5: {  	v22 =	vld.idx.msk [tilespmem:v61+s14+$0x0], $0xffff  }
0xa6: {  	v59 =	vor.u32 v52, v18;
	v17 =	vld.idx.msk [tilespmem:v27+s9+$0x0], $0xffff;
	[tilespmem:s6+$0xBF80] =	vst v32;
	v32 =	vadd.f32 v58, v11  }
0xa7: {  	v27 =	vor.u32 v39, v18  }
0xa8: {  	[tilespmem:s6+$0xBE90] =	vst v32;
	v32 =	vor.u32 v3, v18;
	v3 =	vld [tilespmem:$0x1FCE0]  }
0xa9: {  	v45 =	vor.u32 $0x207, v0;
	v19 =	vadd.f32 v19, v2  }
0xaa: {  	v39 =	vor.u32 v45, v18  }
0xab: {  	v22 =	vadd.f32 v22, v17;
	v59 =	vld.idx.msk [tilespmem:v59+s14+$0x0], $0xffff;
	[tilespmem:s6+$0xBD20] =	vst v19  }
0xac: {  	v25 =	vld.idx.msk [tilespmem:v27+s14+$0x0], $0xffff  }
0xad: {  	[tilespmem:s6+$0xC080] =	vst v22;
	v22 =	vor.u32 v3, v18;
	v3 =	vld [tilespmem:$0x1FD10]  }
0xae: {  	v24 =	vld.idx.msk [tilespmem:v24+s14+$0x0], $0xffff  }
0xaf: {  	v21 =	vld.idx.msk [tilespmem:v39+s14+$0x0], $0xffff  }
0xb0: {  	v61 =	vor.u32 v41, v18;
	[tilespmem:s6+$0xBE10] =	vst v31;
	v23 =	vld.idx.msk [tilespmem:v38+s14+$0x0], $0xffff  }
0xb1: {  	v27 =	vor.u32 v55, v18;
	v25 =	vadd.f32 v25, v2;
	v19 =	vld.idx.msk [tilespmem:v57+s14+$0x0], $0xffff  }
0xb2: {  	v38 =	vadd.f32 v59, v12;
	v57 =	vor.u32 v3, v18;
	v3 =	vld [tilespmem:$0x1FFE0]  }
0xb3: {  	[tilespmem:s6+$0xBD30] =	vst v25;
	v39 =	vadd.f32 v24, v14;
	v28 =	vld.idx.msk [tilespmem:v28+s14+$0x0], $0xffff  }
0xb4: {  	[tilespmem:s6+$0xBF10] =	vst v38  }
0xb5: {  	[tilespmem:s6+$0xBF90] =	vst v39;
	v38 =	vld.idx.msk [tilespmem:v61+s14+$0x0], $0xffff;
	v31 =	vadd.f32 v23, v16  }
0xb6: {  	v59 =	vor.u32 v33, v18;
	v39 =	vor.u32 v53, v18;
	v33 =	vld.idx.msk [tilespmem:v27+s14+$0x0], $0xffff  }
0xb7: {  	[tilespmem:s6+$0xC010] =	vst v31;
	v19 =	vadd.f32 v19, v13;
	v25 =	vor.u32 v3, v18;
	v3 =	vld [tilespmem:$0x1FF60]  }
0xb8: {  	[tilespmem:s6+$0xBD90] =	vst v63;
	v24 =	vld.idx.msk [tilespmem:v50+s14+$0x0], $0xffff;
	v50 =	vadd.f32 v28, v11  }
0xb9: {  	v58 =	vor.u32 $0x407, v0;
	v60 =	vld.idx.msk [tilespmem:v60+s14+$0x0], $0xffff;
	[tilespmem:s6+$0xBE20] =	vst v19  }
0xba: {  	v41 =	vor.u32 v58, v18;
	[tilespmem:s6+$0xBEA0] =	vst v50;
	v23 =	vld.idx.msk [tilespmem:v32+s14+$0x0], $0xffff  }
0xbb: {  	v32 =	vadd.f32 v33, v14;
	v33 =	vadd.f32 v38, v2;
	v38 =	vld.idx.msk [tilespmem:v39+s14+$0x0], $0xffff  }
0xbc: {  	v21 =	vadd.f32 v21, v17;
	v39 =	vor.u32 v3, v18;
	v3 =	vld [tilespmem:$0x1FEA0]  }
0xbd: {  	v26 =	vld.idx.msk [tilespmem:v26+s14+$0x0], $0xffff  }
0xbe: {  	[tilespmem:s6+$0xC090] =	vst v21  }
0xbf: {  	v20 =	vld.idx.msk [tilespmem:v41+s14+$0x0], $0xffff;
	v41 =	vor.u32 v42, v18;
	v60 =	vadd.f32 v60, v15;
	[tilespmem:s6+$0xBFA0] =	vst v32  }
0xc0: {  	v57 =	vld.idx.msk [tilespmem:v57+s14+$0x0], $0xffff  }
0xc1: {  	[tilespmem:s6+$0xBDA0] =	vst v60;
	v42 =	vadd.f32 v24, v16;
	v24 =	vor.u32 v3, v18;
	v3 =	vld [tilespmem:$0x1FCB0]  }
0xc2: {  	v62 =	vld.idx.msk [tilespmem:v59+s14+$0x0], $0xffff;
	v31 =	vadd.f32 v26, v12  }
0xc3: {  	v6 =	vld [tilespmem:$0x1FDD0];
	[tilespmem:s6+$0xBD40] =	vst v33  }
0xc4: {  	[tilespmem:s6+$0xBF20] =	vst v31;
	v59 =	vld.idx.msk [tilespmem:v41+s14+$0x0], $0xffff  }
0xc5: {  	v22 =	vld.idx.msk [tilespmem:v22+s14+$0x0], $0xffff  }
0xc6: {  	v57 =	vadd.f32 v57, v14;
	v32 =	vor.u32 v3, v18;
	v3 =	vld [tilespmem:$0x1FE50]  }
0xc7: {  	v63 =	vor.u32 v8, v18;
	v31 =	vadd.f32 v62, v15  }
0xc8: {  	[tilespmem:s6+$0xBFB0] =	vst v57;
	v57 =	vor.u32 v6, v18;
	v6 =	vld [tilespmem:$0x1FF80]  }
0xc9: {  	[tilespmem:s6+$0xBDB0] =	vst v31;
	v59 =	vadd.f32 v59, v2  }
0xca: {  	[tilespmem:s6+$0xC020] =	vst v42;
	v61 =	vld.idx.msk [tilespmem:v39+s14+$0x0], $0xffff;
	v39 =	vadd.f32 v22, v12  }
0xcb: {  	[tilespmem:s6+$0xBD50] =	vst v59;
	v25 =	vld.idx.msk [tilespmem:v25+s14+$0x0], $0xffff;
	v42 =	vor.u32 v3, v18  }
0xcc: {  	[tilespmem:s6+$0xBF30] =	vst v39;
	v39 =	vld.idx.msk [tilespmem:v63+s14+$0x0], $0xffff  }
0xcd: {  	v63 =	vor.u32 v6, v18;
	v6 =	vld [tilespmem:$0x1FCF0]  }
0xce: {  	v50 =	vor.u32 $0x607, v0;
	v33 =	vadd.f32 v38, v11  }
0xcf: {  	v19 =	vor.u32 v50, v18;
	v3 =	vld [tilespmem:$0x1FEB0]  }
0xd0: {  	v41 =	vadd.f32 v23, v13;
	[tilespmem:s6+$0xBEB0] =	vst v33;
	v23 =	vld.idx.msk [tilespmem:v42+s14+$0x0], $0xffff;
	v42 =	vadd.f32 v25, v16  }
0xd1: {  	v20 =	vadd.f32 v20, v17;
	v32 =	vld.idx.msk [tilespmem:v32+s14+$0x0], $0xffff  }
0xd2: {  	[tilespmem:s6+$0xC030] =	vst v42;
	v42 =	vor.u32 v6, v18;
	v6 =	vld [tilespmem:$0x1FD20]  }
0xd3: {  	[tilespmem:s6+$0xC0A0] =	vst v20;
	v60 =	vld [tilespmem:$0x1FE00];
	v33 =	vor.u32 v9, v18  }
0xd4: {  	v19 =	vld.idx.msk [tilespmem:v19+s14+$0x0], $0xffff  }
0xd5: {  	[tilespmem:s6+$0xBE30] =	vst v41;
	v61 =	vadd.f32 v61, v15;
	v38 =	vor.u32 v3, v18;
	v3 =	vld [tilespmem:$0x1FFB0]  }
0xd6: {  	v41 =	vld.idx.msk [tilespmem:v24+s14+$0x0], $0xffff  }
0xd7: {  	[tilespmem:s6+$0xBDC0] =	vst v61;
	v59 =	vadd.f32 v32, v11;
	v32 =	vor.u32 v6, v18;
	v6 =	vld [tilespmem:$0x1FF20]  }
0xd8: {  	v62 =	vld.idx.msk [tilespmem:v33+s14+$0x0], $0xffff  }
0xd9: {  	[tilespmem:s6+$0xBEC0] =	vst v59;
	v59 =	vld [tilespmem:$0x1FE10]  }
0xda: {  	v27 =	vld.idx.msk [tilespmem:v63+s14+$0x0], $0xffff;
	v24 =	vor.u32 v3, v18;
	v3 =	vor.u32 $0x807, v0;
	v33 =	vadd.f32 v23, v12  }
0xdb: {  	v38 =	vld.idx.msk [tilespmem:v38+s14+$0x0], $0xffff;
	v21 =	vor.u32 v3, v18  }
0xdc: {  	[tilespmem:s6+$0xBF40] =	vst v33;
	v29 =	vor.u32 v6, v18;
	v6 =	vld [tilespmem:$0x1FD00]  }
0xdd: {  	v19 =	vadd.f32 v19, v17;
	v22 =	vld.idx.msk [tilespmem:v42+s14+$0x0], $0xffff  }
0xde: {  	v39 =	vadd.f32 v39, v2;
	v42 =	vadd.f32 v62, v15;
	v62 =	vld [tilespmem:$0x1FCC0]  }
0xdf: {  	[tilespmem:s6+$0xC0B0] =	vst v19;
	v41 =	vadd.f32 v41, v13;
	v24 =	vld.idx.msk [tilespmem:v24+s14+$0x0], $0xffff  }
0xe0: {  	[tilespmem:s6+$0xBD60] =	vst v39;
	v38 =	vadd.f32 v38, v14;
	v21 =	vld.idx.msk [tilespmem:v21+s14+$0x0], $0xffff  }
0xe1: {  	[tilespmem:s6+$0xBE40] =	vst v41;
	v39 =	vor.u32 v6, v18;
	v6 =	vld [tilespmem:$0x1FD30]  }
0xe2: {  	v63 =	vor.u32 v60, v18;
	v23 =	vld.idx.msk [tilespmem:v57+s14+$0x0], $0xffff;
	[tilespmem:s6+$0xBFC0] =	vst v38;
	v61 =	vadd.f32 v22, v12  }
0xe3: {  	v57 =	vor.u32 $0xA07, v0;
	v25 =	vor.u32 v59, v18;
	v26 =	vld.idx.msk [tilespmem:v32+s14+$0x0], $0xffff  }
0xe4: {  	v20 =	vor.u32 v57, v18;
	[tilespmem:s6+$0xBF50] =	vst v61;
	v61 =	vld [tilespmem:$0x1FCD0]  }
0xe5: {  	v41 =	vadd.f32 v24, v16;
	v24 =	vor.u32 v30, v18;
	v28 =	vld.idx.msk [tilespmem:v29+s14+$0x0], $0xffff  }
0xe6: {  	[tilespmem:s6+$0xBDD0] =	vst v42;
	v33 =	vor.u32 v62, v18;
	v21 =	vadd.f32 v21, v17;
	v42 =	vor.u32 v6, v18;
	v6 =	vld [tilespmem:$0x1FE60]  }
0xe7: {  	v38 =	vadd.f32 v23, v13;
	[tilespmem:s6+$0xC040] =	vst v41;
	v29 =	vld.idx.msk [tilespmem:v63+s14+$0x0], $0xffff  }
0xe8: {  	v41 =	vadd.f32 v27, v11;
	v25 =	vld.idx.msk [tilespmem:v25+s14+$0x0], $0xffff;
	[tilespmem:s6+$0xC0C0] =	vst v21  }
0xe9: {  	[tilespmem:s6+$0xBE50] =	vst v38;
	v20 =	vld.idx.msk [tilespmem:v20+s14+$0x0], $0xffff  }
0xea: {  	[tilespmem:s6+$0xBED0] =	vst v41;
	v63 =	vld.idx.msk [tilespmem:v24+s14+$0x0], $0xffff  }
0xeb: {  	v33 =	vld.idx.msk [tilespmem:v33+s14+$0x0], $0xffff;
	v32 =	vor.u32 v6, v18  }
0xec: {  	v8 =	vor.u32 $0xC07, v0;
	v31 =	vadd.f32 v26, v14  }
0xed: {  	v38 =	vor.u32 v8, v18;
	v23 =	vld.idx.msk [tilespmem:v39+s14+$0x0], $0xffff;
	v39 =	vadd.f32 v25, v16  }
0xee: {  	v21 =	vor.u32 v34, v18;
	[tilespmem:s6+$0xBFD0] =	vst v31  }
0xef: {  	v24 =	vor.u32 v35, v18;
	v28 =	vadd.f32 v28, v2;
	v20 =	vadd.f32 v20, v17;
	[tilespmem:s6+$0xC050] =	vst v39  }
0xf0: {  	s2 =	sor.u32 $0x8, s7;
	v27 =	vor.u32 v61, v18;
	v22 =	vadd.f32 v63, v13;
	v26 =	vadd.f32 v33, v11;
	v2 =	vld.idx.msk [tilespmem:v32+s14+$0x0], $0xffff  }
0xf1: {  	s8 =	sor.u32 $0xA, s7;
	v31 =	vmov s2;
	v39 =	vor.u32 v51, v18;
	[tilespmem:s6+$0xC0D0] =	vst v20;
	v41 =	vld.idx.msk [tilespmem:v42+s14+$0x0], $0xffff;
	v42 =	vadd.f32 v29, v15  }
0xf2: {  	s3 =	sor.u32 $0x9, s7;
	v63 =	vor.u32 $0xE06, v0;
	v19 =	vld.idx.msk [tilespmem:v38+s14+$0x0], $0xffff;
	v38 =	vor.u32 v36, v18;
	[tilespmem:s6+$0xBE60] =	vst v22;
	v36 =	vmov s8  }
0xf3: {  	v23 =	vadd.f32 v23, v12;
	v22 =	vshrl.u32 v36, $0x3;
	[tilespmem:s6+$0xBDE0] =	vst v42;
	v42 =	vmov s3  }
0xf4: {  	v33 =	vor.u32 v63, v18;
	v22 =	vshll.u32 v22, v1;
	v35 =	vshrl.u32 v42, $0x3  }
0xf5: {  	[tilespmem:s6+$0xBF60] =	vst v23;
	v23 =	vbroadcast v22, $0x0;
	v32 =	vadd.f32 v2, v16;
	v2 =	vshrl.u32 v31, $0x3  }
0xf6: {  	v34 =	vld.idx.msk [tilespmem:v21+s14+$0x0], $0xffff;
	v21 =	vshll.u32 v35, v1;
	v25 =	vadd.f32 v41, v14;
	v41 =	vshll.u32 v2, v1  }
0xf7: {  	s10 =	sor.u32 $0xB, s7;
	v20 =	vadd.f32 v19, v17;
	v2 =	vor.u32 $0xE07, v0;
	v19 =	vbroadcast v41, $0x0  }
0xf8: {  	s30 =	sor.u32 $0xD, s7;
	v21 =	vbroadcast v21, $0x0;
	v29 =	vld.idx.msk [tilespmem:v38+s14+$0x0], $0xffff;
	v38 =	vmov s10;
	[tilespmem:s6+$0xBFE0] =	vst v25;
	v18 =	vor.u32 v2, v18  }
0xf9: {  	v4 =	vmovc v30;
	[tilespmem:s6+$0xBEE0] =	vst v26;
	v22 =	vmov s30;
	v30 =	vld.idx.msk [tilespmem:v39+s14+$0x0], $0xffff;
	v39 =	vshrl.u32 v38, $0x3;
	v26 =	vor.u32 v5, v19  }
0xfa: {  	v35 =	vld.idx.msk [tilespmem:v27+s14+$0x0], $0xffff;
	v27 =	vor.u32 v21, v40;
	v40 =	vshll.u32 v39, v1;
	v25 =	vor.u32 v0, v19  }
0xfb: {  	v22 =	vshrl.u32 v22, $0x3;
	v31 =	vld.idx.msk [tilespmem:v24+s14+$0x0], $0xffff;
	v24 =	vbroadcast v40, $0x0;
	[tilespmem:s6+$0xC060] =	vst v32  }
0xfc: {  	s29 =	sor.u32 $0xC, s7;
	v22 =	vshll.u32 v22, v1;
	[tilespmem:s6+$0xC0E0] =	vst v20;
	v34 =	vadd.f32 v34, v15;
	v32 =	vld.idx.msk [tilespmem:v33+s14+$0x0], $0xffff  }
0xfd: {  	s21 =	sor.u32 $0xE, s7;
	v41 =	vmov s29;
	v40 =	vor.u32 v24, v56;
	v33 =	vor.u32 v37, v21;
	v36 =	vld.idx.msk [tilespmem:v18+s14+$0x0], $0xffff  }
0xfe: {  	v56 =	vmov s21;
	v37 =	vor.u32 v23, v7;
	v42 =	vshrl.u32 v41, $0x3;
	v18 =	vld.idx.msk [tilespmem:v26+s9+$0x0], $0xffff  }
0xff: {  	s23 =	sor.u32 $0xF, s7;
	v41 =	vor.u32 v43, v24;
	v20 =	vshll.u32 v42, v1;
	v39 =	vld.idx.msk [tilespmem:v25+s14+$0x0], $0xffff;
	v26 =	vbroadcast v22, $0x0  }
0x100: {  	[tilespmem:s6+$0xBD70] =	vst v28;
	v25 =	vbroadcast v20, $0x0;
	v20 =	vld.idx.msk [tilespmem:v27+s9+$0x0], $0xffff;
	v27 =	vshrl.u32 v56, $0x3;
	v56 =	vmov s23  }
0x101: {  	v9 =	vld [tilespmem:$0x1FE90];
	[tilespmem:s6+$0xBDF0] =	vst v34;
	v14 =	vadd.f32 v30, v14;
	v43 =	vshrl.u32 v56, $0x3;
	v56 =	vor.u32 v47, v26  }
0x102: {  	v13 =	vadd.f32 v31, v13;
	v33 =	vld.idx.msk [tilespmem:v33+s14+$0x0], $0xffff;
	v27 =	vshll.u32 v27, v1;
	v42 =	vor.u32 v25, v10  }
0x103: {  	[tilespmem:s6+$0xBFF0] =	vst v14;
	v16 =	vadd.f32 v32, v16;
	v22 =	vld.idx.msk [tilespmem:v37+s9+$0x0], $0xffff;
	v37 =	vor.u32 v54, v25;
	v27 =	vbroadcast v27, $0x0  }
0x104: {  	v7 =	vmovc v4;
	v4 =	vld [tilespmem:$0x1FEE0];
	[tilespmem:s6+$0xBE70] =	vst v13;
	v10 =	vmov v44;
	v44 =	vor.u32 v26, v48;
	v48 =	vadd.f32 v29, v12  }
0x105: {  	v31 =	vld.idx.msk [tilespmem:v41+s14+$0x0], $0xffff;
	[tilespmem:s6+$0xC070] =	vst v16;
	v41 =	vor.u32 v27, v46;
	v46 =	vadd.f32 v35, v11  }
0x106: {  	[tilespmem:s6+$0xBF70] =	vst v48;
	v34 =	vld.idx.msk [tilespmem:v56+s14+$0x0], $0xffff;
	v56 =	vadd.f32 v36, v17  }
0x107: {  	s7 =	sshll.u32 s3, $0x7;
	v33 =	vadd.f32 v33, v20;
	[tilespmem:s6+$0xBEF0] =	vst v46;
	v11 =	vld.idx.msk [tilespmem:v42+s9+$0x0], $0xffff  }
0x108: {  	v29 =	vld.idx.msk [tilespmem:v37+s14+$0x0], $0xffff;
	[tilespmem:s6+$0xC0F0] =	vst v56;
	s6 =	sand.u32 $0x3FFFFF80, s7  }
0x109: {  	[tilespmem:s6+$0xBD00] =	vst v33;
	v33 =	vor.u32 v4, v26;
	v4 =	vld [tilespmem:$0x1FFC0];
	_ =	sdelay $0x1  }
0x10a: {  	v38 =	vor.u32 v9, v23  }
0x10b: {  	v5 =	vld [tilespmem:$0x1FFA0];
	v43 =	vshll.u32 v43, v1  }
0x10c: {  	v28 =	vbroadcast v43, $0x0  }
0x10d: {  	v56 =	vadd.f32 v29, v11;
	v29 =	vor.u32 v4, v27;
	v4 =	vld [tilespmem:$0x1FF50]  }
0x10e: {  	v49 =	vor.u32 v28, v49  }
0x10f: {  	v38 =	vld.idx.msk [tilespmem:v38+s14+$0x0], $0xffff;
	v30 =	vor.u32 v10, v28  }
0x110: {  	s3 =	sshll.u32 s29, $0x7;
	v12 =	vld.idx.msk [tilespmem:v44+s9+$0x0], $0xffff;
	v44 =	vor.u32 v5, v21  }
0x111: {  	s29 =	sand.u32 $0x3FFFFF80, s3;
	v5 =	vld [tilespmem:$0x1FEC0]  }
0x112: {  	[tilespmem:s29+$0xBD00] =	vst v56;
	v56 =	vor.u32 v4, v21;
	v4 =	vld [tilespmem:$0x1FDF0]  }
0x113: {  	v14 =	vld.idx.msk [tilespmem:v49+s9+$0x0], $0xffff  }
0x114: {  	v30 =	vld.idx.msk [tilespmem:v30+s14+$0x0], $0xffff  }
0x115: {  	s31 =	sshll.u32 s10, $0x7;
	s10 =	sshll.u32 s30, $0x7;
	v17 =	vld.idx.msk [tilespmem:v44+s14+$0x0], $0xffff;
	v44 =	vadd.f32 v34, v12  }
0x116: {  	v6 =	vld [tilespmem:$0x1FEF0];
	s30 =	sand.u32 $0x3FFFFF80, s10;
	v48 =	vor.u32 v5, v23  }
0x117: {  	[tilespmem:s30+$0xBD00] =	vst v44;
	v44 =	vor.u32 v4, v23;
	v4 =	vld [tilespmem:$0x1FCA0]  }
0x118: {  	s25 =	sshll.u32 s8, $0x7;
	v15 =	vld.idx.msk [tilespmem:v40+s9+$0x0], $0xffff;
	v49 =	vadd.f32 v38, v22  }
0x119: {  	v0 =	vld [tilespmem:$0x1FF10];
	s7 =	sand.u32 $0x3FFFFF80, s25  }
0x11a: {  	v43 =	vld [tilespmem:$0x1FDA0];
	s25 =	sshll.u32 s23, $0x7;
	[tilespmem:s7+$0xBD00] =	vst v49;
	v30 =	vadd.f32 v30, v14  }
0x11b: {  	s8 =	sand.u32 $0x3FFFFF80, s31;
	v46 =	vadd.f32 v39, v18;
	v39 =	vor.u32 v6, v24;
	s31 =	sand.u32 $0x3FFFFF80, s25;
	v36 =	vld.idx.msk [tilespmem:v48+s14+$0x0], $0xffff  }
0x11c: {  	[tilespmem:s31+$0xBD00] =	vst v30;
	v30 =	vor.u32 v4, v24;
	v4 =	vld [tilespmem:$0x1FE40]  }
0x11d: {  	v31 =	vadd.f32 v31, v15  }
0x11e: {  	s0 =	sshll.u32 s2, $0x7;
	v35 =	vor.u32 v0, v27  }
0x11f: {  	s2 =	sand.u32 $0x3FFFFF80, s0;
	v40 =	vld [tilespmem:$0x1FD70];
	[tilespmem:s8+$0xBD00] =	vst v31;
	v32 =	vor.u32 v43, v19  }
0x120: {  	[tilespmem:s2+$0xBD00] =	vst v46;
	v46 =	vor.u32 v45, v28;
	v49 =	vld.idx.msk [tilespmem:v39+s14+$0x0], $0xffff  }
0x121: {  	[tilespmem:$0x1FBD0] =	vst v45;
	v45 =	vadd.f32 v36, v22;
	v36 =	vor.u32 v4, v25;
	v4 =	vld [tilespmem:$0x1FF40]  }
0x122: {  	v13 =	vld.idx.msk [tilespmem:v41+s9+$0x0], $0xffff  }
0x123: {  	v35 =	vld.idx.msk [tilespmem:v35+s14+$0x0], $0xffff  }
0x124: {  	v37 =	vor.u32 v52, v25;
	v32 =	vld.idx.msk [tilespmem:v32+s14+$0x0], $0xffff  }
0x125: {  	v34 =	vld.idx.msk [tilespmem:v46+s14+$0x0], $0xffff  }
0x126: {  	v46 =	vadd.f32 v49, v15;
	v49 =	vor.u32 v4, v27;
	v4 =	vld [tilespmem:$0x1FE70];
	_ =	sdelay $0x1  }
0x127: {  	s21 =	sshll.u32 s21, $0x7;
	v35 =	vadd.f32 v35, v13  }
0x128: {  	s0 =	sand.u32 $0x3FFFFF80, s21;
	v37 =	vld.idx.msk [tilespmem:v37+s14+$0x0], $0xffff;
	v48 =	vor.u32 v40, v19  }
0x129: {  	[tilespmem:s0+$0xBD00] =	vst v35  }
0x12a: {  	v32 =	vadd.f32 v32, v18;
	[tilespmem:s8+$0xBD10] =	vst v46;
	v46 =	vor.u32 v4, v21;
	v4 =	vld [tilespmem:$0x1FDE0]  }
0x12b: {  	v29 =	vld.idx.msk [tilespmem:v29+s14+$0x0], $0xffff  }
0x12c: {  	[tilespmem:s2+$0xBD10] =	vst v32  }
0x12d: {  	v16 =	vld.idx.msk [tilespmem:v48+s14+$0x0], $0xffff;
	v48 =	vadd.f32 v37, v11;
	[tilespmem:s7+$0xBD10] =	vst v45  }
0x12e: {  	v35 =	vld.idx.msk [tilespmem:v44+s14+$0x0], $0xffff  }
0x12f: {  	v17 =	vadd.f32 v17, v20;
	[tilespmem:s29+$0xBD10] =	vst v48;
	v48 =	vor.u32 v4, v23;
	v4 =	vld [tilespmem:$0x1FCE0]  }
0x130: {  	v29 =	vadd.f32 v29, v13  }
0x131: {  	[tilespmem:s6+$0xBD10] =	vst v17  }
0x132: {  	v31 =	vld.idx.msk [tilespmem:v56+s14+$0x0], $0xffff;
	[tilespmem:s0+$0xBD10] =	vst v29  }
0x133: {  	v37 =	vld.idx.msk [tilespmem:v49+s14+$0x0], $0xffff  }
0x134: {  	v49 =	vadd.f32 v35, v22;
	v35 =	vor.u32 v4, v25;
	v4 =	vld [tilespmem:$0x1FD10]  }
0x135: {  	v0 =	vld [tilespmem:$0x1FDB0]  }
0x136: {  	v39 =	vld [tilespmem:$0x1FD60]  }
0x137: {  	v33 =	vld.idx.msk [tilespmem:v33+s14+$0x0], $0xffff;
	v31 =	vadd.f32 v31, v20  }
0x138: {  	v44 =	vor.u32 v58, v28;
	v36 =	vld.idx.msk [tilespmem:v36+s14+$0x0], $0xffff  }
0x139: {  	[tilespmem:s6+$0xBD20] =	vst v31;
	v31 =	vor.u32 v4, v26;
	v4 =	vld [tilespmem:$0x1FFE0]  }
0x13a: {  	v42 =	vld [tilespmem:$0x1FD90];
	v38 =	vor.u32 v55, v26;
	v34 =	vadd.f32 v34, v14  }
0x13b: {  	v41 =	vld [tilespmem:$0x1FD80];
	v45 =	vor.u32 v39, v19  }
0x13c: {  	v56 =	vadd.f32 v33, v12;
	[tilespmem:s31+$0xBD10] =	vst v34;
	v30 =	vld.idx.msk [tilespmem:v30+s14+$0x0], $0xffff  }
0x13d: {  	v16 =	vadd.f32 v16, v18;
	v33 =	vld.idx.msk [tilespmem:v44+s14+$0x0], $0xffff  }
0x13e: {  	[tilespmem:s30+$0xBD10] =	vst v56;
	v56 =	vadd.f32 v36, v11;
	v36 =	vor.u32 v4, v27;
	v4 =	vld [tilespmem:$0x1FF60]  }
0x13f: {  	v38 =	vld.idx.msk [tilespmem:v38+s14+$0x0], $0xffff;
	[tilespmem:s2+$0xBD20] =	vst v16  }
0x140: {  	v34 =	vor.u32 v53, v24;
	v32 =	vld.idx.msk [tilespmem:v45+s14+$0x0], $0xffff  }
0x141: {  	v45 =	vor.u32 v50, v28;
	v17 =	vld.idx.msk [tilespmem:v46+s14+$0x0], $0xffff  }
0x142: {  	v30 =	vadd.f32 v30, v15;
	v46 =	vld [tilespmem:$0x1FEA0]  }
0x143: {  	v33 =	vadd.f32 v33, v14;
	[tilespmem:s7+$0xBD20] =	vst v49;
	v49 =	vor.u32 v4, v21;
	v4 =	vld [tilespmem:$0x1FCB0]  }
0x144: {  	[tilespmem:s8+$0xBD20] =	vst v30;
	v29 =	vld.idx.msk [tilespmem:v48+s14+$0x0], $0xffff;
	v48 =	vor.u32 v41, v19  }
0x145: {  	[tilespmem:s31+$0xBD20] =	vst v33;
	v34 =	vld.idx.msk [tilespmem:v34+s14+$0x0], $0xffff  }
0x146: {  	v44 =	vadd.f32 v38, v12;
	v32 =	vadd.f32 v32, v18;
	v38 =	vld.idx.msk [tilespmem:v45+s14+$0x0], $0xffff;
	[tilespmem:s29+$0xBD20] =	vst v56  }
0x147: {  	[tilespmem:$0x1FBE0] =	vst v50;
	v50 =	vor.u32 v46, v23;
	v17 =	vadd.f32 v17, v20;
	v35 =	vld.idx.msk [tilespmem:v35+s14+$0x0], $0xffff  }
0x148: {  	[tilespmem:s2+$0xBD30] =	vst v32;
	v56 =	vor.u32 v4, v24;
	v4 =	vld [tilespmem:$0x1FE50]  }
0x149: {  	[tilespmem:s6+$0xBD30] =	vst v17;
	v29 =	vadd.f32 v29, v22;
	v16 =	vld.idx.msk [tilespmem:v48+s14+$0x0], $0xffff  }
0x14a: {  	[tilespmem:$0x1FBF0] =	vst v3;
	v37 =	vadd.f32 v37, v13;
	v30 =	vld.idx.msk [tilespmem:v49+s14+$0x0], $0xffff  }
0x14b: {  	[tilespmem:s7+$0xBD30] =	vst v29;
	v49 =	vor.u32 v3, v28;
	v3 =	vld [tilespmem:$0x1FDD0]  }
0x14c: {  	[tilespmem:s0+$0xBD20] =	vst v37;
	v37 =	vld.idx.msk [tilespmem:v50+s14+$0x0], $0xffff;
	v50 =	vor.u32 v42, v19  }
0x14d: {  	[tilespmem:s30+$0xBD20] =	vst v44;
	v44 =	vadd.f32 v34, v15;
	v32 =	vor.u32 v4, v25;
	v4 =	vld [tilespmem:$0x1FEB0]  }
0x14e: {  	v31 =	vld.idx.msk [tilespmem:v31+s14+$0x0], $0xffff;
	v16 =	vadd.f32 v16, v18  }
0x14f: {  	[tilespmem:s8+$0xBD30] =	vst v44;
	v36 =	vld.idx.msk [tilespmem:v36+s14+$0x0], $0xffff  }
0x150: {  	[tilespmem:s2+$0xBD40] =	vst v16;
	v44 =	vor.u32 v3, v23;
	v3 =	vld [tilespmem:$0x1FF80]  }
0x151: {  	v45 =	vadd.f32 v35, v11;
	v29 =	vld.idx.msk [tilespmem:v50+s14+$0x0], $0xffff  }
0x152: {  	v38 =	vadd.f32 v38, v14;
	v34 =	vor.u32 v4, v26;
	v4 =	vld [tilespmem:$0x1FFB0]  }
0x153: {  	[tilespmem:s29+$0xBD30] =	vst v45;
	v45 =	vadd.f32 v37, v22;
	v33 =	vld.idx.msk [tilespmem:v56+s14+$0x0], $0xffff  }
0x154: {  	[tilespmem:s31+$0xBD30] =	vst v38;
	v36 =	vadd.f32 v36, v13;
	v32 =	vld.idx.msk [tilespmem:v32+s14+$0x0], $0xffff  }
0x155: {  	[tilespmem:s7+$0xBD40] =	vst v45;
	v38 =	vor.u32 v3, v24;
	v3 =	vld [tilespmem:$0x1FCF0]  }
0x156: {  	v48 =	vadd.f32 v31, v12;
	[tilespmem:s0+$0xBD30] =	vst v36;
	v36 =	vld.idx.msk [tilespmem:v44+s14+$0x0], $0xffff;
	v44 =	vor.u32 v0, v19  }
0x157: {  	v31 =	vld.idx.msk [tilespmem:v49+s14+$0x0], $0xffff;
	v46 =	vor.u32 v4, v27  }
0x158: {  	[tilespmem:s30+$0xBD30] =	vst v48;
	v29 =	vadd.f32 v29, v18;
	v4 =	vld [tilespmem:$0x1FED0]  }
0x159: {  	v34 =	vld.idx.msk [tilespmem:v34+s14+$0x0], $0xffff  }
0x15a: {  	[tilespmem:s2+$0xBD50] =	vst v29;
	v37 =	vor.u32 v3, v25;
	v3 =	vld [tilespmem:$0x1FD20]  }
0x15b: {  	v48 =	vadd.f32 v32, v11;
	v16 =	vld.idx.msk [tilespmem:v44+s14+$0x0], $0xffff  }
0x15c: {  	[tilespmem:$0x1FC00] =	vst v57;
	v35 =	vld.idx.msk [tilespmem:v46+s14+$0x0], $0xffff  }
0x15d: {  	[tilespmem:s29+$0xBD40] =	vst v48;
	v56 =	vor.u32 v4, v21;
	v4 =	vld [tilespmem:$0x1FE60]  }
0x15e: {  	v46 =	vadd.f32 v33, v15;
	v50 =	vadd.f32 v34, v12;
	v34 =	vor.u32 v57, v28;
	v57 =	vmovc v0;
	v0 =	vld [tilespmem:$0x1FD00]  }
0x15f: {  	v30 =	vadd.f32 v30, v20;
	v33 =	vor.u32 v3, v26;
	v37 =	vld.idx.msk [tilespmem:v37+s14+$0x0], $0xffff  }
0x160: {  	v3 =	vld [tilespmem:$0x1FE20];
	[tilespmem:s8+$0xBD40] =	vst v46  }
0x161: {  	v49 =	vor.u32 v59, v27;
	[tilespmem:s6+$0xBD40] =	vst v30;
	v38 =	vld.idx.msk [tilespmem:v38+s14+$0x0], $0xffff  }
0x162: {  	v31 =	vadd.f32 v31, v14;
	v17 =	vld.idx.msk [tilespmem:v56+s14+$0x0], $0xffff  }
0x163: {  	[tilespmem:s30+$0xBD40] =	vst v50;
	v35 =	vadd.f32 v35, v13;
	v50 =	vor.u32 v0, v25;
	v0 =	vld [tilespmem:$0x1FD30]  }
0x164: {  	[tilespmem:s31+$0xBD40] =	vst v31;
	v33 =	vld.idx.msk [tilespmem:v33+s14+$0x0], $0xffff  }
0x165: {  	v34 =	vld.idx.msk [tilespmem:v34+s14+$0x0], $0xffff;
	[tilespmem:s0+$0xBD40] =	vst v35  }
0x166: {  	v45 =	vor.u32 v60, v21;
	v46 =	vor.u32 v7, v23;
	v60 =	vadd.f32 v37, v11;
	v32 =	vld.idx.msk [tilespmem:v49+s14+$0x0], $0xffff  }
0x167: {  	v48 =	vor.u32 v62, v24;
	v49 =	vadd.f32 v36, v22;
	v36 =	vld [tilespmem:$0x1FDC0]  }
0x168: {  	[tilespmem:s29+$0xBD50] =	vst v60;
	v59 =	vor.u32 v0, v26;
	v0 =	vld [tilespmem:$0x1FF20]  }
0x169: {  	v56 =	vadd.f32 v38, v15;
	v50 =	vld.idx.msk [tilespmem:v50+s14+$0x0], $0xffff  }
0x16a: {  	v17 =	vadd.f32 v17, v20;
	[tilespmem:s7+$0xBD50] =	vst v49;
	v49 =	vor.u32 v3, v21;
	v3 =	vld [tilespmem:$0x1FE30]  }
0x16b: {  	[tilespmem:s8+$0xBD50] =	vst v56;
	v35 =	vld.idx.msk [tilespmem:v46+s14+$0x0], $0xffff  }
0x16c: {  	v62 =	vor.u32 v4, v27;
	v46 =	vld.idx.msk [tilespmem:v48+s14+$0x0], $0xffff;
	[tilespmem:s6+$0xBD50] =	vst v17  }
0x16d: {  	v44 =	vadd.f32 v33, v12;
	v30 =	vld.idx.msk [tilespmem:v45+s14+$0x0], $0xffff;
	v45 =	vor.u32 v8, v28  }
0x16e: {  	v48 =	vadd.f32 v32, v13;
	v25 =	vor.u32 v36, v25  }
0x16f: {  	v24 =	vor.u32 v61, v24;
	v56 =	vadd.f32 v34, v14;
	[tilespmem:s30+$0xBD50] =	vst v44  }
0x170: {  	v19 =	vor.u32 v0, v19;
	[tilespmem:s0+$0xBD50] =	vst v48;
	v59 =	vld.idx.msk [tilespmem:v59+s14+$0x0], $0xffff;
	v44 =	vadd.f32 v50, v11  }
0x171: {  	[tilespmem:s31+$0xBD50] =	vst v56;
	v23 =	vor.u32 v3, v23;
	v60 =	vld.idx.msk [tilespmem:v62+s14+$0x0], $0xffff;
	v29 =	vadd.f32 v46, v15  }
0x172: {  	v16 =	vadd.f32 v16, v18;
	[tilespmem:s29+$0xBD60] =	vst v44;
	v33 =	vld.idx.msk [tilespmem:v45+s14+$0x0], $0xffff  }
0x173: {  	v61 =	vadd.f32 v35, v22;
	[tilespmem:s8+$0xBD60] =	vst v29;
	v25 =	vld.idx.msk [tilespmem:v25+s14+$0x0], $0xffff  }
0x174: {  	[tilespmem:s2+$0xBD60] =	vst v16;
	v26 =	vor.u32 v51, v26;
	v30 =	vadd.f32 v30, v20;
	v48 =	vld.idx.msk [tilespmem:v24+s14+$0x0], $0xffff  }
0x175: {  	[tilespmem:s7+$0xBD60] =	vst v61;
	v45 =	vor.u32 v63, v27;
	v19 =	vld.idx.msk [tilespmem:v19+s14+$0x0], $0xffff  }
0x176: {  	v28 =	vor.u32 v2, v28;
	[tilespmem:s6+$0xBD60] =	vst v30;
	v23 =	vld.idx.msk [tilespmem:v23+s14+$0x0], $0xffff;
	v46 =	vadd.f32 v59, v12  }
0x177: {  	v62 =	vld.idx.msk [tilespmem:v49+s14+$0x0], $0xffff;
	v49 =	vadd.f32 v60, v13  }
0x178: {  	v9 =	vld [tilespmem:$0x1FED0];
	[tilespmem:s30+$0xBD60] =	vst v46;
	v50 =	vadd.f32 v33, v14  }
0x179: {  	[tilespmem:s0+$0xBD60] =	vst v49;
	v56 =	vld.idx.msk [tilespmem:v26+s14+$0x0], $0xffff;
	v11 =	vadd.f32 v25, v11  }
0x17a: {  	v59 =	vld.idx.msk [tilespmem:v45+s14+$0x0], $0xffff;
	v15 =	vadd.f32 v48, v15;
	[tilespmem:s31+$0xBD60] =	vst v50  }
0x17b: {  	v18 =	vadd.f32 v19, v18;
	[tilespmem:s29+$0xBD70] =	vst v11;
	v61 =	vld.idx.msk [tilespmem:v28+s14+$0x0], $0xffff  }
0x17c: {  	v6 =	vld [tilespmem:$0x1FEF0];
	v60 =	vadd.f32 v23, v22;
	[tilespmem:s8+$0xBD70] =	vst v15  }
0x17d: {  	p2 =	por p1, p1;
	v37 =	vld [tilespmem:$0x1FD50];
	v16 =	vadd.f32 v62, v20;
	[tilespmem:s2+$0xBD70] =	vst v18  }
.Ltmp2:
0x17e: {  	v38 =	vld [tilespmem:$0x1FE90];
	[tilespmem:s7+$0xBD70] =	vst v60;
	v12 =	vadd.f32 v56, v12;
	(pc) =	sbr.rel @p2 .LBB2_3-.Ltmp2, $4  }
0x17f: {  	v34 =	vld [tilespmem:$0x1FE20];
	[tilespmem:s6+$0xBD70] =	vst v16;
	v11 =	vadd.f32 v59, v13  }
0x180: {  	v3 =	vld [tilespmem:$0x1FEC0];
	[tilespmem:s30+$0xBD70] =	vst v12;
	v62 =	vadd.f32 v61, v14  }
0x181: {  	v35 =	vld [tilespmem:$0x1FE30];
	[tilespmem:s0+$0xBD70] =	vst v11  }
0x182: {  	p1 =	por $0x0, $0x0;
	v33 =	vld [tilespmem:$0x1FE70];
	s7 =	simm.s32 $0x10;
	[tilespmem:s31+$0xBD70] =	vst v62  }
0x183: {  	s0 =	sshll.u32 s16, $0x13  }
0x184: {  	s0 =	sor.u32 s4, s0  }
0x185: {  	p1 =	seq.s32 s16, $0x31;
	s0 =	sshrl.u32 s0, $0x3  }
0x186: {  	s2 =	simm.s32 $0xBD00;
	s6 =	sshll.u32 @!p1 s16, $0xB;
	s0 =	sadd.s32 s1, s0  }
0x187: {  	[hbm4b:s0+s11] =	stream.strided.scatter [tilespmem:s2], [sflag:$0x5], $0x1000, s12, s11, $0x38;
	[tilespmem:$0xFD00] =	vst v63  }
0x188: {  	s0 =	sadd.s32 @!p1 $0x800, s6  }
0x189: {  	s0 =	sand.u32 @!p1 $0x3F800, s0  }
0x18a: {  	s3 =	simm.s32 @!p1 $0x7D00;
	s2 =	simm.s32 @!p1 $0x80;
	s0 =	sshrl.u32 @!p1 s0, $0x2  }
0x18b: {  	[tilespmem:s3], [sflag:$0x1] =	stream.indirect.gather @!p1 [hbm4b:s5+s2], $0x20, s0, s2, $0xb8;
	[tilespmem:$0xFD00] =	vst v63  }
0x18c: {  	s7 =	sor.u32 $0x1, s18;
	_ =	swait.ge [sflag:s22], $0x1000  }
0x18d: {  	s31 =	sshll.u32 s7, $0x5;
	[sflag:s22] =	ssyncset.done $0x0  }
0x18e: {  	v4 =	vmov s31;
	s2 =	simm.s32 @!p0 $0x6;
	[sflag:s22] =	ssyncadd.s32 $0xFFFFF000  }
0x18f: {  	v0 =	vor.u32 $0x1, v4;
	_ =	swait.ge @!p0 [sflag:s2], $0x1000  }
0x190: {  	[tilespmem:$0x1FB00] =	vst v0  }
0x191: {  	[tilespmem:$0x1FB60] =	vst v4  }
0x192: {  	[tilespmem:$0x1FB80] =	vst v58  }
0x193: {  	v62 =	vmov v8;
	[tilespmem:$0x1FB90] =	vst v10  }
0x194: {  	[tilespmem:$0x1FBA0] =	vst v62  }
0x195: {  	[tilespmem:$0x1FBB0] =	vst v63  }
0x196: {  	v0 =	vor.u32 $0x2, v4;
	[tilespmem:$0x1FBC0] =	vst v2  }
0x197: {  	[tilespmem:$0x1FB10] =	vst v0;
	v0 =	vor.u32 $0x3, v4  }
0x198: {  	v17 =	vld [tilespmem:$0x1FC90];
	[tilespmem:$0x1FB20] =	vst v0;
	v0 =	vor.u32 $0x4, v4  }
0x199: {  	v3 =	vld [tilespmem:$0x1FCA0];
	[tilespmem:$0x1FB30] =	vst v0;
	v0 =	vor.u32 $0x5, v4  }
0x19a: {  	v8 =	vld [tilespmem:$0x1FCB0];
	[tilespmem:$0x1FB40] =	vst v0;
	v0 =	vor.u32 $0x6, v4  }
0x19b: {  	v48 =	vmov v53;
	[sflag:s2] =	ssyncset.done @!p0 $0x0;
	v53 =	vld [tilespmem:$0x1FF20];
	[tilespmem:$0x1FB50] =	vst v0;
	v0 =	vor.u32 $0x7, v4  }
0x19c: {  	p2 =	por $0x1, $0x1;
	v7 =	vld [tilespmem:$0x1FFA0];
	[sflag:s2] =	ssyncadd.s32 @!p0 $0xFFFFF000;
	s2 =	simm.s32 $0x0;
	v4 =	vmov v10;
	[tilespmem:$0x1FB70] =	vst v0  }
.LBB2_5:
0x19d: {  	v11 =	vmov s2;
	v5 =	vld [tilespmem:$0x1FB60]  }
0x19e: {  	v55 =	vld [tilespmem:$0x1FD40];
	v11 =	vshrl.u32 v11, $0x3  }
0x19f: {  	v11 =	vshll.u32 v11, v1  }
0x1a0: {  	v18 =	vbroadcast v11, $0x0;
	_ =	sdelay $0x1  }
0x1a1: {  	v11 =	vor.u32 v5, v18  }
0x1a2: {  	v12 =	vor.u32 v55, v18;
	_ =	sdelay $0x1  }
0x1a3: {  	v60 =	vld [tilespmem:$0x1FB20]  }
0x1a4: {  	v44 =	vld [tilespmem:$0x1FB30]  }
0x1a5: {  	v19 =	vld.idx.msk [tilespmem:v11+s9+$0x0], $0xffff  }
0x1a6: {  	v11 =	vld.idx.msk [tilespmem:v12+s15+$0x0], $0xffff  }
0x1a7: {  	v45 =	vld [tilespmem:$0x1FB40]  }
0x1a8: {  	v0 =	vld [tilespmem:$0x1FFD0]  }
0x1a9: {  	v2 =	vld [tilespmem:$0x1FEC0];
	v56 =	vor.u32 v43, v18  }
0x1aa: {  	v9 =	vld [tilespmem:$0x1FEE0]  }
0x1ab: {  	s0 =	sshll.u32 s2, $0x7;
	v6 =	vld [tilespmem:$0x1FBD0];
	v11 =	vadd.f32 v11, v19  }
0x1ac: {  	v10 =	vld [tilespmem:$0x1FF50];
	s8 =	sand.u32 $0x3FFFFF80, s0  }
0x1ad: {  	v58 =	vor.u32 v40, v18;
	v40 =	vld [tilespmem:$0x1FB00];
	v14 =	vor.u32 v37, v18;
	[tilespmem:s8+$0xCD00] =	vst v11  }
0x1ae: {  	v61 =	vor.u32 v17, v18;
	v11 =	vld.idx.msk [tilespmem:v56+s15+$0x0], $0xffff  }
0x1af: {  	v43 =	vld [tilespmem:$0x1FB10]  }
0x1b0: {  	v21 =	vor.u32 v18, v44;
	v24 =	vor.u32 v0, v18;
	v0 =	vld [tilespmem:$0x1FB70]  }
0x1b1: {  	v30 =	vor.u32 v2, v18;
	v2 =	vld [tilespmem:$0x1FEF0]  }
0x1b2: {  	v17 =	vld.idx.msk [tilespmem:v14+s15+$0x0], $0xffff  }
0x1b3: {  	v13 =	vor.u32 v18, v40;
	v25 =	vld.idx.msk [tilespmem:v61+s15+$0x0], $0xffff;
	v11 =	vadd.f32 v11, v19  }
0x1b4: {  	v15 =	vor.u32 v18, v43;
	v61 =	vld [tilespmem:$0x1FB50]  }
0x1b5: {  	v12 =	vld.idx.msk [tilespmem:v21+s9+$0x0], $0xffff;
	[tilespmem:s8+$0xCD10] =	vst v11;
	v11 =	vor.u32 v38, v18  }
0x1b6: {  	v59 =	vor.u32 v18, v60;
	v24 =	vld.idx.msk [tilespmem:v24+s15+$0x0], $0xffff  }
0x1b7: {  	v31 =	vor.u32 v2, v18;
	v2 =	vld [tilespmem:$0x1FF30]  }
0x1b8: {  	v23 =	vor.u32 v18, v45;
	v16 =	vld.idx.msk [tilespmem:v13+s9+$0x0], $0xffff  }
0x1b9: {  	v63 =	vor.u32 v4, v18;
	v14 =	vld.idx.msk [tilespmem:v15+s9+$0x0], $0xffff  }
0x1ba: {  	v22 =	vld.idx.msk [tilespmem:v11+s15+$0x0], $0xffff  }
0x1bb: {  	v15 =	vor.u32 v54, v18;
	v11 =	vld.idx.msk [tilespmem:v59+s9+$0x0], $0xffff  }
0x1bc: {  	v26 =	vor.u32 v18, v61;
	v59 =	vld [tilespmem:$0x1FF10]  }
0x1bd: {  	v28 =	vor.u32 v18, v0;
	v13 =	vld.idx.msk [tilespmem:v23+s9+$0x0], $0xffff  }
0x1be: {  	v23 =	vld.idx.msk [tilespmem:v63+s15+$0x0], $0xffff  }
0x1bf: {  	v32 =	vor.u32 v2, v18;
	v2 =	vld [tilespmem:$0x1FDF0]  }
0x1c0: {  	v29 =	vor.u32 v7, v18;
	v27 =	vld.idx.msk [tilespmem:v15+s15+$0x0], $0xffff  }
0x1c1: {  	v15 =	vld.idx.msk [tilespmem:v26+s9+$0x0], $0xffff;
	v62 =	vor.u32 v59, v18  }
0x1c2: {  	v38 =	vadd.f32 v17, v16;
	v17 =	vld.idx.msk [tilespmem:v28+s9+$0x0], $0xffff  }
0x1c3: {  	v46 =	vor.u32 v9, v18;
	v20 =	vld.idx.msk [tilespmem:v58+s15+$0x0], $0xffff  }
0x1c4: {  	v58 =	vld [tilespmem:$0x1FFC0];
	[tilespmem:s8+$0xCD80] =	vst v38  }
0x1c5: {  	v24 =	vadd.f32 v24, v13;
	v47 =	vld.idx.msk [tilespmem:v29+s15+$0x0], $0xffff  }
0x1c6: {  	v49 =	vadd.f32 v27, v12;
	v21 =	vld.idx.msk [tilespmem:v62+s15+$0x0], $0xffff  }
0x1c7: {  	v51 =	vor.u32 v39, v18;
	v39 =	vor.u32 v2, v18;
	v2 =	vld [tilespmem:$0x1FF70];
	[tilespmem:s8+$0xCF80] =	vst v24  }
0x1c8: {  	v26 =	vld.idx.msk [tilespmem:v46+s15+$0x0], $0xffff;
	[tilespmem:s8+$0xCF00] =	vst v49  }
0x1c9: {  	v32 =	vld.idx.msk [tilespmem:v32+s15+$0x0], $0xffff;
	v50 =	vor.u32 v58, v18;
	v22 =	vadd.f32 v22, v14  }
0x1ca: {  	v56 =	vadd.f32 v47, v16;
	v47 =	vld [tilespmem:$0x1FE40];
	v25 =	vadd.f32 v25, v11  }
0x1cb: {  	v54 =	vadd.f32 v23, v17;
	v23 =	vor.u32 v3, v18;
	v3 =	vld [tilespmem:$0x1FB80];
	[tilespmem:s8+$0xCE00] =	vst v22;
	v21 =	vadd.f32 v21, v15  }
0x1cc: {  	[tilespmem:s8+$0xCE80] =	vst v25;
	v30 =	vld.idx.msk [tilespmem:v30+s15+$0x0], $0xffff  }
0x1cd: {  	v52 =	vor.u32 v6, v18;
	v20 =	vadd.f32 v20, v19;
	v25 =	vld.idx.msk [tilespmem:v31+s15+$0x0], $0xffff;
	[tilespmem:s8+$0xD000] =	vst v21  }
0x1ce: {  	v38 =	vor.u32 v10, v18;
	v27 =	vld.idx.msk [tilespmem:v50+s15+$0x0], $0xffff  }
0x1cf: {  	[tilespmem:s8+$0xCD20] =	vst v20;
	v63 =	vor.u32 v47, v18;
	v50 =	vld [tilespmem:$0x1FF40]  }
0x1d0: {  	v28 =	vld.idx.msk [tilespmem:v51+s15+$0x0], $0xffff  }
0x1d1: {  	[tilespmem:s8+$0xD080] =	vst v54;
	v54 =	vadd.f32 v32, v12;
	v21 =	vor.u32 v2, v18;
	v2 =	vld [tilespmem:$0x1FDE0]  }
0x1d2: {  	[tilespmem:s8+$0xCD90] =	vst v56;
	v22 =	vld.idx.msk [tilespmem:v52+s15+$0x0], $0xffff;
	v46 =	vadd.f32 v25, v11  }
0x1d3: {  	[tilespmem:s8+$0xCF10] =	vst v54;
	v52 =	vld.idx.msk [tilespmem:v38+s15+$0x0], $0xffff  }
0x1d4: {  	v62 =	vadd.f32 v30, v14;
	v30 =	vld.idx.msk [tilespmem:v63+s15+$0x0], $0xffff;
	[tilespmem:s8+$0xCE90] =	vst v46;
	v56 =	vor.u32 v50, v18  }
0x1d5: {  	v38 =	vor.u32 v41, v18;
	v23 =	vld.idx.msk [tilespmem:v23+s15+$0x0], $0xffff  }
0x1d6: {  	v63 =	vor.u32 v2, v18;
	v2 =	vld [tilespmem:$0x1FD10];
	v41 =	vadd.f32 v27, v15  }
0x1d7: {  	v28 =	vadd.f32 v28, v19;
	[tilespmem:s8+$0xCE10] =	vst v62;
	v46 =	vor.u32 v3, v18  }
0x1d8: {  	v24 =	vld.idx.msk [tilespmem:v39+s15+$0x0], $0xffff;
	[tilespmem:s8+$0xD010] =	vst v41  }
0x1d9: {  	[tilespmem:s8+$0xCD30] =	vst v28;
	v22 =	vadd.f32 v22, v17;
	v54 =	vld.idx.msk [tilespmem:v56+s15+$0x0], $0xffff  }
0x1da: {  	v39 =	vadd.f32 v26, v13;
	v56 =	vld.idx.msk [tilespmem:v38+s15+$0x0], $0xffff  }
0x1db: {  	[tilespmem:s8+$0xD090] =	vst v22;
	v38 =	vadd.f32 v23, v11;
	v23 =	vor.u32 v2, v18;
	v2 =	vld [tilespmem:$0x1FEA0]  }
0x1dc: {  	v25 =	vadd.f32 v52, v16;
	v52 =	vor.u32 v48, v18;
	[tilespmem:s8+$0xCF90] =	vst v39;
	v39 =	vld.idx.msk [tilespmem:v46+s15+$0x0], $0xffff  }
0x1dd: {  	v46 =	vld [tilespmem:$0x1FFE0];
	_ =	sdelay $0x1  }
0x1de: {  	v4 =	vld [tilespmem:$0x1FE50];
	v62 =	vor.u32 v33, v18  }
0x1df: {  	[tilespmem:s8+$0xCEA0] =	vst v38;
	v38 =	vor.u32 v2, v18;
	v2 =	vld [tilespmem:$0x1FEB0]  }
0x1e0: {  	v22 =	vld.idx.msk [tilespmem:v52+s15+$0x0], $0xffff  }
0x1e1: {  	v49 =	vld [tilespmem:$0x1FCE0];
	[tilespmem:s8+$0xCDA0] =	vst v25;
	v48 =	vor.u32 v46, v18  }
0x1e2: {  	v24 =	vadd.f32 v24, v14;
	v21 =	vld.idx.msk [tilespmem:v21+s15+$0x0], $0xffff;
	v41 =	vadd.f32 v30, v12;
	v30 =	vor.u32 v42, v18  }
0x1e3: {  	v27 =	vld.idx.msk [tilespmem:v62+s15+$0x0], $0xffff;
	v42 =	vor.u32 v8, v18;
	v51 =	vadd.f32 v54, v15  }
0x1e4: {  	[tilespmem:s8+$0xCE20] =	vst v24;
	v52 =	vadd.f32 v56, v19;
	v24 =	vor.u32 v2, v18;
	v2 =	vld [tilespmem:$0x1FBF0]  }
0x1e5: {  	v20 =	vld.idx.msk [tilespmem:v63+s15+$0x0], $0xffff;
	[tilespmem:s8+$0xD020] =	vst v51;
	v22 =	vadd.f32 v22, v11  }
0x1e6: {  	v39 =	vadd.f32 v39, v17;
	[tilespmem:s8+$0xCD40] =	vst v52;
	v48 =	vld.idx.msk [tilespmem:v48+s15+$0x0], $0xffff  }
0x1e7: {  	v32 =	vor.u32 v49, v18;
	v51 =	vld.idx.msk [tilespmem:v30+s15+$0x0], $0xffff;
	[tilespmem:s8+$0xCEB0] =	vst v22  }
0x1e8: {  	[tilespmem:s8+$0xD0A0] =	vst v39;
	v39 =	vld.idx.msk [tilespmem:v42+s15+$0x0], $0xffff  }
0x1e9: {  	v42 =	vor.u32 v2, v18;
	v2 =	vld [tilespmem:$0x1FED0]  }
0x1ea: {  	v21 =	vadd.f32 v21, v13;
	v63 =	vld [tilespmem:$0x1FBE0]  }
0x1eb: {  	[tilespmem:s8+$0xCF20] =	vst v41;
	v56 =	vld [tilespmem:$0x1FF60]  }
0x1ec: {  	v32 =	vld.idx.msk [tilespmem:v32+s15+$0x0], $0xffff;
	v41 =	vadd.f32 v27, v16;
	[tilespmem:s8+$0xCFA0] =	vst v21  }
0x1ed: {  	v23 =	vld.idx.msk [tilespmem:v23+s15+$0x0], $0xffff  }
0x1ee: {  	[tilespmem:s8+$0xCDB0] =	vst v41;
	v41 =	vadd.f32 v48, v15;
	v48 =	vadd.f32 v51, v19;
	v51 =	vor.u32 v2, v18;
	v2 =	vld [tilespmem:$0x1FDD0]  }
0x1ef: {  	v7 =	vld [tilespmem:$0x1FBB0];
	v26 =	vor.u32 v63, v18;
	v20 =	vadd.f32 v20, v14  }
0x1f0: {  	v8 =	vld [tilespmem:$0x1FFB0];
	v62 =	vor.u32 v56, v18  }
0x1f1: {  	v54 =	vadd.f32 v32, v12;
	v32 =	vor.u32 v57, v18;
	v57 =	vld [tilespmem:$0x1FF80];
	[tilespmem:s8+$0xCE30] =	vst v20  }
0x1f2: {  	v21 =	vld.idx.msk [tilespmem:v38+s15+$0x0], $0xffff  }
0x1f3: {  	v38 =	vadd.f32 v23, v13;
	v22 =	vor.u32 v2, v18;
	v2 =	vld [tilespmem:$0x1FCF0]  }
0x1f4: {  	v30 =	vor.u32 v4, v18;
	v52 =	vld.idx.msk [tilespmem:v26+s15+$0x0], $0xffff  }
0x1f5: {  	[tilespmem:s8+$0xCFB0] =	vst v38;
	v26 =	vld.idx.msk [tilespmem:v62+s15+$0x0], $0xffff  }
0x1f6: {  	v62 =	vor.u32 v8, v18;
	v24 =	vld.idx.msk [tilespmem:v24+s15+$0x0], $0xffff;
	[tilespmem:s8+$0xCD50] =	vst v48  }
0x1f7: {  	v38 =	vld.idx.msk [tilespmem:v32+s15+$0x0], $0xffff  }
0x1f8: {  	[tilespmem:s8+$0xCF30] =	vst v54;
	v32 =	vor.u32 v2, v18;
	v2 =	vld [tilespmem:$0x1FD20]  }
0x1f9: {  	v30 =	vld.idx.msk [tilespmem:v30+s15+$0x0], $0xffff;
	v52 =	vadd.f32 v52, v17  }
0x1fa: {  	[tilespmem:s8+$0xD030] =	vst v41;
	v48 =	vld [tilespmem:$0x1FE10];
	v54 =	vadd.f32 v26, v16  }
0x1fb: {  	[tilespmem:s8+$0xD0B0] =	vst v52;
	v26 =	vor.u32 v57, v18;
	v62 =	vld.idx.msk [tilespmem:v62+s15+$0x0], $0xffff  }
0x1fc: {  	v41 =	vld.idx.msk [tilespmem:v42+s15+$0x0], $0xffff;
	[tilespmem:s8+$0xCDC0] =	vst v54;
	v54 =	vadd.f32 v24, v13  }
0x1fd: {  	v39 =	vadd.f32 v39, v11;
	v23 =	vor.u32 v2, v18;
	v2 =	vld [tilespmem:$0x1FC00]  }
0x1fe: {  	[tilespmem:s8+$0xCFC0] =	vst v54;
	v54 =	vld [tilespmem:$0x1FD00]  }
0x1ff: {  	[tilespmem:s8+$0xCEC0] =	vst v39;
	v42 =	vld.idx.msk [tilespmem:v51+s15+$0x0], $0xffff  }
0x200: {  	v29 =	vor.u32 v48, v18;
	v24 =	vld.idx.msk [tilespmem:v26+s15+$0x0], $0xffff  }
0x201: {  	v62 =	vadd.f32 v62, v15;
	v51 =	vld [tilespmem:$0x1FE00]  }
0x202: {  	v41 =	vadd.f32 v41, v17;
	v26 =	vor.u32 v2, v18;
	v2 =	vld [tilespmem:$0x1FF90]  }
0x203: {  	v52 =	vadd.f32 v30, v12;
	[tilespmem:s8+$0xD040] =	vst v62;
	v62 =	vld [tilespmem:$0x1FCC0]  }
0x204: {  	[tilespmem:s8+$0xD0C0] =	vst v41;
	v41 =	vld [tilespmem:$0x1FE60]  }
0x205: {  	v21 =	vadd.f32 v21, v14;
	v30 =	vor.u32 v53, v18;
	[tilespmem:s8+$0xCF40] =	vst v52;
	v28 =	vld.idx.msk [tilespmem:v29+s15+$0x0], $0xffff  }
0x206: {  	v32 =	vld.idx.msk [tilespmem:v32+s15+$0x0], $0xffff  }
0x207: {  	[tilespmem:s8+$0xCE40] =	vst v21;
	v38 =	vadd.f32 v38, v19;
	v39 =	vor.u32 v51, v18;
	v20 =	vor.u32 v2, v18;
	v2 =	vld [tilespmem:$0x1FD30]  }
0x208: {  	v22 =	vld.idx.msk [tilespmem:v22+s15+$0x0], $0xffff  }
0x209: {  	[tilespmem:s8+$0xCD60] =	vst v38;
	v42 =	vadd.f32 v42, v16;
	v23 =	vld.idx.msk [tilespmem:v23+s15+$0x0], $0xffff  }
0x20a: {  	v29 =	vld.idx.msk [tilespmem:v30+s15+$0x0], $0xffff;
	v30 =	vor.u32 v54, v18;
	v33 =	vadd.f32 v24, v11  }
0x20b: {  	[tilespmem:s8+$0xCDD0] =	vst v42;
	v52 =	vadd.f32 v28, v15;
	v38 =	vld.idx.msk [tilespmem:v26+s15+$0x0], $0xffff  }
0x20c: {  	[tilespmem:s8+$0xCED0] =	vst v33;
	v26 =	vld.idx.msk [tilespmem:v39+s15+$0x0], $0xffff;
	v39 =	vadd.f32 v32, v12;
	v24 =	vor.u32 v2, v18  }
0x20d: {  	v22 =	vadd.f32 v22, v14;
	[tilespmem:s8+$0xD050] =	vst v52;
	v2 =	vld [tilespmem:$0x1FBA0]  }
0x20e: {  	v27 =	vor.u32 v62, v18;
	v52 =	vld [tilespmem:$0x1FFF0];
	v42 =	vadd.f32 v23, v13;
	[tilespmem:s8+$0xCF50] =	vst v39  }
0x20f: {  	v31 =	vor.u32 v41, v18;
	[tilespmem:s8+$0xCE50] =	vst v22;
	v33 =	vld.idx.msk [tilespmem:v30+s15+$0x0], $0xffff  }
0x210: {  	[tilespmem:s8+$0xCFD0] =	vst v42;
	v20 =	vld.idx.msk [tilespmem:v20+s15+$0x0], $0xffff  }
0x211: {  	v41 =	vor.u32 v34, v18;
	v21 =	vld.idx.msk [tilespmem:v24+s15+$0x0], $0xffff  }
0x212: {  	v32 =	vor.u32 v2, v18;
	v2 =	vld [tilespmem:$0x1FCD0]  }
0x213: {  	v29 =	vadd.f32 v29, v19;
	v23 =	vld.idx.msk [tilespmem:v27+s15+$0x0], $0xffff;
	v30 =	vor.u32 v36, v18;
	v19 =	vadd.f32 v26, v16  }
0x214: {  	v25 =	vor.u32 v35, v18;
	v39 =	vld.idx.msk [tilespmem:v31+s15+$0x0], $0xffff;
	v38 =	vadd.f32 v38, v17  }
0x215: {  	s29 =	sor.u32 $0x8, s2;
	[tilespmem:s8+$0xCDE0] =	vst v19;
	v28 =	vadd.f32 v33, v12;
	v33 =	vor.u32 v7, v18;
	v7 =	vld [tilespmem:$0x1FBC0]  }
0x216: {  	[tilespmem:s8+$0xD0D0] =	vst v38;
	v38 =	vmov s29;
	v34 =	vld.idx.msk [tilespmem:v41+s15+$0x0], $0xffff;
	v20 =	vadd.f32 v20, v14  }
0x217: {  	[tilespmem:s8+$0xCF60] =	vst v28;
	v42 =	vld.idx.msk [tilespmem:v32+s15+$0x0], $0xffff;
	v27 =	vor.u32 v2, v18;
	v31 =	vadd.f32 v21, v13;
	v21 =	vshrl.u32 v38, $0x3  }
0x218: {  	v28 =	vld.idx.msk [tilespmem:v30+s15+$0x0], $0xffff;
	[tilespmem:s8+$0xCE60] =	vst v20;
	v32 =	vor.u32 v52, v18;
	v19 =	vshll.u32 v21, v1  }
0x219: {  	s3 =	sor.u32 $0x9, s2;
	v23 =	vadd.f32 v23, v11;
	v35 =	vld.idx.msk [tilespmem:v25+s15+$0x0], $0xffff;
	v19 =	vbroadcast v19, $0x0  }
0x21a: {  	v24 =	vadd.f32 v39, v15;
	v39 =	vmov s3;
	v18 =	vor.u32 v7, v18;
	v7 =	vld [tilespmem:$0x1FFD0]  }
0x21b: {  	s30 =	sor.u32 $0xB, s2;
	[tilespmem:s8+$0xCEE0] =	vst v23;
	v21 =	vshrl.u32 v39, $0x3;
	v25 =	vor.u32 v5, v19;
	v5 =	vld [tilespmem:$0x1FDB0]  }
0x21c: {  	s10 =	sor.u32 $0xA, s2;
	v38 =	vmov s30;
	v21 =	vshll.u32 v21, v1;
	[tilespmem:s8+$0xCFE0] =	vst v31;
	v41 =	vadd.f32 v42, v17;
	v36 =	vld.idx.msk [tilespmem:v27+s15+$0x0], $0xffff  }
0x21d: {  	s21 =	sor.u32 $0xD, s2;
	[tilespmem:s8+$0xD060] =	vst v24;
	v21 =	vbroadcast v21, $0x0;
	v26 =	vor.u32 v55, v19;
	v42 =	vmov s10;
	v30 =	vld.idx.msk [tilespmem:v32+s15+$0x0], $0xffff  }
0x21e: {  	v39 =	vshrl.u32 v38, $0x3;
	v55 =	vmov s21;
	v32 =	vld.idx.msk [tilespmem:v33+s15+$0x0], $0xffff;
	v22 =	vshrl.u32 v42, $0x3;
	[tilespmem:s8+$0xD0E0] =	vst v41  }
0x21f: {  	v31 =	vor.u32 v21, v40;
	v27 =	vor.u32 v37, v21;
	v22 =	vshll.u32 v22, v1;
	v33 =	vld.idx.msk [tilespmem:v18+s15+$0x0], $0xffff  }
0x220: {  	s31 =	sor.u32 $0xC, s2;
	v40 =	vshll.u32 v39, v1;
	v23 =	vbroadcast v22, $0x0;
	v22 =	vshrl.u32 v55, $0x3;
	v55 =	vld [tilespmem:$0x1FC90]  }
0x221: {  	v24 =	vbroadcast v40, $0x0;
	v41 =	vmov s31;
	v18 =	vld.idx.msk [tilespmem:v25+s9+$0x0], $0xffff  }
0x222: {  	v42 =	vshrl.u32 v41, $0x3;
	v39 =	vld.idx.msk [tilespmem:v26+s15+$0x0], $0xffff  }
0x223: {  	v40 =	vor.u32 v24, v60;
	v20 =	vshll.u32 v42, v1;
	v37 =	vor.u32 v23, v43;
	v43 =	vld [tilespmem:$0x1FE90]  }
0x224: {  	v25 =	vbroadcast v20, $0x0;
	v20 =	vld.idx.msk [tilespmem:v31+s9+$0x0], $0xffff;
	v15 =	vadd.f32 v32, v15  }
0x225: {  	v42 =	vld.idx.msk [tilespmem:v27+s15+$0x0], $0xffff  }
0x226: {  	v22 =	vshll.u32 v22, v1;
	[tilespmem:s8+$0xD070] =	vst v15;
	v15 =	vld [tilespmem:$0x1FEC0]  }
0x227: {  	s23 =	sor.u32 $0xE, s2;
	v26 =	vbroadcast v22, $0x0;
	v31 =	vor.u32 v55, v24;
	v55 =	vld [tilespmem:$0x1FE80]  }
0x228: {  	v34 =	vadd.f32 v34, v16;
	v60 =	vmov s23;
	v16 =	vld.idx.msk [tilespmem:v40+s9+$0x0], $0xffff  }
0x229: {  	s25 =	sor.u32 $0xF, s2;
	v40 =	vor.u32 v7, v26;
	v17 =	vadd.f32 v33, v17;
	v7 =	vld [tilespmem:$0x1FFA0];
	v38 =	vor.u32 v43, v23  }
0x22a: {  	v43 =	vor.u32 v25, v44;
	v44 =	vshrl.u32 v60, $0x3;
	v22 =	vld.idx.msk [tilespmem:v37+s9+$0x0], $0xffff;
	v60 =	vmov s25  }
0x22b: {  	[tilespmem:s8+$0xD0F0] =	vst v17;
	v17 =	vadd.f32 v42, v20;
	v42 =	vld [tilespmem:$0x1FD90];
	v41 =	vshrl.u32 v60, $0x3  }
0x22c: {  	v41 =	vshll.u32 v41, v1;
	v31 =	vld.idx.msk [tilespmem:v31+s15+$0x0], $0xffff  }
0x22d: {  	v37 =	vor.u32 v55, v25;
	v55 =	vadd.f32 v35, v14;
	v14 =	vbroadcast v41, $0x0;
	v41 =	vld [tilespmem:$0x1FD80]  }
0x22e: {  	v60 =	vadd.f32 v36, v11;
	v32 =	vld.idx.msk [tilespmem:v40+s15+$0x0], $0xffff  }
0x22f: {  	v40 =	vld [tilespmem:$0x1FD70]  }
0x230: {  	[tilespmem:s8+$0xCEF0] =	vst v60;
	v60 =	vor.u32 v15, v23;
	v15 =	vld [tilespmem:$0x1FEF0]  }
0x231: {  	v27 =	vshll.u32 v44, v1;
	v44 =	vor.u32 v26, v45;
	v38 =	vld.idx.msk [tilespmem:v38+s15+$0x0], $0xffff  }
0x232: {  	v27 =	vbroadcast v27, $0x0;
	v11 =	vld.idx.msk [tilespmem:v43+s9+$0x0], $0xffff  }
0x233: {  	v43 =	vld [tilespmem:$0x1FDA0]  }
0x234: {  	v35 =	vor.u32 v27, v61;
	[tilespmem:s8+$0xCE70] =	vst v55;
	v55 =	vld [tilespmem:$0x1FFA0]  }
0x235: {  	[tilespmem:s8+$0xCD70] =	vst v29;
	v28 =	vadd.f32 v28, v12;
	v36 =	vor.u32 v59, v27;
	v61 =	vor.u32 v14, v0;
	v0 =	vld [tilespmem:$0x1FDF0]  }
0x236: {  	[tilespmem:s8+$0xCDF0] =	vst v34;
	v13 =	vadd.f32 v30, v13;
	v12 =	vld.idx.msk [tilespmem:v44+s9+$0x0], $0xffff  }
0x237: {  	[tilespmem:s8+$0xCF70] =	vst v28;
	v44 =	vld [tilespmem:$0x1FB90]  }
0x238: {  	[tilespmem:s8+$0xCFF0] =	vst v13;
	s8 =	sshll.u32 s3, $0x7;
	v29 =	vld.idx.msk [tilespmem:v37+s15+$0x0], $0xffff  }
0x239: {  	s8 =	sand.u32 $0x3FFFFF80, s8;
	v13 =	vld.idx.msk [tilespmem:v35+s9+$0x0], $0xffff  }
0x23a: {  	s30 =	sshll.u32 s30, $0x7;
	[tilespmem:s8+$0xCD00] =	vst v17;
	v17 =	vadd.f32 v31, v16;
	v36 =	vld.idx.msk [tilespmem:v36+s15+$0x0], $0xffff  }
0x23b: {  	s0 =	sshll.u32 s29, $0x7;
	s29 =	sshll.u32 s10, $0x7;
	s30 =	sand.u32 $0x3FFFFF80, s30;
	v59 =	vadd.f32 v39, v18;
	v39 =	vor.u32 v15, v24;
	v15 =	vld.idx.msk [tilespmem:v61+s9+$0x0], $0xffff;
	v61 =	vadd.f32 v38, v22  }
0x23c: {  	s29 =	sand.u32 $0x3FFFFF80, s29;
	v45 =	vor.u32 v43, v19;
	v33 =	vor.u32 v55, v21;
	v55 =	vld [tilespmem:$0x1FF70];
	[tilespmem:s30+$0xCD00] =	vst v17  }
0x23d: {  	s10 =	sshll.u32 s21, $0x7;
	v30 =	vor.u32 v44, v14;
	v44 =	vld [tilespmem:$0x1FF30];
	v17 =	vadd.f32 v32, v12;
	[tilespmem:s29+$0xCD00] =	vst v61  }
0x23e: {  	s2 =	sand.u32 $0x3FFFFF80, s0;
	s0 =	sand.u32 $0x3FFFFF80, s10;
	v35 =	vld.idx.msk [tilespmem:v60+s15+$0x0], $0xffff  }
0x23f: {  	[tilespmem:s0+$0xCD00] =	vst v17;
	v17 =	vor.u32 v10, v21;
	v10 =	vld [tilespmem:$0x1FF00]  }
0x240: {  	[tilespmem:s2+$0xCD00] =	vst v59;
	v60 =	vor.u32 v6, v14;
	v6 =	vld [tilespmem:$0x1FBB0]  }
0x241: {  	v28 =	vld.idx.msk [tilespmem:v45+s15+$0x0], $0xffff  }
0x242: {  	v33 =	vld.idx.msk [tilespmem:v33+s15+$0x0], $0xffff  }
0x243: {  	v59 =	vor.u32 v58, v27;
	v45 =	vor.u32 v9, v26;
	v9 =	vld [tilespmem:$0x1FCF0]  }
0x244: {  	v30 =	vld.idx.msk [tilespmem:v30+s15+$0x0], $0xffff  }
0x245: {  	s21 =	sshll.u32 s23, $0x7;
	v36 =	vadd.f32 v36, v13;
	v37 =	vor.u32 v44, v25;
	v44 =	vld.idx.msk [tilespmem:v39+s15+$0x0], $0xffff  }
0x246: {  	s23 =	sand.u32 $0x3FFFFF80, s21;
	v39 =	vld [tilespmem:$0x1FD60]  }
0x247: {  	s3 =	sshll.u32 s31, $0x7;
	v29 =	vadd.f32 v29, v11;
	[tilespmem:s23+$0xCD00] =	vst v36;
	v36 =	vor.u32 v0, v23;
	v0 =	vld [tilespmem:$0x1FCA0]  }
0x248: {  	s31 =	sand.u32 $0x3FFFFF80, s3;
	v61 =	vor.u32 v40, v19;
	v34 =	vld.idx.msk [tilespmem:v59+s15+$0x0], $0xffff  }
0x249: {  	[tilespmem:s31+$0xCD00] =	vst v29;
	v28 =	vadd.f32 v28, v18;
	v31 =	vld.idx.msk [tilespmem:v45+s15+$0x0], $0xffff  }
0x24a: {  	v45 =	vadd.f32 v35, v22;
	v37 =	vld.idx.msk [tilespmem:v37+s15+$0x0], $0xffff  }
0x24b: {  	v33 =	vadd.f32 v33, v20;
	v59 =	vadd.f32 v44, v16;
	v44 =	vor.u32 v50, v27;
	v50 =	vld [tilespmem:$0x1FEA0];
	[tilespmem:s2+$0xCD10] =	vst v28  }
0x24c: {  	[tilespmem:s29+$0xCD10] =	vst v45;
	v45 =	vor.u32 v3, v14;
	v3 =	vld [tilespmem:$0x1FCA0]  }
0x24d: {  	[tilespmem:s8+$0xCD10] =	vst v33;
	v29 =	vld.idx.msk [tilespmem:v61+s15+$0x0], $0xffff  }
0x24e: {  	s25 =	sshll.u32 s25, $0x7;
	v30 =	vadd.f32 v30, v15;
	v17 =	vld.idx.msk [tilespmem:v17+s15+$0x0], $0xffff  }
0x24f: {  	s3 =	sand.u32 $0x3FFFFF80, s25;
	v36 =	vld.idx.msk [tilespmem:v36+s15+$0x0], $0xffff  }
0x250: {  	[tilespmem:s3+$0xCD00] =	vst v30;
	v30 =	vor.u32 v0, v24;
	v0 =	vld [tilespmem:$0x1FDE0]  }
0x251: {  	v34 =	vadd.f32 v34, v13;
	[tilespmem:s30+$0xCD10] =	vst v59;
	v59 =	vor.u32 v10, v24;
	v10 =	vld [tilespmem:$0x1FBF0]  }
0x252: {  	v58 =	vor.u32 v47, v25;
	v32 =	vld.idx.msk [tilespmem:v60+s15+$0x0], $0xffff  }
0x253: {  	v60 =	vor.u32 v55, v26;
	v55 =	vld [tilespmem:$0x1FE70];
	[tilespmem:s23+$0xCD10] =	vst v34  }
0x254: {  	v61 =	vadd.f32 v37, v11;
	v37 =	vld.idx.msk [tilespmem:v44+s15+$0x0], $0xffff  }
0x255: {  	v47 =	vor.u32 v39, v19;
	v31 =	vadd.f32 v31, v12;
	v30 =	vld.idx.msk [tilespmem:v30+s15+$0x0], $0xffff  }
0x256: {  	[tilespmem:s31+$0xCD10] =	vst v61;
	v61 =	vor.u32 v49, v25;
	v49 =	vld [tilespmem:$0x1FD20]  }
0x257: {  	[tilespmem:s0+$0xCD10] =	vst v31;
	v29 =	vadd.f32 v29, v18;
	v35 =	vld.idx.msk [tilespmem:v58+s15+$0x0], $0xffff  }
0x258: {  	v31 =	vor.u32 v55, v21;
	v32 =	vadd.f32 v32, v15;
	v38 =	vld.idx.msk [tilespmem:v60+s15+$0x0], $0xffff  }
0x259: {  	v58 =	vor.u32 v0, v23;
	v60 =	vadd.f32 v36, v22;
	v0 =	vld [tilespmem:$0x1FD10];
	[tilespmem:s2+$0xCD20] =	vst v29  }
0x25a: {  	v17 =	vadd.f32 v17, v20;
	[tilespmem:s3+$0xCD10] =	vst v32;
	v28 =	vld.idx.msk [tilespmem:v47+s15+$0x0], $0xffff  }
0x25b: {  	[tilespmem:s29+$0xCD20] =	vst v60;
	v60 =	vld [tilespmem:$0x1FCB0]  }
0x25c: {  	[tilespmem:s8+$0xCD20] =	vst v17;
	v47 =	vor.u32 v46, v27;
	v33 =	vld.idx.msk [tilespmem:v45+s15+$0x0], $0xffff  }
0x25d: {  	v17 =	vadd.f32 v30, v16;
	v31 =	vld.idx.msk [tilespmem:v31+s15+$0x0], $0xffff  }
0x25e: {  	v37 =	vadd.f32 v37, v13;
	v34 =	vld.idx.msk [tilespmem:v58+s15+$0x0], $0xffff  }
0x25f: {  	v44 =	vor.u32 v0, v26;
	v0 =	vld [tilespmem:$0x1FEB0];
	[tilespmem:s30+$0xCD20] =	vst v17  }
0x260: {  	[tilespmem:s23+$0xCD20] =	vst v37;
	v32 =	vld.idx.msk [tilespmem:v59+s15+$0x0], $0xffff  }
0x261: {  	v45 =	vadd.f32 v35, v11;
	v58 =	vor.u32 v41, v19;
	v35 =	vld.idx.msk [tilespmem:v47+s15+$0x0], $0xffff  }
0x262: {  	v55 =	vor.u32 v63, v14;
	v17 =	vadd.f32 v38, v12;
	v47 =	vld [tilespmem:$0x1FC00]  }
0x263: {  	[tilespmem:s31+$0xCD20] =	vst v45;
	v28 =	vadd.f32 v28, v18;
	v59 =	vor.u32 v50, v23;
	v50 =	vor.u32 v8, v27;
	v8 =	vld [tilespmem:$0x1FED0]  }
0x264: {  	[tilespmem:s0+$0xCD20] =	vst v17;
	v36 =	vld.idx.msk [tilespmem:v61+s15+$0x0], $0xffff  }
0x265: {  	v17 =	vor.u32 v56, v21;
	v33 =	vadd.f32 v33, v15;
	[tilespmem:s2+$0xCD30] =	vst v28;
	v30 =	vld.idx.msk [tilespmem:v44+s15+$0x0], $0xffff  }
0x266: {  	v29 =	vld.idx.msk [tilespmem:v58+s15+$0x0], $0xffff  }
0x267: {  	v31 =	vadd.f32 v31, v20;
	[tilespmem:s3+$0xCD20] =	vst v33;
	v33 =	vor.u32 v60, v24;
	v45 =	vor.u32 v0, v26;
	v0 =	vld [tilespmem:$0x1FDD0]  }
0x268: {  	v61 =	vadd.f32 v34, v22;
	v38 =	vld.idx.msk [tilespmem:v55+s15+$0x0], $0xffff  }
0x269: {  	[tilespmem:s8+$0xCD30] =	vst v31;
	v44 =	vadd.f32 v32, v16;
	v58 =	vor.u32 v8, v21;
	v8 =	vld [tilespmem:$0x1FE60]  }
0x26a: {  	v63 =	vor.u32 v4, v25;
	[tilespmem:s29+$0xCD30] =	vst v61;
	v35 =	vadd.f32 v35, v13;
	v17 =	vld.idx.msk [tilespmem:v17+s15+$0x0], $0xffff  }
0x26b: {  	v37 =	vld.idx.msk [tilespmem:v59+s15+$0x0], $0xffff;
	[tilespmem:s30+$0xCD30] =	vst v44  }
0x26c: {  	v56 =	vor.u32 v42, v19;
	v46 =	vadd.f32 v36, v11;
	[tilespmem:s23+$0xCD30] =	vst v35;
	v33 =	vld.idx.msk [tilespmem:v33+s15+$0x0], $0xffff  }
0x26d: {  	v30 =	vadd.f32 v30, v12;
	v36 =	vld.idx.msk [tilespmem:v50+s15+$0x0], $0xffff  }
0x26e: {  	v55 =	vor.u32 v10, v14;
	[tilespmem:s31+$0xCD30] =	vst v46;
	v29 =	vadd.f32 v29, v18;
	v59 =	vor.u32 v0, v23;
	v0 =	vld [tilespmem:$0x1FF90]  }
0x26f: {  	v34 =	vld.idx.msk [tilespmem:v63+s15+$0x0], $0xffff;
	[tilespmem:s0+$0xCD30] =	vst v30  }
0x270: {  	v38 =	vadd.f32 v38, v15;
	[tilespmem:s2+$0xCD40] =	vst v29;
	v32 =	vld.idx.msk [tilespmem:v45+s15+$0x0], $0xffff  }
0x271: {  	v28 =	vld.idx.msk [tilespmem:v56+s15+$0x0], $0xffff  }
0x272: {  	v60 =	vor.u32 v57, v24;
	v17 =	vadd.f32 v17, v20;
	[tilespmem:s3+$0xCD30] =	vst v38;
	v56 =	vld [tilespmem:$0x1FBA0]  }
0x273: {  	v46 =	vor.u32 v48, v27;
	v63 =	vor.u32 v9, v25;
	v61 =	vadd.f32 v37, v22;
	v31 =	vld.idx.msk [tilespmem:v55+s15+$0x0], $0xffff  }
0x274: {  	v55 =	vor.u32 v62, v24;
	v24 =	vor.u32 v2, v24;
	v2 =	vld [tilespmem:$0x1FBC0];
	[tilespmem:s8+$0xCD40] =	vst v17;
	v17 =	vadd.f32 v33, v16  }
0x275: {  	[tilespmem:s29+$0xCD40] =	vst v61;
	v36 =	vadd.f32 v36, v13;
	v30 =	vld.idx.msk [tilespmem:v58+s15+$0x0], $0xffff  }
0x276: {  	v44 =	vor.u32 v49, v26;
	v45 =	vadd.f32 v34, v11;
	v35 =	vld.idx.msk [tilespmem:v59+s15+$0x0], $0xffff;
	[tilespmem:s30+$0xCD40] =	vst v17  }
0x277: {  	v50 =	vor.u32 v5, v19;
	[tilespmem:s23+$0xCD40] =	vst v36;
	v38 =	vld.idx.msk [tilespmem:v60+s15+$0x0], $0xffff  }
0x278: {  	v17 =	vadd.f32 v32, v12;
	[tilespmem:s31+$0xCD40] =	vst v45;
	v34 =	vld.idx.msk [tilespmem:v46+s15+$0x0], $0xffff  }
0x279: {  	v49 =	vor.u32 v47, v14;
	v28 =	vadd.f32 v28, v18;
	v37 =	vld.idx.msk [tilespmem:v63+s15+$0x0], $0xffff  }
0x27a: {  	[tilespmem:s0+$0xCD40] =	vst v17;
	v17 =	vor.u32 v51, v21;
	v51 =	vor.u32 v0, v23;
	v0 =	vld [tilespmem:$0x1FD30]  }
0x27b: {  	v31 =	vadd.f32 v31, v15;
	[tilespmem:s2+$0xCD50] =	vst v28;
	v33 =	vld.idx.msk [tilespmem:v44+s15+$0x0], $0xffff  }
0x27c: {  	v58 =	vadd.f32 v35, v22;
	v29 =	vld.idx.msk [tilespmem:v50+s15+$0x0], $0xffff  }
0x27d: {  	[tilespmem:s3+$0xCD40] =	vst v31;
	v35 =	vld [tilespmem:$0x1FE30]  }
0x27e: {  	v30 =	vadd.f32 v30, v20;
	v44 =	vor.u32 v8, v27;
	v32 =	vld.idx.msk [tilespmem:v49+s15+$0x0], $0xffff;
	[tilespmem:s29+$0xCD50] =	vst v58  }
0x27f: {  	v60 =	vadd.f32 v38, v16;
	v36 =	vld.idx.msk [tilespmem:v51+s15+$0x0], $0xffff  }
0x280: {  	[tilespmem:s8+$0xCD50] =	vst v30;
	v49 =	vadd.f32 v34, v13;
	v34 =	vld [tilespmem:$0x1FE20];
	v61 =	vor.u32 v0, v26  }
0x281: {  	v59 =	vor.u32 v54, v25;
	v17 =	vld.idx.msk [tilespmem:v17+s15+$0x0], $0xffff;
	[tilespmem:s30+$0xCD50] =	vst v60  }
0x282: {  	v46 =	vor.u32 v56, v14;
	[tilespmem:s23+$0xCD50] =	vst v49;
	v45 =	vadd.f32 v33, v12;
	v47 =	vld.idx.msk [tilespmem:v55+s15+$0x0], $0xffff  }
0x283: {  	v19 =	vor.u32 v53, v19;
	v63 =	vadd.f32 v37, v11;
	v54 =	vld.idx.msk [tilespmem:v44+s15+$0x0], $0xffff  }
0x284: {  	v32 =	vadd.f32 v32, v15;
	[tilespmem:s0+$0xCD50] =	vst v45;
	v55 =	vadd.f32 v36, v22;
	v36 =	vld [tilespmem:$0x1FDC0]  }
0x285: {  	[tilespmem:s31+$0xCD50] =	vst v63;
	v29 =	vadd.f32 v29, v18;
	v21 =	vor.u32 v34, v21;
	v51 =	vld.idx.msk [tilespmem:v61+s15+$0x0], $0xffff  }
0x286: {  	v23 =	vor.u32 v35, v23;
	v50 =	vld.idx.msk [tilespmem:v59+s15+$0x0], $0xffff;
	[tilespmem:s3+$0xCD50] =	vst v32;
	v17 =	vadd.f32 v17, v20  }
0x287: {  	[tilespmem:s2+$0xCD60] =	vst v29;
	v33 =	vld.idx.msk [tilespmem:v46+s15+$0x0], $0xffff  }
0x288: {  	v26 =	vor.u32 v52, v26;
	[tilespmem:s8+$0xCD60] =	vst v17;
	v17 =	vld.idx.msk [tilespmem:v19+s15+$0x0], $0xffff  }
0x289: {  	v4 =	vld [tilespmem:$0x1FB90];
	v19 =	vadd.f32 v47, v16;
	v25 =	vor.u32 v36, v25  }
0x28a: {  	v14 =	vor.u32 v2, v14;
	[tilespmem:s29+$0xCD60] =	vst v55;
	v21 =	vld.idx.msk [tilespmem:v21+s15+$0x0], $0xffff;
	v58 =	vadd.f32 v51, v12  }
0x28b: {  	v27 =	vor.u32 v6, v27;
	v56 =	vadd.f32 v50, v11;
	[tilespmem:s30+$0xCD60] =	vst v19;
	v19 =	vld.idx.msk [tilespmem:v23+s15+$0x0], $0xffff  }
0x28c: {  	v24 =	vld.idx.msk [tilespmem:v24+s15+$0x0], $0xffff;
	v61 =	vadd.f32 v33, v15;
	[tilespmem:s0+$0xCD60] =	vst v58  }
0x28d: {  	v59 =	vadd.f32 v54, v13;
	[tilespmem:s31+$0xCD60] =	vst v56;
	v17 =	vadd.f32 v17, v18;
	v18 =	vld.idx.msk [tilespmem:v26+s15+$0x0], $0xffff  }
0x28e: {  	[tilespmem:s3+$0xCD60] =	vst v61;
	v60 =	vld.idx.msk [tilespmem:v25+s15+$0x0], $0xffff  }
0x28f: {  	[tilespmem:s23+$0xCD60] =	vst v59;
	v20 =	vadd.f32 v21, v20;
	v14 =	vld.idx.msk [tilespmem:v14+s15+$0x0], $0xffff  }
0x290: {  	v62 =	vld.idx.msk [tilespmem:v27+s15+$0x0], $0xffff;
	[tilespmem:s2+$0xCD70] =	vst v17;
	v17 =	vadd.f32 v19, v22  }
0x291: {  	v48 =	vld [tilespmem:$0x1FF00];
	[tilespmem:s8+$0xCD70] =	vst v20;
	v16 =	vadd.f32 v24, v16  }
0x292: {  	p3 =	por p2, p2;
	v8 =	vld [tilespmem:$0x1FCB0];
	[tilespmem:s29+$0xCD70] =	vst v17;
	v12 =	vadd.f32 v18, v12  }
.Ltmp3:
0x293: {  	v38 =	vld [tilespmem:$0x1FE90];
	[tilespmem:s30+$0xCD70] =	vst v16;
	v11 =	vadd.f32 v60, v11;
	(pc) =	sbr.rel @p3 .LBB2_5-.Ltmp3, $4  }
0x294: {  	v37 =	vld [tilespmem:$0x1FD50];
	v63 =	vadd.f32 v14, v15;
	[tilespmem:s0+$0xCD70] =	vst v12  }
0x295: {  	v54 =	vld [tilespmem:$0x1FE80];
	[tilespmem:s31+$0xCD70] =	vst v11;
	v11 =	vadd.f32 v62, v13  }
0x296: {  	v33 =	vld [tilespmem:$0x1FE70];
	[tilespmem:s3+$0xCD70] =	vst v63  }
0x297: {  	p2 =	por $0x0, $0x0;
	v57 =	vmov v5;
	s2 =	simm.s32 $0x10;
	v17 =	vld [tilespmem:$0x1FC90];
	[tilespmem:s23+$0xCD70] =	vst v11  }
0x298: {  	s0 =	sshll.u32 s7, $0x11  }
0x299: {  	s0 =	sor.u32 s4, s0  }
0x29a: {  	s0 =	sshrl.u32 s0, $0x3  }
0x29b: {  	s2 =	simm.s32 $0xCD00;
	s0 =	sadd.s32 s1, s0  }
0x29c: {  	[hbm4b:s0+s11] =	stream.strided.scatter [tilespmem:s2], [sflag:$0x6], $0x1000, s12, s11, $0x38;
	[tilespmem:$0xFD00] =	vst v63  }
0x29d: {  	s0 =	sadd.s32 @!p1 $0xA00, s6  }
0x29e: {  	s0 =	sand.u32 @!p1 $0x3FA00, s0  }
0x29f: {  	s3 =	simm.s32 @!p1 $0x8D00;
	s2 =	simm.s32 @!p1 $0x80;
	s0 =	sshrl.u32 @!p1 s0, $0x2  }
0x2a0: {  	[tilespmem:s3], [sflag:$0x2] =	stream.indirect.gather @!p1 [hbm4b:s5+s2], $0x20, s0, s2, $0xb8;
	[tilespmem:$0xFD00] =	vst v63  }
0x2a1: {  	s7 =	sor.u32 $0x2, s18;
	_ =	swait.ge [sflag:s24], $0x1000  }
0x2a2: {  	s31 =	sshll.u32 s7, $0x5;
	[sflag:s24] =	ssyncset.done $0x0  }
0x2a3: {  	v0 =	vmov s31;
	s2 =	simm.s32 @!p0 $0x7;
	[sflag:s24] =	ssyncadd.s32 $0xFFFFF000  }
0x2a4: {  	v5 =	vor.u32 $0x1, v0;
	_ =	swait.ge @!p0 [sflag:s2], $0x1000  }
0x2a5: {  	[tilespmem:$0x1FA80] =	vst v5  }
0x2a6: {  	v5 =	vor.u32 $0x2, v0;
	[tilespmem:$0x1FAE0] =	vst v0  }
0x2a7: {  	[tilespmem:$0x1FA90] =	vst v5;
	v5 =	vor.u32 $0x3, v0  }
0x2a8: {  	[tilespmem:$0x1FAA0] =	vst v5;
	v5 =	vor.u32 $0x4, v0  }
0x2a9: {  	v51 =	vld [tilespmem:$0x1FF60];
	[tilespmem:$0x1FAB0] =	vst v5;
	v5 =	vor.u32 $0x5, v0  }
0x2aa: {  	v31 =	vld [tilespmem:$0x1FF10];
	[tilespmem:$0x1FAC0] =	vst v5;
	v5 =	vor.u32 $0x6, v0  }
0x2ab: {  	[sflag:s2] =	ssyncset.done @!p0 $0x0;
	v47 =	vld [tilespmem:$0x1FF40];
	v0 =	vor.u32 $0x7, v0;
	[tilespmem:$0x1FAD0] =	vst v5  }
0x2ac: {  	p2 =	por $0x1, $0x1;
	v52 =	vld [tilespmem:$0x1FF50];
	[sflag:s2] =	ssyncadd.s32 @!p0 $0xFFFFF000;
	s2 =	simm.s32 $0x0;
	[tilespmem:$0x1FAF0] =	vst v0  }
.LBB2_7:
0x2ad: {  	v45 =	vld [tilespmem:$0x1FF20]  }
0x2ae: {  	v5 =	vld [tilespmem:$0x1FAE0]  }
0x2af: {  	v0 =	vld [tilespmem:$0x1FD40]  }
0x2b0: {  	v46 =	vld [tilespmem:$0x1FAA0]  }
0x2b1: {  	v11 =	vmov s2;
	v44 =	vld [tilespmem:$0x1FAB0]  }
0x2b2: {  	v50 =	vld [tilespmem:$0x1FAC0];
	v11 =	vshrl.u32 v11, $0x3  }
0x2b3: {  	v2 =	vld [tilespmem:$0x1FFD0];
	v11 =	vshll.u32 v11, v1  }
0x2b4: {  	v6 =	vld [tilespmem:$0x1FAD0];
	v18 =	vbroadcast v11, $0x0  }
0x2b5: {  	v9 =	vld [tilespmem:$0x1FAF0]  }
0x2b6: {  	v10 =	vld [tilespmem:$0x1FFC0];
	v11 =	vor.u32 v5, v18  }
0x2b7: {  	v12 =	vor.u32 v0, v18;
	v56 =	vor.u32 v40, v18;
	v40 =	vld [tilespmem:$0x1FA80]  }
0x2b8: {  	v55 =	vor.u32 v43, v18;
	v14 =	vor.u32 v37, v18;
	v43 =	vld [tilespmem:$0x1FA90]  }
0x2b9: {  	v59 =	vor.u32 v17, v18;
	v24 =	vor.u32 v2, v18;
	v2 =	vld [tilespmem:$0x1FEC0]  }
0x2ba: {  	v21 =	vor.u32 v18, v44;
	v29 =	vor.u32 v7, v18;
	v7 =	vld [tilespmem:$0x1FEE0]  }
0x2bb: {  	v19 =	vld.idx.msk [tilespmem:v11+s9+$0x0], $0xffff  }
0x2bc: {  	v11 =	vld.idx.msk [tilespmem:v12+s17+$0x0], $0xffff  }
0x2bd: {  	v13 =	vor.u32 v18, v40;
	v17 =	vld.idx.msk [tilespmem:v14+s17+$0x0], $0xffff  }
0x2be: {  	v15 =	vor.u32 v18, v43;
	v25 =	vld.idx.msk [tilespmem:v59+s17+$0x0], $0xffff  }
0x2bf: {  	v23 =	vor.u32 v18, v50;
	v12 =	vld.idx.msk [tilespmem:v21+s9+$0x0], $0xffff  }
0x2c0: {  	v30 =	vor.u32 v2, v18;
	v2 =	vld [tilespmem:$0x1FEF0]  }
0x2c1: {  	v24 =	vld.idx.msk [tilespmem:v24+s17+$0x0], $0xffff  }
0x2c2: {  	v60 =	vor.u32 v31, v18;
	v16 =	vld.idx.msk [tilespmem:v13+s9+$0x0], $0xffff  }
0x2c3: {  	s0 =	sshll.u32 s2, $0x7;
	v61 =	vor.u32 v4, v18;
	v11 =	vadd.f32 v11, v19;
	v14 =	vld.idx.msk [tilespmem:v15+s9+$0x0], $0xffff  }
0x2c4: {  	s8 =	sand.u32 $0x3FFFFF80, s0;
	v15 =	vor.u32 v54, v18;
	v13 =	vld.idx.msk [tilespmem:v23+s9+$0x0], $0xffff  }
0x2c5: {  	v31 =	vor.u32 v2, v18;
	v2 =	vld [tilespmem:$0x1FF30];
	[tilespmem:s8+$0xDD00] =	vst v11  }
0x2c6: {  	v26 =	vor.u32 v18, v6;
	v11 =	vld.idx.msk [tilespmem:v55+s17+$0x0], $0xffff  }
0x2c7: {  	v28 =	vor.u32 v18, v9;
	v21 =	vld.idx.msk [tilespmem:v60+s17+$0x0], $0xffff  }
0x2c8: {  	v23 =	vld.idx.msk [tilespmem:v61+s17+$0x0], $0xffff  }
0x2c9: {  	v63 =	vor.u32 v7, v18;
	v27 =	vld.idx.msk [tilespmem:v15+s17+$0x0], $0xffff;
	v62 =	vadd.f32 v17, v16  }
0x2ca: {  	v32 =	vor.u32 v2, v18;
	v24 =	vadd.f32 v24, v13;
	v2 =	vld [tilespmem:$0x1FDF0]  }
0x2cb: {  	v15 =	vld.idx.msk [tilespmem:v26+s9+$0x0], $0xffff;
	[tilespmem:s8+$0xDD80] =	vst v62;
	v11 =	vadd.f32 v11, v19  }
0x2cc: {  	v17 =	vld.idx.msk [tilespmem:v28+s9+$0x0], $0xffff;
	[tilespmem:s8+$0xDF80] =	vst v24  }
0x2cd: {  	v28 =	vld.idx.msk [tilespmem:v29+s17+$0x0], $0xffff;
	[tilespmem:s8+$0xDD10] =	vst v11;
	v11 =	vor.u32 v38, v18  }
0x2ce: {  	v58 =	vor.u32 v18, v46;
	v26 =	vld.idx.msk [tilespmem:v63+s17+$0x0], $0xffff;
	v38 =	vadd.f32 v27, v12  }
0x2cf: {  	v54 =	vor.u32 v2, v18;
	v2 =	vld [tilespmem:$0x1FF70]  }
0x2d0: {  	v20 =	vld.idx.msk [tilespmem:v56+s17+$0x0], $0xffff;
	[tilespmem:s8+$0xDF00] =	vst v38  }
0x2d1: {  	v49 =	vor.u32 v10, v18;
	v32 =	vld.idx.msk [tilespmem:v32+s17+$0x0], $0xffff  }
0x2d2: {  	v22 =	vld.idx.msk [tilespmem:v11+s17+$0x0], $0xffff  }
0x2d3: {  	v21 =	vadd.f32 v21, v15;
	v11 =	vld.idx.msk [tilespmem:v58+s9+$0x0], $0xffff  }
0x2d4: {  	v29 =	vor.u32 v39, v18;
	v58 =	vld [tilespmem:$0x1FBD0]  }
0x2d5: {  	[tilespmem:s8+$0xE000] =	vst v21;
	v56 =	vadd.f32 v28, v16;
	v60 =	vor.u32 v2, v18;
	v2 =	vld [tilespmem:$0x1FDE0]  }
0x2d6: {  	v27 =	vld.idx.msk [tilespmem:v49+s17+$0x0], $0xffff;
	v20 =	vadd.f32 v20, v19  }
0x2d7: {  	v49 =	vld [tilespmem:$0x1FCE0];
	[tilespmem:s8+$0xDD90] =	vst v56  }
0x2d8: {  	v56 =	vld [tilespmem:$0x1FE50];
	[tilespmem:s8+$0xDD20] =	vst v20;
	v22 =	vadd.f32 v22, v14  }
0x2d9: {  	v28 =	vld.idx.msk [tilespmem:v29+s17+$0x0], $0xffff;
	v25 =	vadd.f32 v25, v11  }
0x2da: {  	v62 =	vor.u32 v41, v18;
	v53 =	vor.u32 v58, v18;
	v41 =	vor.u32 v2, v18;
	v2 =	vld [tilespmem:$0x1FEA0];
	[tilespmem:s8+$0xDE00] =	vst v22  }
0x2db: {  	v63 =	vadd.f32 v26, v13;
	[tilespmem:s8+$0xDE80] =	vst v25;
	v30 =	vld.idx.msk [tilespmem:v30+s17+$0x0], $0xffff  }
0x2dc: {  	v55 =	vadd.f32 v23, v17;
	v25 =	vld.idx.msk [tilespmem:v31+s17+$0x0], $0xffff;
	v31 =	vor.u32 v52, v18  }
0x2dd: {  	[tilespmem:s8+$0xDF90] =	vst v63;
	v58 =	vor.u32 v3, v18;
	v3 =	vld [tilespmem:$0x1FE40]  }
0x2de: {  	[tilespmem:s8+$0xE080] =	vst v55;
	v21 =	vld.idx.msk [tilespmem:v60+s17+$0x0], $0xffff  }
0x2df: {  	v22 =	vld.idx.msk [tilespmem:v53+s17+$0x0], $0xffff  }
0x2e0: {  	v53 =	vor.u32 v48, v18;
	v48 =	vor.u32 v2, v18;
	v2 =	vld [tilespmem:$0x1FEB0];
	v29 =	vadd.f32 v30, v14  }
0x2e1: {  	v59 =	vadd.f32 v25, v11;
	v61 =	vld.idx.msk [tilespmem:v31+s17+$0x0], $0xffff  }
0x2e2: {  	v30 =	vor.u32 v3, v18;
	v31 =	vor.u32 v47, v18;
	v47 =	vld [tilespmem:$0x1FB80];
	[tilespmem:s8+$0xDE10] =	vst v29  }
0x2e3: {  	[tilespmem:s8+$0xDE90] =	vst v59;
	v59 =	vld [tilespmem:$0x1FBE0]  }
0x2e4: {  	v29 =	vadd.f32 v32, v12;
	v24 =	vld.idx.msk [tilespmem:v54+s17+$0x0], $0xffff  }
0x2e5: {  	v38 =	vadd.f32 v27, v15;
	v23 =	vld.idx.msk [tilespmem:v58+s17+$0x0], $0xffff  }
0x2e6: {  	v28 =	vadd.f32 v28, v19;
	v58 =	vld [tilespmem:$0x1FFE0];
	[tilespmem:s8+$0xDF10] =	vst v29;
	v29 =	vor.u32 v33, v18  }
0x2e7: {  	[tilespmem:s8+$0xE010] =	vst v38;
	v39 =	vor.u32 v47, v18;
	v30 =	vld.idx.msk [tilespmem:v30+s17+$0x0], $0xffff  }
0x2e8: {  	[tilespmem:s8+$0xDD30] =	vst v28;
	v25 =	vadd.f32 v61, v16;
	v28 =	vld.idx.msk [tilespmem:v31+s17+$0x0], $0xffff  }
0x2e9: {  	v22 =	vadd.f32 v22, v17;
	v31 =	vld.idx.msk [tilespmem:v62+s17+$0x0], $0xffff  }
0x2ea: {  	v61 =	vld [tilespmem:$0x1FD10];
	[tilespmem:s8+$0xDDA0] =	vst v25  }
0x2eb: {  	[tilespmem:s8+$0xE090] =	vst v22;
	v24 =	vadd.f32 v24, v14;
	v38 =	vld.idx.msk [tilespmem:v29+s17+$0x0], $0xffff  }
0x2ec: {  	v54 =	vor.u32 v49, v18;
	v55 =	vadd.f32 v23, v11;
	v63 =	vld.idx.msk [tilespmem:v39+s17+$0x0], $0xffff  }
0x2ed: {  	[tilespmem:s8+$0xDE20] =	vst v24;
	v24 =	vor.u32 v2, v18;
	v2 =	vld [tilespmem:$0x1FED0]  }
0x2ee: {  	v29 =	vor.u32 v58, v18;
	v39 =	vadd.f32 v30, v12;
	[tilespmem:s8+$0xDEA0] =	vst v55;
	v20 =	vld.idx.msk [tilespmem:v41+s17+$0x0], $0xffff  }
0x2ef: {  	v21 =	vadd.f32 v21, v13;
	v62 =	vor.u32 v61, v18;
	v22 =	vld.idx.msk [tilespmem:v53+s17+$0x0], $0xffff  }
0x2f0: {  	v30 =	vor.u32 v42, v18;
	v41 =	vadd.f32 v28, v15;
	v53 =	vld [tilespmem:$0x1FFB0];
	[tilespmem:s8+$0xDF20] =	vst v39  }
0x2f1: {  	[tilespmem:s8+$0xDFA0] =	vst v21;
	v28 =	vadd.f32 v31, v19;
	v32 =	vld.idx.msk [tilespmem:v54+s17+$0x0], $0xffff  }
0x2f2: {  	[tilespmem:s8+$0xE020] =	vst v41;
	v41 =	vor.u32 v57, v18;
	v57 =	vld [tilespmem:$0x1FF80]  }
0x2f3: {  	v42 =	vor.u32 v59, v18;
	[tilespmem:s8+$0xDD40] =	vst v28;
	v28 =	vld.idx.msk [tilespmem:v29+s17+$0x0], $0xffff  }
0x2f4: {  	v31 =	vor.u32 v51, v18;
	v23 =	vld.idx.msk [tilespmem:v62+s17+$0x0], $0xffff  }
0x2f5: {  	v60 =	vadd.f32 v63, v17;
	v29 =	vld.idx.msk [tilespmem:v30+s17+$0x0], $0xffff  }
0x2f6: {  	v62 =	vadd.f32 v38, v16;
	v63 =	vor.u32 v8, v18;
	v8 =	vld [tilespmem:$0x1FE60]  }
0x2f7: {  	v20 =	vadd.f32 v20, v14;
	[tilespmem:s8+$0xE0A0] =	vst v60;
	v60 =	vld [tilespmem:$0x1FBF0]  }
0x2f8: {  	v30 =	vor.u32 v56, v18;
	v22 =	vadd.f32 v22, v11;
	[tilespmem:s8+$0xDDB0] =	vst v62;
	v25 =	vld.idx.msk [tilespmem:v42+s17+$0x0], $0xffff  }
0x2f9: {  	v38 =	vld.idx.msk [tilespmem:v31+s17+$0x0], $0xffff;
	[tilespmem:s8+$0xDE30] =	vst v20  }
0x2fa: {  	v39 =	vadd.f32 v32, v12;
	[tilespmem:s8+$0xDEB0] =	vst v22;
	v21 =	vld.idx.msk [tilespmem:v48+s17+$0x0], $0xffff  }
0x2fb: {  	v31 =	vor.u32 v53, v18;
	v51 =	vadd.f32 v28, v15;
	v48 =	vld.idx.msk [tilespmem:v63+s17+$0x0], $0xffff  }
0x2fc: {  	v42 =	vadd.f32 v23, v13;
	[tilespmem:s8+$0xDF30] =	vst v39;
	v28 =	vadd.f32 v29, v19;
	v29 =	vor.u32 v2, v18;
	v2 =	vld [tilespmem:$0x1FDD0]  }
0x2fd: {  	v30 =	vld.idx.msk [tilespmem:v30+s17+$0x0], $0xffff;
	[tilespmem:s8+$0xE030] =	vst v51  }
0x2fe: {  	v51 =	vld [tilespmem:$0x1FE00];
	[tilespmem:s8+$0xDFB0] =	vst v42  }
0x2ff: {  	v24 =	vld.idx.msk [tilespmem:v24+s17+$0x0], $0xffff  }
0x300: {  	v54 =	vor.u32 v60, v18;
	[tilespmem:s8+$0xDD50] =	vst v28;
	v28 =	vld.idx.msk [tilespmem:v31+s17+$0x0], $0xffff  }
0x301: {  	v63 =	vadd.f32 v38, v16;
	v31 =	vld.idx.msk [tilespmem:v41+s17+$0x0], $0xffff  }
0x302: {  	v62 =	vadd.f32 v25, v17;
	v38 =	vor.u32 v57, v18;
	v55 =	vor.u32 v2, v18;
	v2 =	vld [tilespmem:$0x1FCF0]  }
0x303: {  	[tilespmem:s8+$0xDDC0] =	vst v63;
	v39 =	vadd.f32 v48, v11;
	v48 =	vld [tilespmem:$0x1FE10]  }
0x304: {  	[tilespmem:s8+$0xE0B0] =	vst v62;
	v42 =	vld.idx.msk [tilespmem:v29+s17+$0x0], $0xffff  }
0x305: {  	v41 =	vld.idx.msk [tilespmem:v54+s17+$0x0], $0xffff  }
0x306: {  	v62 =	vadd.f32 v30, v12;
	[tilespmem:s8+$0xDEC0] =	vst v39;
	v54 =	vld [tilespmem:$0x1FD00]  }
0x307: {  	v21 =	vadd.f32 v21, v14;
	v63 =	vadd.f32 v24, v13;
	v24 =	vld.idx.msk [tilespmem:v38+s17+$0x0], $0xffff  }
0x308: {  	[tilespmem:s8+$0xDF40] =	vst v62;
	v38 =	vadd.f32 v28, v15;
	v28 =	vadd.f32 v31, v19;
	v31 =	vor.u32 v51, v18;
	v62 =	vld [tilespmem:$0x1FCC0]  }
0x309: {  	[tilespmem:s8+$0xDE40] =	vst v21;
	v32 =	vor.u32 v2, v18;
	v2 =	vld [tilespmem:$0x1FD20]  }
0x30a: {  	v22 =	vld.idx.msk [tilespmem:v55+s17+$0x0], $0xffff;
	v42 =	vadd.f32 v42, v16  }
0x30b: {  	v55 =	vld [tilespmem:$0x1FC00];
	[tilespmem:s8+$0xDFC0] =	vst v63  }
0x30c: {  	v29 =	vor.u32 v48, v18;
	v63 =	vld [tilespmem:$0x1FD30];
	[tilespmem:s8+$0xDDD0] =	vst v42  }
0x30d: {  	v30 =	vor.u32 v45, v18;
	v26 =	vld.idx.msk [tilespmem:v31+s17+$0x0], $0xffff  }
0x30e: {  	v23 =	vor.u32 v2, v18;
	v2 =	vld [tilespmem:$0x1FF90]  }
0x30f: {  	v32 =	vld.idx.msk [tilespmem:v32+s17+$0x0], $0xffff  }
0x310: {  	[tilespmem:s8+$0xE040] =	vst v38;
	v45 =	vor.u32 v62, v18;
	v31 =	vor.u32 v8, v18;
	v8 =	vld [tilespmem:$0x1FCB0]  }
0x311: {  	[tilespmem:s8+$0xDD60] =	vst v28;
	v41 =	vadd.f32 v41, v17;
	v39 =	vor.u32 v55, v18;
	v28 =	vld.idx.msk [tilespmem:v29+s17+$0x0], $0xffff  }
0x312: {  	v33 =	vadd.f32 v24, v11;
	v29 =	vld.idx.msk [tilespmem:v30+s17+$0x0], $0xffff;
	v30 =	vor.u32 v54, v18  }
0x313: {  	[tilespmem:s8+$0xE0C0] =	vst v41;
	v20 =	vor.u32 v2, v18;
	v23 =	vld.idx.msk [tilespmem:v23+s17+$0x0], $0xffff  }
0x314: {  	[tilespmem:s8+$0xDED0] =	vst v33;
	v41 =	vadd.f32 v32, v12;
	v2 =	vld [tilespmem:$0x1FBA0]  }
0x315: {  	v22 =	vadd.f32 v22, v14;
	v45 =	vld.idx.msk [tilespmem:v45+s17+$0x0], $0xffff  }
0x316: {  	v39 =	vld.idx.msk [tilespmem:v39+s17+$0x0], $0xffff;
	[tilespmem:s8+$0xDF50] =	vst v41  }
0x317: {  	v38 =	vor.u32 v63, v18;
	[tilespmem:s8+$0xDE50] =	vst v22;
	v32 =	vadd.f32 v28, v15;
	v28 =	vld.idx.msk [tilespmem:v30+s17+$0x0], $0xffff  }
0x318: {  	v29 =	vadd.f32 v29, v19;
	v19 =	vadd.f32 v26, v16;
	v20 =	vld.idx.msk [tilespmem:v20+s17+$0x0], $0xffff  }
0x319: {  	v22 =	vor.u32 v34, v18;
	v42 =	vadd.f32 v23, v13;
	v33 =	vor.u32 v2, v18;
	v2 =	vld [tilespmem:$0x1FCD0]  }
0x31a: {  	[tilespmem:s8+$0xDDE0] =	vst v19;
	v23 =	vadd.f32 v45, v11;
	v45 =	vld [tilespmem:$0x1FFF0]  }
0x31b: {  	v41 =	vor.u32 v35, v18;
	v19 =	vld [tilespmem:$0x1FBB0];
	[tilespmem:s8+$0xDFD0] =	vst v42  }
0x31c: {  	[tilespmem:s8+$0xE050] =	vst v32;
	v21 =	vld.idx.msk [tilespmem:v38+s17+$0x0], $0xffff;
	v38 =	vadd.f32 v39, v17  }
0x31d: {  	v30 =	vor.u32 v36, v18;
	v39 =	vld.idx.msk [tilespmem:v31+s17+$0x0], $0xffff;
	v20 =	vadd.f32 v20, v14  }
0x31e: {  	v34 =	vld.idx.msk [tilespmem:v22+s17+$0x0], $0xffff;
	[tilespmem:s8+$0xE0D0] =	vst v38;
	v27 =	vor.u32 v2, v18  }
0x31f: {  	s29 =	sor.u32 $0x8, s2;
	v28 =	vadd.f32 v28, v12;
	v32 =	vor.u32 v45, v18;
	v42 =	vld.idx.msk [tilespmem:v33+s17+$0x0], $0xffff;
	[tilespmem:s8+$0xDE60] =	vst v20  }
0x320: {  	v38 =	vmov s29;
	v33 =	vor.u32 v19, v18;
	v35 =	vld.idx.msk [tilespmem:v41+s17+$0x0], $0xffff  }
0x321: {  	s3 =	sor.u32 $0x9, s2;
	[tilespmem:s8+$0xDF60] =	vst v28;
	v31 =	vadd.f32 v21, v13;
	v21 =	vshrl.u32 v38, $0x3;
	v41 =	vld [tilespmem:$0x1FBC0]  }
0x322: {  	[tilespmem:s8+$0xDEE0] =	vst v23;
	v28 =	vld.idx.msk [tilespmem:v30+s17+$0x0], $0xffff;
	v24 =	vadd.f32 v39, v15;
	v39 =	vmov s3;
	v19 =	vshll.u32 v21, v1  }
0x323: {  	s10 =	sor.u32 $0xA, s2;
	v21 =	vshrl.u32 v39, $0x3;
	v19 =	vbroadcast v19, $0x0;
	v36 =	vld.idx.msk [tilespmem:v27+s17+$0x0], $0xffff;
	[tilespmem:s8+$0xDFE0] =	vst v31  }
0x324: {  	v21 =	vshll.u32 v21, v1;
	[tilespmem:s8+$0xE060] =	vst v24;
	v20 =	vadd.f32 v42, v17;
	v42 =	vmov s10;
	v30 =	vld.idx.msk [tilespmem:v32+s17+$0x0], $0xffff  }
0x325: {  	s30 =	sor.u32 $0xB, s2;
	v21 =	vbroadcast v21, $0x0;
	v32 =	vld.idx.msk [tilespmem:v33+s17+$0x0], $0xffff;
	v22 =	vshrl.u32 v42, $0x3;
	v26 =	vor.u32 v0, v19  }
0x326: {  	v0 =	vld [tilespmem:$0x1FFD0];
	v18 =	vor.u32 v41, v18;
	v22 =	vshll.u32 v22, v1;
	v41 =	vmov s30  }
0x327: {  	v25 =	vor.u32 v5, v19;
	v5 =	vld [tilespmem:$0x1FEC0];
	v23 =	vbroadcast v22, $0x0;
	v42 =	vshrl.u32 v41, $0x3  }
0x328: {  	v31 =	vor.u32 v21, v40;
	v24 =	vshll.u32 v42, v1;
	v42 =	vld [tilespmem:$0x1FE90]  }
0x329: {  	s31 =	sor.u32 $0xC, s2;
	v27 =	vor.u32 v37, v21;
	v37 =	vor.u32 v23, v43;
	v43 =	vld [tilespmem:$0x1FC90]  }
0x32a: {  	[tilespmem:s8+$0xE0E0] =	vst v20;
	v40 =	vmov s31;
	v39 =	vld.idx.msk [tilespmem:v26+s17+$0x0], $0xffff  }
0x32b: {  	v41 =	vshrl.u32 v40, $0x3;
	v33 =	vld.idx.msk [tilespmem:v18+s17+$0x0], $0xffff  }
0x32c: {  	v20 =	vshll.u32 v41, v1;
	v24 =	vbroadcast v24, $0x0;
	v15 =	vadd.f32 v32, v15;
	v18 =	vld.idx.msk [tilespmem:v25+s9+$0x0], $0xffff  }
0x32d: {  	s21 =	sor.u32 $0xD, s2;
	s23 =	sor.u32 $0xE, s2;
	v25 =	vbroadcast v20, $0x0;
	v20 =	vld.idx.msk [tilespmem:v31+s9+$0x0], $0xffff  }
0x32e: {  	v22 =	vmov s21;
	v40 =	vor.u32 v24, v46;
	v46 =	vmov s23;
	[tilespmem:s8+$0xE070] =	vst v15;
	v15 =	vld [tilespmem:$0x1FEF0]  }
0x32f: {  	v22 =	vshrl.u32 v22, $0x3;
	v41 =	vshrl.u32 v46, $0x3;
	v46 =	vld [tilespmem:$0x1FF10]  }
0x330: {  	s25 =	sor.u32 $0xF, s2;
	v22 =	vshll.u32 v22, v1;
	v38 =	vor.u32 v42, v23;
	v42 =	vld.idx.msk [tilespmem:v27+s17+$0x0], $0xffff  }
0x331: {  	v26 =	vbroadcast v22, $0x0;
	v27 =	vshll.u32 v41, v1;
	v41 =	vmov s25;
	v22 =	vld.idx.msk [tilespmem:v37+s9+$0x0], $0xffff  }
0x332: {  	v31 =	vor.u32 v43, v24;
	v43 =	vor.u32 v25, v44;
	v44 =	vld [tilespmem:$0x1FE80];
	v41 =	vshrl.u32 v41, $0x3  }
0x333: {  	v34 =	vadd.f32 v34, v16;
	v41 =	vshll.u32 v41, v1;
	v16 =	vld.idx.msk [tilespmem:v40+s9+$0x0], $0xffff  }
0x334: {  	[tilespmem:s8+$0xDD70] =	vst v29;
	v29 =	vadd.f32 v35, v14;
	v27 =	vbroadcast v27, $0x0;
	v14 =	vbroadcast v41, $0x0;
	v41 =	vld [tilespmem:$0x1FD80]  }
0x335: {  	[tilespmem:s8+$0xDDF0] =	vst v34;
	v34 =	vadd.f32 v36, v11;
	v40 =	vor.u32 v0, v26;
	v0 =	vld [tilespmem:$0x1FFA0]  }
0x336: {  	v35 =	vor.u32 v27, v6;
	v6 =	vld [tilespmem:$0x1FF70]  }
0x337: {  	[tilespmem:s8+$0xDEF0] =	vst v34;
	v17 =	vadd.f32 v33, v17;
	v34 =	vor.u32 v10, v27;
	v10 =	vld [tilespmem:$0x1FED0]  }
0x338: {  	v38 =	vld.idx.msk [tilespmem:v38+s17+$0x0], $0xffff  }
0x339: {  	[tilespmem:s8+$0xE0F0] =	vst v17;
	v17 =	vadd.f32 v42, v20;
	v42 =	vld [tilespmem:$0x1FD90]  }
0x33a: {  	v31 =	vld.idx.msk [tilespmem:v31+s17+$0x0], $0xffff  }
0x33b: {  	s0 =	sshll.u32 s29, $0x7;
	v36 =	vor.u32 v46, v27;
	v46 =	vadd.f32 v39, v18;
	v11 =	vld.idx.msk [tilespmem:v43+s9+$0x0], $0xffff  }
0x33c: {  	s2 =	sand.u32 $0x3FFFFF80, s0;
	v43 =	vld [tilespmem:$0x1FDA0]  }
0x33d: {  	[tilespmem:s2+$0xDD00] =	vst v46;
	v46 =	vld [tilespmem:$0x1FF30]  }
0x33e: {  	v37 =	vor.u32 v44, v25;
	v44 =	vor.u32 v26, v50;
	v50 =	vor.u32 v14, v9;
	v9 =	vld [tilespmem:$0x1FEA0]  }
0x33f: {  	v13 =	vadd.f32 v30, v13;
	v30 =	vor.u32 v4, v14;
	v32 =	vld.idx.msk [tilespmem:v40+s17+$0x0], $0xffff  }
0x340: {  	v40 =	vld [tilespmem:$0x1FD70]  }
0x341: {  	[tilespmem:s8+$0xDFF0] =	vst v13;
	v13 =	vld.idx.msk [tilespmem:v35+s9+$0x0], $0xffff  }
0x342: {  	v33 =	vor.u32 v0, v21;
	v0 =	vld [tilespmem:$0x1FBD0]  }
0x343: {  	v36 =	vld.idx.msk [tilespmem:v36+s17+$0x0], $0xffff  }
0x344: {  	v30 =	vld.idx.msk [tilespmem:v30+s17+$0x0], $0xffff  }
0x345: {  	v28 =	vadd.f32 v28, v12;
	[tilespmem:s8+$0xDE70] =	vst v29;
	v29 =	vld.idx.msk [tilespmem:v37+s17+$0x0], $0xffff  }
0x346: {  	v12 =	vld.idx.msk [tilespmem:v44+s9+$0x0], $0xffff  }
0x347: {  	[tilespmem:s8+$0xDF70] =	vst v28;
	s8 =	sshll.u32 s3, $0x7;
	v35 =	vor.u32 v5, v23;
	v44 =	vld [tilespmem:$0x1FDB0]  }
0x348: {  	v39 =	vor.u32 v15, v24;
	s8 =	sand.u32 $0x3FFFFF80, s8;
	v15 =	vld.idx.msk [tilespmem:v50+s9+$0x0], $0xffff  }
0x349: {  	s29 =	sshll.u32 s10, $0x7;
	[tilespmem:s8+$0xDD00] =	vst v17;
	v50 =	vadd.f32 v38, v22;
	v17 =	vadd.f32 v31, v16;
	v31 =	vor.u32 v7, v26;
	v7 =	vld [tilespmem:$0x1FFA0]  }
0x34a: {  	s29 =	sand.u32 $0x3FFFFF80, s29;
	s30 =	sshll.u32 s30, $0x7;
	v28 =	vor.u32 v43, v19;
	v33 =	vld.idx.msk [tilespmem:v33+s17+$0x0], $0xffff  }
0x34b: {  	s30 =	sand.u32 $0x3FFFFF80, s30;
	[tilespmem:s29+$0xDD00] =	vst v50;
	v50 =	vor.u32 v0, v14;
	v0 =	vld [tilespmem:$0x1FDF0]  }
0x34c: {  	[tilespmem:s30+$0xDD00] =	vst v17;
	v35 =	vld.idx.msk [tilespmem:v35+s17+$0x0], $0xffff  }
0x34d: {  	s10 =	sshll.u32 s21, $0x7;
	s21 =	sshll.u32 s23, $0x7;
	v37 =	vor.u32 v46, v25;
	v46 =	vld.idx.msk [tilespmem:v39+s17+$0x0], $0xffff;
	v36 =	vadd.f32 v36, v13  }
0x34e: {  	s23 =	sand.u32 $0x3FFFFF80, s21;
	v39 =	vld [tilespmem:$0x1FD60]  }
0x34f: {  	s25 =	sshll.u32 s25, $0x7;
	s3 =	sshll.u32 s31, $0x7;
	v28 =	vld.idx.msk [tilespmem:v28+s17+$0x0], $0xffff;
	v30 =	vadd.f32 v30, v15;
	[tilespmem:s23+$0xDD00] =	vst v36  }
0x350: {  	s31 =	sand.u32 $0x3FFFFF80, s3;
	s3 =	sand.u32 $0x3FFFFF80, s25;
	v17 =	vadd.f32 v32, v12;
	v34 =	vld.idx.msk [tilespmem:v34+s17+$0x0], $0xffff  }
0x351: {  	s0 =	sand.u32 $0x3FFFFF80, s10;
	[tilespmem:s3+$0xDD00] =	vst v30;
	v30 =	vld [tilespmem:$0x1FCA0]  }
0x352: {  	v29 =	vadd.f32 v29, v11;
	[tilespmem:s0+$0xDD00] =	vst v17;
	v17 =	vor.u32 v52, v21;
	v36 =	vor.u32 v0, v23;
	v0 =	vld [tilespmem:$0x1FDE0]  }
0x353: {  	v33 =	vadd.f32 v33, v20;
	v31 =	vld.idx.msk [tilespmem:v31+s17+$0x0], $0xffff  }
0x354: {  	[tilespmem:s31+$0xDD00] =	vst v29;
	v29 =	vor.u32 v40, v19;
	v32 =	vld.idx.msk [tilespmem:v50+s17+$0x0], $0xffff;
	v50 =	vadd.f32 v46, v16  }
0x355: {  	v37 =	vld.idx.msk [tilespmem:v37+s17+$0x0], $0xffff;
	[tilespmem:s8+$0xDD10] =	vst v33  }
0x356: {  	v28 =	vadd.f32 v28, v18;
	[tilespmem:s30+$0xDD10] =	vst v50;
	v50 =	vor.u32 v47, v14;
	v47 =	vld [tilespmem:$0x1FF40]  }
0x357: {  	v38 =	vor.u32 v6, v26;
	v34 =	vadd.f32 v34, v13;
	v17 =	vld.idx.msk [tilespmem:v17+s17+$0x0], $0xffff  }
0x358: {  	v30 =	vor.u32 v30, v24;
	[tilespmem:s2+$0xDD10] =	vst v28;
	v28 =	vadd.f32 v35, v22;
	v35 =	vor.u32 v3, v25;
	v3 =	vld [tilespmem:$0x1FF40]  }
0x359: {  	v29 =	vld.idx.msk [tilespmem:v29+s17+$0x0], $0xffff;
	v31 =	vadd.f32 v31, v12;
	[tilespmem:s23+$0xDD10] =	vst v34  }
0x35a: {  	v34 =	vor.u32 v0, v23;
	v0 =	vld [tilespmem:$0x1FF60];
	[tilespmem:s29+$0xDD10] =	vst v28  }
0x35b: {  	v36 =	vld.idx.msk [tilespmem:v36+s17+$0x0], $0xffff;
	[tilespmem:s0+$0xDD10] =	vst v31  }
0x35c: {  	v28 =	vadd.f32 v37, v11;
	v38 =	vld.idx.msk [tilespmem:v38+s17+$0x0], $0xffff  }
0x35d: {  	v32 =	vadd.f32 v32, v15;
	v30 =	vld.idx.msk [tilespmem:v30+s17+$0x0], $0xffff  }
0x35e: {  	[tilespmem:s31+$0xDD10] =	vst v28;
	v28 =	vor.u32 v39, v19;
	v46 =	vor.u32 v3, v27;
	v3 =	vld [tilespmem:$0x1FE70]  }
0x35f: {  	[tilespmem:s3+$0xDD10] =	vst v32;
	v35 =	vld.idx.msk [tilespmem:v35+s17+$0x0], $0xffff  }
0x360: {  	v33 =	vld.idx.msk [tilespmem:v50+s17+$0x0], $0xffff;
	v29 =	vadd.f32 v29, v18  }
0x361: {  	v50 =	vor.u32 v9, v23;
	v9 =	vld [tilespmem:$0x1FBB0];
	v17 =	vadd.f32 v17, v20  }
0x362: {  	[tilespmem:s2+$0xDD20] =	vst v29;
	v29 =	vadd.f32 v36, v22;
	v36 =	vor.u32 v49, v25;
	v49 =	vld [tilespmem:$0x1FBC0]  }
0x363: {  	[tilespmem:s8+$0xDD20] =	vst v17;
	v28 =	vld.idx.msk [tilespmem:v28+s17+$0x0], $0xffff;
	v17 =	vadd.f32 v30, v16  }
0x364: {  	v31 =	vor.u32 v3, v21;
	v3 =	vld [tilespmem:$0x1FF00];
	[tilespmem:s29+$0xDD20] =	vst v29;
	v29 =	vadd.f32 v35, v11  }
0x365: {  	v37 =	vld.idx.msk [tilespmem:v46+s17+$0x0], $0xffff;
	v30 =	vor.u32 v61, v26;
	[tilespmem:s30+$0xDD20] =	vst v17  }
0x366: {  	v46 =	vor.u32 v59, v14;
	v34 =	vld.idx.msk [tilespmem:v34+s17+$0x0], $0xffff;
	v17 =	vadd.f32 v38, v12;
	[tilespmem:s31+$0xDD20] =	vst v29  }
0x367: {  	v36 =	vld.idx.msk [tilespmem:v36+s17+$0x0], $0xffff  }
0x368: {  	v33 =	vadd.f32 v33, v15;
	v29 =	vor.u32 v41, v19;
	[tilespmem:s0+$0xDD20] =	vst v17;
	v17 =	vor.u32 v0, v21;
	v0 =	vld [tilespmem:$0x1FEB0]  }
0x369: {  	v61 =	vor.u32 v58, v27;
	v31 =	vld.idx.msk [tilespmem:v31+s17+$0x0], $0xffff  }
0x36a: {  	[tilespmem:s3+$0xDD20] =	vst v33;
	v28 =	vadd.f32 v28, v18;
	v30 =	vld.idx.msk [tilespmem:v30+s17+$0x0], $0xffff  }
0x36b: {  	v32 =	vor.u32 v3, v24;
	v37 =	vadd.f32 v37, v13;
	v38 =	vld.idx.msk [tilespmem:v46+s17+$0x0], $0xffff  }
0x36c: {  	v3 =	vld [tilespmem:$0x1FCF0];
	[tilespmem:s2+$0xDD30] =	vst v28  }
0x36d: {  	v59 =	vor.u32 v56, v25;
	v28 =	vadd.f32 v34, v22;
	[tilespmem:s23+$0xDD20] =	vst v37;
	v29 =	vld.idx.msk [tilespmem:v29+s17+$0x0], $0xffff  }
0x36e: {  	v35 =	vld.idx.msk [tilespmem:v61+s17+$0x0], $0xffff  }
0x36f: {  	[tilespmem:s29+$0xDD30] =	vst v28;
	v28 =	vadd.f32 v36, v11;
	v61 =	vor.u32 v0, v26;
	v0 =	vld [tilespmem:$0x1FDD0]  }
0x370: {  	v32 =	vld.idx.msk [tilespmem:v32+s17+$0x0], $0xffff;
	v31 =	vadd.f32 v31, v20  }
0x371: {  	v37 =	vld.idx.msk [tilespmem:v50+s17+$0x0], $0xffff;
	[tilespmem:s31+$0xDD30] =	vst v28;
	v28 =	vor.u32 v42, v19  }
0x372: {  	v46 =	vor.u32 v53, v27;
	v30 =	vadd.f32 v30, v12;
	v34 =	vld.idx.msk [tilespmem:v59+s17+$0x0], $0xffff;
	[tilespmem:s8+$0xDD30] =	vst v31  }
0x373: {  	v29 =	vadd.f32 v29, v18;
	v17 =	vld.idx.msk [tilespmem:v17+s17+$0x0], $0xffff  }
0x374: {  	[tilespmem:s0+$0xDD30] =	vst v30;
	v35 =	vadd.f32 v35, v13;
	v50 =	vor.u32 v0, v23;
	v0 =	vld [tilespmem:$0x1FF90]  }
0x375: {  	v58 =	vor.u32 v8, v24;
	[tilespmem:s2+$0xDD40] =	vst v29;
	v31 =	vadd.f32 v32, v16;
	v32 =	vld.idx.msk [tilespmem:v61+s17+$0x0], $0xffff  }
0x376: {  	v29 =	vadd.f32 v37, v22;
	[tilespmem:s23+$0xDD30] =	vst v35;
	v28 =	vld.idx.msk [tilespmem:v28+s17+$0x0], $0xffff  }
0x377: {  	v30 =	vor.u32 v10, v21;
	v36 =	vld.idx.msk [tilespmem:v46+s17+$0x0], $0xffff  }
0x378: {  	v46 =	vor.u32 v3, v25;
	v3 =	vld [tilespmem:$0x1FD20];
	[tilespmem:s29+$0xDD40] =	vst v29;
	v29 =	vadd.f32 v34, v11  }
0x379: {  	[tilespmem:s30+$0xDD30] =	vst v31;
	v31 =	vor.u32 v60, v14;
	v60 =	vor.u32 v48, v27;
	v48 =	vld [tilespmem:$0x1FF00];
	v17 =	vadd.f32 v17, v20  }
0x37a: {  	v33 =	vld.idx.msk [tilespmem:v58+s17+$0x0], $0xffff;
	[tilespmem:s31+$0xDD40] =	vst v29  }
0x37b: {  	v29 =	vor.u32 v44, v19;
	v35 =	vld.idx.msk [tilespmem:v50+s17+$0x0], $0xffff;
	[tilespmem:s8+$0xDD40] =	vst v17  }
0x37c: {  	v38 =	vadd.f32 v38, v15;
	v30 =	vld.idx.msk [tilespmem:v30+s17+$0x0], $0xffff  }
0x37d: {  	v28 =	vadd.f32 v28, v18;
	v37 =	vld.idx.msk [tilespmem:v46+s17+$0x0], $0xffff  }
0x37e: {  	[tilespmem:s3+$0xDD30] =	vst v38;
	v46 =	vor.u32 v0, v23;
	v0 =	vld [tilespmem:$0x1FF20]  }
0x37f: {  	v53 =	vor.u32 v57, v24;
	v36 =	vadd.f32 v36, v13;
	v31 =	vld.idx.msk [tilespmem:v31+s17+$0x0], $0xffff;
	[tilespmem:s2+$0xDD50] =	vst v28  }
0x380: {  	v29 =	vld.idx.msk [tilespmem:v29+s17+$0x0], $0xffff  }
0x381: {  	v17 =	vadd.f32 v33, v16;
	v33 =	vor.u32 v3, v26;
	[tilespmem:s23+$0xDD40] =	vst v36;
	v3 =	vld [tilespmem:$0x1FE60]  }
0x382: {  	v34 =	vld.idx.msk [tilespmem:v60+s17+$0x0], $0xffff;
	v28 =	vadd.f32 v35, v22  }
0x383: {  	v35 =	vld [tilespmem:$0x1FE30];
	[tilespmem:s30+$0xDD40] =	vst v17;
	v17 =	vadd.f32 v32, v12  }
0x384: {  	v61 =	vor.u32 v55, v14;
	v38 =	vld.idx.msk [tilespmem:v53+s17+$0x0], $0xffff;
	[tilespmem:s29+$0xDD50] =	vst v28  }
0x385: {  	[tilespmem:s0+$0xDD40] =	vst v17;
	v17 =	vor.u32 v51, v21;
	v31 =	vadd.f32 v31, v15;
	v36 =	vld.idx.msk [tilespmem:v46+s17+$0x0], $0xffff  }
0x386: {  	v33 =	vld.idx.msk [tilespmem:v33+s17+$0x0], $0xffff  }
0x387: {  	v30 =	vadd.f32 v30, v20;
	v55 =	vor.u32 v3, v27;
	v3 =	vld [tilespmem:$0x1FBA0];
	[tilespmem:s3+$0xDD40] =	vst v31;
	v31 =	vor.u32 v62, v24  }
0x388: {  	v28 =	vadd.f32 v37, v11;
	v37 =	vld [tilespmem:$0x1FD50];
	v29 =	vadd.f32 v29, v18  }
0x389: {  	v53 =	vor.u32 v54, v25;
	[tilespmem:s8+$0xDD50] =	vst v30;
	v32 =	vld.idx.msk [tilespmem:v61+s17+$0x0], $0xffff;
	v30 =	vadd.f32 v38, v16  }
0x38a: {  	v54 =	vor.u32 v63, v26;
	[tilespmem:s2+$0xDD60] =	vst v29;
	v17 =	vld.idx.msk [tilespmem:v17+s17+$0x0], $0xffff  }
0x38b: {  	v29 =	vadd.f32 v36, v22;
	v36 =	vld [tilespmem:$0x1FDC0];
	[tilespmem:s30+$0xDD50] =	vst v30  }
0x38c: {  	[tilespmem:s31+$0xDD50] =	vst v28;
	v30 =	vadd.f32 v33, v12;
	v56 =	vor.u32 v3, v14;
	v28 =	vld.idx.msk [tilespmem:v31+s17+$0x0], $0xffff  }
0x38d: {  	v19 =	vor.u32 v0, v19;
	v31 =	vadd.f32 v34, v13;
	v34 =	vld [tilespmem:$0x1FE20]  }
0x38e: {  	[tilespmem:s0+$0xDD50] =	vst v30;
	v30 =	vld.idx.msk [tilespmem:v53+s17+$0x0], $0xffff;
	v32 =	vadd.f32 v32, v15  }
0x38f: {  	v23 =	vor.u32 v35, v23;
	[tilespmem:s23+$0xDD50] =	vst v31;
	v31 =	vld.idx.msk [tilespmem:v54+s17+$0x0], $0xffff  }
0x390: {  	v24 =	vor.u32 v2, v24;
	[tilespmem:s3+$0xDD50] =	vst v32;
	v17 =	vadd.f32 v17, v20;
	v58 =	vld.idx.msk [tilespmem:v55+s17+$0x0], $0xffff  }
0x391: {  	v25 =	vor.u32 v36, v25;
	v33 =	vld.idx.msk [tilespmem:v56+s17+$0x0], $0xffff  }
0x392: {  	v21 =	vor.u32 v34, v21;
	[tilespmem:s8+$0xDD60] =	vst v17;
	v17 =	vld.idx.msk [tilespmem:v19+s17+$0x0], $0xffff;
	v19 =	vadd.f32 v28, v16  }
0x393: {  	v26 =	vor.u32 v45, v26;
	v45 =	vld [tilespmem:$0x1FFD0];
	[tilespmem:s29+$0xDD60] =	vst v29;
	v28 =	vadd.f32 v30, v11  }
0x394: {  	v27 =	vor.u32 v9, v27;
	[tilespmem:s30+$0xDD60] =	vst v19;
	v19 =	vld.idx.msk [tilespmem:v23+s17+$0x0], $0xffff;
	v59 =	vadd.f32 v31, v12  }
0x395: {  	v14 =	vor.u32 v49, v14;
	[tilespmem:s31+$0xDD60] =	vst v28;
	v24 =	vld.idx.msk [tilespmem:v24+s17+$0x0], $0xffff;
	v28 =	vadd.f32 v58, v13  }
0x396: {  	[tilespmem:s0+$0xDD60] =	vst v59;
	v60 =	vld.idx.msk [tilespmem:v25+s17+$0x0], $0xffff;
	v61 =	vadd.f32 v33, v15  }
0x397: {  	v21 =	vld.idx.msk [tilespmem:v21+s17+$0x0], $0xffff;
	v17 =	vadd.f32 v17, v18;
	[tilespmem:s23+$0xDD60] =	vst v28  }
0x398: {  	v18 =	vld.idx.msk [tilespmem:v26+s17+$0x0], $0xffff;
	[tilespmem:s3+$0xDD60] =	vst v61  }
0x399: {  	v62 =	vld.idx.msk [tilespmem:v27+s17+$0x0], $0xffff;
	[tilespmem:s2+$0xDD70] =	vst v17;
	v17 =	vadd.f32 v19, v22  }
0x39a: {  	v14 =	vld.idx.msk [tilespmem:v14+s17+$0x0], $0xffff;
	v16 =	vadd.f32 v24, v16  }
0x39b: {  	v51 =	vld [tilespmem:$0x1FF60];
	[tilespmem:s29+$0xDD70] =	vst v17;
	v11 =	vadd.f32 v60, v11  }
0x39c: {  	p3 =	por p2, p2;
	v38 =	vld [tilespmem:$0x1FE90];
	v20 =	vadd.f32 v21, v20;
	[tilespmem:s30+$0xDD70] =	vst v16  }
.Ltmp4:
0x39d: {  	v3 =	vld [tilespmem:$0x1FCA0];
	v12 =	vadd.f32 v18, v12;
	[tilespmem:s31+$0xDD70] =	vst v11;
	(pc) =	sbr.rel @p3 .LBB2_7-.Ltmp4, $4  }
0x39e: {  	v54 =	vld [tilespmem:$0x1FE80];
	v11 =	vadd.f32 v62, v13;
	[tilespmem:s8+$0xDD70] =	vst v20  }
0x39f: {  	v31 =	vld [tilespmem:$0x1FF10];
	[tilespmem:s0+$0xDD70] =	vst v12;
	v63 =	vadd.f32 v14, v15  }
0x3a0: {  	v33 =	vld [tilespmem:$0x1FE70];
	[tilespmem:s23+$0xDD70] =	vst v11  }
0x3a1: {  	p2 =	por $0x0, $0x0;
	v57 =	vmov v44;
	s2 =	simm.s32 $0x10;
	v17 =	vld [tilespmem:$0x1FC90];
	[tilespmem:s3+$0xDD70] =	vst v63  }
0x3a2: {  	s0 =	sshll.u32 s7, $0x11  }
0x3a3: {  	s0 =	sor.u32 s4, s0  }
0x3a4: {  	s0 =	sshrl.u32 s0, $0x3  }
0x3a5: {  	s2 =	simm.s32 $0xDD00;
	s0 =	sadd.s32 s1, s0  }
0x3a6: {  	[hbm4b:s0+s11] =	stream.strided.scatter [tilespmem:s2], [sflag:$0x7], $0x1000, s12, s11, $0x38;
	[tilespmem:$0xFD00] =	vst v63  }
0x3a7: {  	s0 =	sadd.s32 @!p1 $0xC00, s6  }
0x3a8: {  	s0 =	sand.u32 @!p1 $0x3FC00, s0  }
0x3a9: {  	s3 =	simm.s32 @!p1 $0x9D00;
	s2 =	simm.s32 @!p1 $0x80;
	s0 =	sshrl.u32 @!p1 s0, $0x2  }
0x3aa: {  	[tilespmem:s3], [sflag:$0x3] =	stream.indirect.gather @!p1 [hbm4b:s5+s2], $0x20, s0, s2, $0xb8;
	[tilespmem:$0xFD00] =	vst v63  }
0x3ab: {  	s6 =	sor.u32 $0x3, s18;
	_ =	swait.ge [sflag:s26], $0x1000  }
0x3ac: {  	s31 =	sshll.u32 s6, $0x5;
	[sflag:s26] =	ssyncset.done $0x0  }
0x3ad: {  	v0 =	vmov s31;
	s2 =	simm.s32 @!p0 $0x8;
	[sflag:s26] =	ssyncadd.s32 $0xFFFFF000  }
0x3ae: {  	v5 =	vor.u32 $0x1, v0;
	_ =	swait.ge @!p0 [sflag:s2], $0x1000  }
0x3af: {  	[tilespmem:$0x1FA00] =	vst v5  }
0x3b0: {  	v5 =	vor.u32 $0x2, v0;
	[tilespmem:$0x1FA60] =	vst v0  }
0x3b1: {  	[tilespmem:$0x1FA10] =	vst v5;
	v5 =	vor.u32 $0x3, v0  }
0x3b2: {  	[tilespmem:$0x1FA20] =	vst v5;
	v5 =	vor.u32 $0x4, v0  }
0x3b3: {  	v46 =	vld [tilespmem:$0x1FEE0];
	[tilespmem:$0x1FA30] =	vst v5;
	v5 =	vor.u32 $0x5, v0  }
0x3b4: {  	v56 =	vmov v6;
	v6 =	vld [tilespmem:$0x1FFE0];
	[tilespmem:$0x1FA40] =	vst v5;
	v5 =	vor.u32 $0x6, v0  }
0x3b5: {  	[sflag:s2] =	ssyncset.done @!p0 $0x0;
	v55 =	vld [tilespmem:$0x1FFB0];
	v0 =	vor.u32 $0x7, v0;
	[tilespmem:$0x1FA50] =	vst v5  }
0x3b6: {  	[sflag:s2] =	ssyncadd.s32 @!p0 $0xFFFFF000;
	s2 =	simm.s32 $0x0;
	p0 =	por $0x1, $0x1;
	[tilespmem:$0x1FA70] =	vst v0;
	v5 =	vld [tilespmem:$0x1FFF0]  }
.LBB2_9:
0x3b7: {  	v52 =	vld [tilespmem:$0x1FA60]  }
0x3b8: {  	v0 =	vld [tilespmem:$0x1FD40]  }
0x3b9: {  	v11 =	vmov s2;
	v44 =	vld [tilespmem:$0x1FA20]  }
0x3ba: {  	v63 =	vld [tilespmem:$0x1FA30];
	v11 =	vshrl.u32 v11, $0x3  }
0x3bb: {  	v7 =	vld [tilespmem:$0x1FA40];
	v11 =	vshll.u32 v11, v1  }
0x3bc: {  	v2 =	vld [tilespmem:$0x1FEC0];
	v18 =	vbroadcast v11, $0x0  }
0x3bd: {  	v9 =	vld [tilespmem:$0x1FA50]  }
0x3be: {  	v10 =	vld [tilespmem:$0x1FA70];
	v11 =	vor.u32 v52, v18  }
0x3bf: {  	v12 =	vor.u32 v0, v18;
	v53 =	vor.u32 v40, v18;
	v40 =	vld [tilespmem:$0x1FA00]  }
0x3c0: {  	v50 =	vor.u32 v43, v18;
	v43 =	vld [tilespmem:$0x1FA10]  }
0x3c1: {  	v14 =	vor.u32 v37, v18;
	v30 =	vor.u32 v2, v18;
	v2 =	vld [tilespmem:$0x1FEF0]  }
0x3c2: {  	v59 =	vor.u32 v17, v18;
	v62 =	vor.u32 v4, v18;
	v4 =	vld [tilespmem:$0x1FFC0]  }
0x3c3: {  	v21 =	vor.u32 v18, v63;
	v19 =	vld.idx.msk [tilespmem:v11+s9+$0x0], $0xffff  }
0x3c4: {  	v24 =	vor.u32 v45, v18;
	v11 =	vld.idx.msk [tilespmem:v12+s19+$0x0], $0xffff  }
0x3c5: {  	v61 =	vor.u32 v31, v18;
	v49 =	vor.u32 v46, v18;
	v46 =	vld [tilespmem:$0x1FF50]  }
0x3c6: {  	v17 =	vld.idx.msk [tilespmem:v14+s19+$0x0], $0xffff  }
0x3c7: {  	v25 =	vld.idx.msk [tilespmem:v59+s19+$0x0], $0xffff  }
0x3c8: {  	v13 =	vor.u32 v18, v40;
	v12 =	vld.idx.msk [tilespmem:v21+s9+$0x0], $0xffff  }
0x3c9: {  	s0 =	sshll.u32 s2, $0x7;
	v15 =	vor.u32 v18, v43;
	v24 =	vld.idx.msk [tilespmem:v24+s19+$0x0], $0xffff;
	v11 =	vadd.f32 v11, v19  }
0x3ca: {  	s7 =	sand.u32 $0x3FFFFF80, s0;
	v23 =	vor.u32 v18, v7;
	v21 =	vld.idx.msk [tilespmem:v61+s19+$0x0], $0xffff  }
0x3cb: {  	v31 =	vor.u32 v2, v18;
	v2 =	vld [tilespmem:$0x1FF30];
	[tilespmem:s7+$0xED00] =	vst v11  }
0x3cc: {  	v11 =	vld.idx.msk [tilespmem:v50+s19+$0x0], $0xffff  }
0x3cd: {  	v16 =	vld.idx.msk [tilespmem:v13+s9+$0x0], $0xffff  }
0x3ce: {  	v14 =	vld.idx.msk [tilespmem:v15+s9+$0x0], $0xffff  }
0x3cf: {  	v15 =	vor.u32 v54, v18;
	v13 =	vld.idx.msk [tilespmem:v23+s9+$0x0], $0xffff  }
0x3d0: {  	v26 =	vor.u32 v18, v9;
	v61 =	vld [tilespmem:$0x1FE40]  }
0x3d1: {  	v32 =	vor.u32 v2, v18;
	v2 =	vld [tilespmem:$0x1FBD0];
	v11 =	vadd.f32 v11, v19  }
0x3d2: {  	v50 =	vld [tilespmem:$0x1FFA0]  }
0x3d3: {  	v23 =	vld.idx.msk [tilespmem:v62+s19+$0x0], $0xffff;
	[tilespmem:s7+$0xED10] =	vst v11;
	v11 =	vor.u32 v38, v18  }
0x3d4: {  	v58 =	vor.u32 v18, v44;
	v27 =	vld.idx.msk [tilespmem:v15+s19+$0x0], $0xffff;
	v24 =	vadd.f32 v24, v13  }
0x3d5: {  	v15 =	vld.idx.msk [tilespmem:v26+s9+$0x0], $0xffff  }
0x3d6: {  	v28 =	vor.u32 v18, v10;
	v54 =	vor.u32 v2, v18;
	v2 =	vld [tilespmem:$0x1FDF0];
	[tilespmem:s7+$0xEF80] =	vst v24  }
0x3d7: {  	v29 =	vor.u32 v50, v18;
	v26 =	vld.idx.msk [tilespmem:v49+s19+$0x0], $0xffff  }
0x3d8: {  	v22 =	vld.idx.msk [tilespmem:v11+s19+$0x0], $0xffff  }
0x3d9: {  	v38 =	vadd.f32 v17, v16;
	v11 =	vld.idx.msk [tilespmem:v58+s9+$0x0], $0xffff  }
0x3da: {  	v20 =	vld.idx.msk [tilespmem:v53+s19+$0x0], $0xffff;
	v53 =	vadd.f32 v27, v12;
	v27 =	vor.u32 v4, v18  }
0x3db: {  	v17 =	vld.idx.msk [tilespmem:v28+s9+$0x0], $0xffff;
	[tilespmem:s7+$0xED80] =	vst v38  }
0x3dc: {  	v21 =	vadd.f32 v21, v15;
	v28 =	vld.idx.msk [tilespmem:v29+s19+$0x0], $0xffff  }
0x3dd: {  	v29 =	vor.u32 v39, v18;
	v39 =	vor.u32 v3, v18;
	v3 =	vld [tilespmem:$0x1FF80];
	v22 =	vadd.f32 v22, v14  }
0x3de: {  	[tilespmem:s7+$0xF000] =	vst v21;
	v58 =	vor.u32 v2, v18;
	v2 =	vld [tilespmem:$0x1FDE0];
	v25 =	vadd.f32 v25, v11  }
0x3df: {  	v27 =	vld.idx.msk [tilespmem:v27+s19+$0x0], $0xffff;
	[tilespmem:s7+$0xEE00] =	vst v22  }
0x3e0: {  	v20 =	vadd.f32 v20, v19;
	[tilespmem:s7+$0xEE80] =	vst v25;
	v30 =	vld.idx.msk [tilespmem:v30+s19+$0x0], $0xffff  }
0x3e1: {  	[tilespmem:s7+$0xEF00] =	vst v53;
	v25 =	vld.idx.msk [tilespmem:v31+s19+$0x0], $0xffff;
	v31 =	vor.u32 v46, v18  }
0x3e2: {  	v32 =	vld.idx.msk [tilespmem:v32+s19+$0x0], $0xffff;
	v59 =	vadd.f32 v23, v17;
	[tilespmem:s7+$0xED20] =	vst v20  }
0x3e3: {  	v38 =	vadd.f32 v28, v16;
	v28 =	vld.idx.msk [tilespmem:v29+s19+$0x0], $0xffff  }
0x3e4: {  	[tilespmem:s7+$0xF080] =	vst v59;
	v60 =	vor.u32 v2, v18;
	v2 =	vld [tilespmem:$0x1FEA0]  }
0x3e5: {  	[tilespmem:s7+$0xED90] =	vst v38;
	v59 =	vadd.f32 v27, v15;
	v22 =	vld.idx.msk [tilespmem:v54+s19+$0x0], $0xffff  }
0x3e6: {  	v29 =	vadd.f32 v30, v14;
	v54 =	vld.idx.msk [tilespmem:v31+s19+$0x0], $0xffff  }
0x3e7: {  	[tilespmem:s7+$0xF010] =	vst v59;
	v30 =	vor.u32 v61, v18;
	v49 =	vadd.f32 v25, v11;
	v31 =	vor.u32 v47, v18;
	v47 =	vld [tilespmem:$0x1FB80]  }
0x3e8: {  	v59 =	vld [tilespmem:$0x1FBE0];
	[tilespmem:s7+$0xEE10] =	vst v29  }
0x3e9: {  	v53 =	vor.u32 v56, v18;
	v56 =	vor.u32 v41, v18;
	v29 =	vadd.f32 v32, v12;
	[tilespmem:s7+$0xEE90] =	vst v49;
	v49 =	vld [tilespmem:$0x1FCE0]  }
0x3ea: {  	v24 =	vld.idx.msk [tilespmem:v58+s19+$0x0], $0xffff  }
0x3eb: {  	v28 =	vadd.f32 v28, v19;
	v23 =	vld.idx.msk [tilespmem:v39+s19+$0x0], $0xffff;
	[tilespmem:s7+$0xEF10] =	vst v29  }
0x3ec: {  	v27 =	vor.u32 v47, v18;
	v30 =	vld.idx.msk [tilespmem:v30+s19+$0x0], $0xffff  }
0x3ed: {  	[tilespmem:s7+$0xED30] =	vst v28;
	v58 =	vadd.f32 v26, v13;
	v29 =	vor.u32 v33, v18;
	v28 =	vld.idx.msk [tilespmem:v31+s19+$0x0], $0xffff  }
0x3ee: {  	v22 =	vadd.f32 v22, v17;
	v31 =	vld.idx.msk [tilespmem:v56+s19+$0x0], $0xffff  }
0x3ef: {  	[tilespmem:s7+$0xEF90] =	vst v58;
	v25 =	vadd.f32 v54, v16;
	v56 =	vld [tilespmem:$0x1FD10]  }
0x3f0: {  	v62 =	vor.u32 v48, v18;
	[tilespmem:s7+$0xF090] =	vst v22;
	v21 =	vld.idx.msk [tilespmem:v53+s19+$0x0], $0xffff  }
0x3f1: {  	[tilespmem:s7+$0xEDA0] =	vst v25;
	v24 =	vadd.f32 v24, v14;
	v48 =	vld.idx.msk [tilespmem:v27+s19+$0x0], $0xffff  }
0x3f2: {  	v38 =	vor.u32 v49, v18;
	v39 =	vadd.f32 v23, v11;
	v27 =	vld.idx.msk [tilespmem:v29+s19+$0x0], $0xffff  }
0x3f3: {  	[tilespmem:s7+$0xEE20] =	vst v24;
	v53 =	vadd.f32 v30, v12;
	v30 =	vor.u32 v42, v18;
	v42 =	vor.u32 v57, v18;
	v57 =	vld [tilespmem:$0x1FED0]  }
0x3f4: {  	v41 =	vor.u32 v56, v18;
	[tilespmem:s7+$0xEEA0] =	vst v39;
	v20 =	vld.idx.msk [tilespmem:v60+s19+$0x0], $0xffff  }
0x3f5: {  	v29 =	vor.u32 v6, v18;
	v22 =	vld.idx.msk [tilespmem:v62+s19+$0x0], $0xffff  }
0x3f6: {  	v21 =	vadd.f32 v21, v13;
	v60 =	vor.u32 v2, v18;
	v2 =	vld [tilespmem:$0x1FEB0]  }
0x3f7: {  	v54 =	vadd.f32 v28, v15;
	[tilespmem:s7+$0xEF20] =	vst v53;
	v53 =	vld [tilespmem:$0x1FE50]  }
0x3f8: {  	v28 =	vadd.f32 v31, v19;
	v32 =	vld.idx.msk [tilespmem:v38+s19+$0x0], $0xffff;
	[tilespmem:s7+$0xEFA0] =	vst v21  }
0x3f9: {  	v58 =	vor.u32 v59, v18;
	[tilespmem:s7+$0xF020] =	vst v54;
	v23 =	vld.idx.msk [tilespmem:v41+s19+$0x0], $0xffff  }
0x3fa: {  	v31 =	vor.u32 v51, v18;
	[tilespmem:s7+$0xED40] =	vst v28;
	v28 =	vld.idx.msk [tilespmem:v29+s19+$0x0], $0xffff  }
0x3fb: {  	v62 =	vadd.f32 v48, v17;
	v29 =	vld.idx.msk [tilespmem:v30+s19+$0x0], $0xffff  }
0x3fc: {  	v33 =	vadd.f32 v27, v16;
	v27 =	vor.u32 v8, v18;
	v8 =	vld [tilespmem:$0x1FE60]  }
0x3fd: {  	v20 =	vadd.f32 v20, v14;
	v24 =	vor.u32 v2, v18;
	v2 =	vld [tilespmem:$0x1FDD0];
	[tilespmem:s7+$0xF0A0] =	vst v62  }
0x3fe: {  	[tilespmem:s7+$0xEDB0] =	vst v33;
	v38 =	vld.idx.msk [tilespmem:v58+s19+$0x0], $0xffff  }
0x3ff: {  	v22 =	vadd.f32 v22, v11;
	v30 =	vor.u32 v53, v18;
	v39 =	vld.idx.msk [tilespmem:v31+s19+$0x0], $0xffff;
	[tilespmem:s7+$0xEE30] =	vst v20  }
0x400: {  	v21 =	vld.idx.msk [tilespmem:v60+s19+$0x0], $0xffff  }
0x401: {  	v41 =	vadd.f32 v32, v12;
	[tilespmem:s7+$0xEEB0] =	vst v22;
	v60 =	vld [tilespmem:$0x1FBF0]  }
0x402: {  	v31 =	vor.u32 v55, v18;
	v48 =	vadd.f32 v23, v13;
	v51 =	vld.idx.msk [tilespmem:v27+s19+$0x0], $0xffff  }
0x403: {  	[tilespmem:s7+$0xEF30] =	vst v41;
	v54 =	vadd.f32 v28, v15;
	v22 =	vor.u32 v2, v18;
	v2 =	vld [tilespmem:$0x1FCF0]  }
0x404: {  	v28 =	vadd.f32 v29, v19;
	v30 =	vld.idx.msk [tilespmem:v30+s19+$0x0], $0xffff;
	[tilespmem:s7+$0xEFB0] =	vst v48  }
0x405: {  	[tilespmem:s7+$0xF030] =	vst v54;
	v48 =	vld [tilespmem:$0x1FE10]  }
0x406: {  	[tilespmem:s7+$0xED50] =	vst v28;
	v24 =	vld.idx.msk [tilespmem:v24+s19+$0x0], $0xffff  }
0x407: {  	v62 =	vadd.f32 v38, v17;
	v38 =	vadd.f32 v39, v16;
	v39 =	vor.u32 v3, v18;
	v28 =	vld.idx.msk [tilespmem:v31+s19+$0x0], $0xffff  }
0x408: {  	v21 =	vadd.f32 v21, v14;
	v32 =	vor.u32 v2, v18;
	v2 =	vld [tilespmem:$0x1FD20]  }
0x409: {  	v31 =	vld.idx.msk [tilespmem:v42+s19+$0x0], $0xffff;
	v27 =	vor.u32 v60, v18;
	v41 =	vadd.f32 v51, v11  }
0x40a: {  	v29 =	vor.u32 v57, v18;
	v51 =	vld [tilespmem:$0x1FE00];
	[tilespmem:s7+$0xEE40] =	vst v21  }
0x40b: {  	v22 =	vld.idx.msk [tilespmem:v22+s19+$0x0], $0xffff;
	[tilespmem:s7+$0xEEC0] =	vst v41  }
0x40c: {  	[tilespmem:s7+$0xF0B0] =	vst v62;
	v62 =	vadd.f32 v24, v13;
	v24 =	vld.idx.msk [tilespmem:v39+s19+$0x0], $0xffff  }
0x40d: {  	v42 =	vor.u32 v2, v18;
	v2 =	vld [tilespmem:$0x1FF20]  }
0x40e: {  	[tilespmem:s7+$0xEDC0] =	vst v38;
	v58 =	vadd.f32 v30, v12;
	v54 =	vld.idx.msk [tilespmem:v27+s19+$0x0], $0xffff  }
0x40f: {  	v27 =	vld.idx.msk [tilespmem:v29+s19+$0x0], $0xffff  }
0x410: {  	[tilespmem:s7+$0xEF40] =	vst v58;
	v58 =	vld [tilespmem:$0x1FC00]  }
0x411: {  	v29 =	vor.u32 v48, v18;
	[tilespmem:s7+$0xEFC0] =	vst v62;
	v62 =	vld [tilespmem:$0x1FCC0]  }
0x412: {  	v30 =	vor.u32 v2, v18;
	v2 =	vld [tilespmem:$0x1FF90]  }
0x413: {  	v38 =	vadd.f32 v28, v15;
	v28 =	vadd.f32 v31, v19;
	v31 =	vor.u32 v51, v18;
	v32 =	vld.idx.msk [tilespmem:v32+s19+$0x0], $0xffff  }
0x414: {  	v41 =	vadd.f32 v54, v17;
	v54 =	vld [tilespmem:$0x1FD00]  }
0x415: {  	[tilespmem:s7+$0xF040] =	vst v38;
	v23 =	vld.idx.msk [tilespmem:v42+s19+$0x0], $0xffff;
	v42 =	vadd.f32 v27, v16  }
0x416: {  	[tilespmem:s7+$0xED60] =	vst v28;
	v39 =	vor.u32 v58, v18;
	v28 =	vld.idx.msk [tilespmem:v29+s19+$0x0], $0xffff  }
0x417: {  	[tilespmem:s7+$0xEDD0] =	vst v42;
	v20 =	vor.u32 v2, v18;
	v2 =	vld [tilespmem:$0x1FD30]  }
0x418: {  	v26 =	vld.idx.msk [tilespmem:v31+s19+$0x0], $0xffff  }
0x419: {  	v22 =	vadd.f32 v22, v14;
	v27 =	vor.u32 v62, v18;
	v29 =	vld.idx.msk [tilespmem:v30+s19+$0x0], $0xffff  }
0x41a: {  	[tilespmem:s7+$0xF0C0] =	vst v41;
	v30 =	vor.u32 v54, v18  }
0x41b: {  	v33 =	vadd.f32 v24, v11;
	[tilespmem:s7+$0xEE50] =	vst v22;
	v39 =	vld.idx.msk [tilespmem:v39+s19+$0x0], $0xffff  }
0x41c: {  	v41 =	vadd.f32 v32, v12;
	v38 =	vor.u32 v2, v18;
	v20 =	vld.idx.msk [tilespmem:v20+s19+$0x0], $0xffff  }
0x41d: {  	[tilespmem:s7+$0xEED0] =	vst v33;
	v31 =	vor.u32 v8, v18;
	v42 =	vadd.f32 v23, v13;
	v2 =	vld [tilespmem:$0x1FBA0]  }
0x41e: {  	[tilespmem:s7+$0xEF50] =	vst v41;
	v32 =	vld.idx.msk [tilespmem:v27+s19+$0x0], $0xffff;
	v29 =	vadd.f32 v29, v19;
	v19 =	vadd.f32 v26, v16  }
0x41f: {  	v41 =	vor.u32 v35, v18;
	v33 =	vadd.f32 v28, v15;
	[tilespmem:s7+$0xEFD0] =	vst v42;
	v28 =	vld.idx.msk [tilespmem:v30+s19+$0x0], $0xffff  }
0x420: {  	[tilespmem:s7+$0xEDE0] =	vst v19;
	v19 =	vld [tilespmem:$0x1FBB0]  }
0x421: {  	[tilespmem:s7+$0xF050] =	vst v33;
	v21 =	vld.idx.msk [tilespmem:v38+s19+$0x0], $0xffff;
	v20 =	vadd.f32 v20, v14  }
0x422: {  	v27 =	vor.u32 v2, v18;
	v38 =	vadd.f32 v39, v17;
	v39 =	vld.idx.msk [tilespmem:v31+s19+$0x0], $0xffff  }
0x423: {  	v22 =	vor.u32 v34, v18;
	v2 =	vld [tilespmem:$0x1FCD0];
	[tilespmem:s7+$0xEE60] =	vst v20  }
0x424: {  	v35 =	vld.idx.msk [tilespmem:v41+s19+$0x0], $0xffff  }
0x425: {  	v30 =	vor.u32 v36, v18;
	v41 =	vld [tilespmem:$0x1FBC0]  }
0x426: {  	s18 =	sor.u32 $0x8, s2;
	v23 =	vadd.f32 v32, v11;
	v32 =	vor.u32 v5, v18;
	[tilespmem:s7+$0xF0D0] =	vst v38  }
0x427: {  	v28 =	vadd.f32 v28, v12;
	v38 =	vmov s18;
	v33 =	vor.u32 v19, v18;
	v42 =	vld.idx.msk [tilespmem:v27+s19+$0x0], $0xffff  }
0x428: {  	v34 =	vld.idx.msk [tilespmem:v22+s19+$0x0], $0xffff;
	v31 =	vadd.f32 v21, v13;
	v21 =	vshrl.u32 v38, $0x3  }
0x429: {  	s3 =	sor.u32 $0x9, s2;
	v8 =	vld [tilespmem:$0x1FCB0];
	[tilespmem:s7+$0xEF60] =	vst v28;
	v27 =	vor.u32 v2, v18;
	v24 =	vadd.f32 v39, v15;
	v19 =	vshll.u32 v21, v1  }
0x42a: {  	v28 =	vld.idx.msk [tilespmem:v30+s19+$0x0], $0xffff;
	v39 =	vmov s3;
	v19 =	vbroadcast v19, $0x0;
	[tilespmem:s7+$0xEFE0] =	vst v31;
	v18 =	vor.u32 v41, v18  }
0x42b: {  	v21 =	vshrl.u32 v39, $0x3;
	[tilespmem:s7+$0xF060] =	vst v24;
	v30 =	vld.idx.msk [tilespmem:v32+s19+$0x0], $0xffff  }
0x42c: {  	v21 =	vshll.u32 v21, v1;
	v32 =	vld.idx.msk [tilespmem:v33+s19+$0x0], $0xffff;
	v52 =	vor.u32 v52, v19;
	v20 =	vadd.f32 v42, v17  }
0x42d: {  	s8 =	sor.u32 $0xA, s2;
	s10 =	sor.u32 $0xB, s2;
	[tilespmem:s7+$0xEEE0] =	vst v23;
	v21 =	vbroadcast v21, $0x0;
	v26 =	vor.u32 v0, v19;
	v0 =	vld [tilespmem:$0x1FEE0]  }
0x42e: {  	v42 =	vmov s8;
	v36 =	vld.idx.msk [tilespmem:v27+s19+$0x0], $0xffff;
	v27 =	vmov s10;
	[tilespmem:s7+$0xF0E0] =	vst v20  }
0x42f: {  	s29 =	sor.u32 $0xC, s2;
	v22 =	vshrl.u32 v42, $0x3;
	v39 =	vshrl.u32 v27, $0x3;
	v27 =	vor.u32 v37, v21;
	v33 =	vld.idx.msk [tilespmem:v18+s19+$0x0], $0xffff  }
0x430: {  	v41 =	vmov s29;
	v22 =	vshll.u32 v22, v1;
	v13 =	vadd.f32 v30, v13;
	v30 =	vld [tilespmem:$0x1FB90]  }
0x431: {  	s21 =	sor.u32 $0xD, s2;
	v31 =	vor.u32 v21, v40;
	v40 =	vshll.u32 v39, v1;
	v23 =	vbroadcast v22, $0x0;
	v18 =	vld.idx.msk [tilespmem:v52+s9+$0x0], $0xffff  }
0x432: {  	s23 =	sor.u32 $0xE, s2;
	v42 =	vshrl.u32 v41, $0x3;
	v24 =	vbroadcast v40, $0x0;
	v52 =	vmov s21;
	v39 =	vld.idx.msk [tilespmem:v26+s19+$0x0], $0xffff  }
0x433: {  	s25 =	sor.u32 $0xF, s2;
	v37 =	vor.u32 v23, v43;
	v43 =	vld [tilespmem:$0x1FE90];
	v22 =	vshrl.u32 v52, $0x3;
	v52 =	vmov s23  }
0x434: {  	v20 =	vshll.u32 v42, v1;
	v42 =	vld.idx.msk [tilespmem:v27+s19+$0x0], $0xffff;
	v27 =	vshrl.u32 v52, $0x3;
	v52 =	vmov s25  }
0x435: {  	v25 =	vbroadcast v20, $0x0;
	v40 =	vor.u32 v24, v44;
	v44 =	vld [tilespmem:$0x1FC90];
	v41 =	vshrl.u32 v52, $0x3  }
0x436: {  	v34 =	vadd.f32 v34, v16;
	v20 =	vld.idx.msk [tilespmem:v31+s9+$0x0], $0xffff;
	v41 =	vshll.u32 v41, v1  }
0x437: {  	[tilespmem:s7+$0xED70] =	vst v29;
	v29 =	vadd.f32 v35, v14;
	v63 =	vor.u32 v25, v63;
	v14 =	vbroadcast v41, $0x0;
	v41 =	vld [tilespmem:$0x1FD80]  }
0x438: {  	v22 =	vshll.u32 v22, v1;
	v52 =	vmovc v47;
	v47 =	vmovc v55;
	v55 =	vmov v6;
	v6 =	vmov v5;
	v5 =	vld [tilespmem:$0x1FF10]  }
0x439: {  	[tilespmem:s7+$0xEDF0] =	vst v34;
	v28 =	vadd.f32 v28, v12;
	v26 =	vbroadcast v22, $0x0;
	v22 =	vld.idx.msk [tilespmem:v37+s9+$0x0], $0xffff  }
0x43a: {  	[tilespmem:s7+$0xEE70] =	vst v29;
	v31 =	vor.u32 v44, v24;
	v44 =	vld [tilespmem:$0x1FE80]  }
0x43b: {  	[tilespmem:s7+$0xEF70] =	vst v28;
	v15 =	vadd.f32 v32, v15;
	v27 =	vshll.u32 v27, v1;
	v16 =	vld.idx.msk [tilespmem:v40+s9+$0x0], $0xffff  }
0x43c: {  	v34 =	vadd.f32 v36, v11;
	[tilespmem:s7+$0xEFF0] =	vst v13;
	v27 =	vbroadcast v27, $0x0;
	v17 =	vadd.f32 v33, v17;
	v11 =	vld.idx.msk [tilespmem:v63+s9+$0x0], $0xffff  }
0x43d: {  	s0 =	sshll.u32 s18, $0x7;
	[tilespmem:s7+$0xF070] =	vst v15;
	v33 =	vor.u32 v50, v21;
	v50 =	vadd.f32 v39, v18;
	v38 =	vor.u32 v43, v23;
	v43 =	vld [tilespmem:$0x1FDA0]  }
0x43e: {  	s2 =	sand.u32 $0x3FFFFF80, s0;
	[tilespmem:s7+$0xF0F0] =	vst v17;
	v17 =	vadd.f32 v42, v20;
	v42 =	vld [tilespmem:$0x1FD90]  }
0x43f: {  	s30 =	sshll.u32 s3, $0x7;
	[tilespmem:s2+$0xED00] =	vst v50;
	v50 =	vor.u32 v4, v27;
	v4 =	vld [tilespmem:$0x1FD20]  }
0x440: {  	[tilespmem:s7+$0xEEF0] =	vst v34;
	v40 =	vor.u32 v45, v26;
	s7 =	sand.u32 $0x3FFFFF80, s30;
	v63 =	vor.u32 v14, v10;
	v10 =	vld [tilespmem:$0x1FE60]  }
0x441: {  	[tilespmem:s7+$0xED00] =	vst v17;
	v36 =	vor.u32 v5, v27;
	v5 =	vld [tilespmem:$0x1FEC0]  }
0x442: {  	v35 =	vor.u32 v27, v9;
	v33 =	vld.idx.msk [tilespmem:v33+s19+$0x0], $0xffff  }
0x443: {  	v38 =	vld.idx.msk [tilespmem:v38+s19+$0x0], $0xffff  }
0x444: {  	v31 =	vld.idx.msk [tilespmem:v31+s19+$0x0], $0xffff  }
0x445: {  	v30 =	vor.u32 v30, v14;
	v32 =	vld.idx.msk [tilespmem:v40+s19+$0x0], $0xffff  }
0x446: {  	v40 =	vld [tilespmem:$0x1FD70]  }
0x447: {  	v13 =	vld.idx.msk [tilespmem:v35+s9+$0x0], $0xffff  }
0x448: {  	v37 =	vor.u32 v44, v25;
	v44 =	vor.u32 v26, v7;
	v7 =	vld [tilespmem:$0x1FE70]  }
0x449: {  	v15 =	vld.idx.msk [tilespmem:v63+s9+$0x0], $0xffff  }
0x44a: {  	v30 =	vld.idx.msk [tilespmem:v30+s19+$0x0], $0xffff  }
0x44b: {  	v36 =	vld.idx.msk [tilespmem:v36+s19+$0x0], $0xffff  }
0x44c: {  	v28 =	vor.u32 v43, v19;
	v35 =	vor.u32 v5, v23;
	v5 =	vld [tilespmem:$0x1FEF0]  }
0x44d: {  	v29 =	vld.idx.msk [tilespmem:v37+s19+$0x0], $0xffff  }
0x44e: {  	v12 =	vld.idx.msk [tilespmem:v44+s9+$0x0], $0xffff  }
0x44f: {  	v17 =	vadd.f32 v31, v16;
	v31 =	vor.u32 v0, v26;
	v0 =	vld [tilespmem:$0x1FBD0]  }
0x450: {  	s31 =	sshll.u32 s8, $0x7;
	v44 =	vld [tilespmem:$0x1FDB0];
	v63 =	vadd.f32 v38, v22  }
0x451: {  	s3 =	sshll.u32 s10, $0x7;
	s8 =	sand.u32 $0x3FFFFF80, s31;
	v28 =	vld.idx.msk [tilespmem:v28+s19+$0x0], $0xffff  }
0x452: {  	s18 =	sand.u32 $0x3FFFFF80, s3;
	s23 =	sshll.u32 s23, $0x7;
	[tilespmem:s8+$0xED00] =	vst v63;
	v39 =	vor.u32 v5, v24;
	v5 =	vld [tilespmem:$0x1FF30];
	v36 =	vadd.f32 v36, v13  }
0x453: {  	s21 =	sshll.u32 s21, $0x7;
	s30 =	sand.u32 $0x3FFFFF80, s23;
	[tilespmem:s18+$0xED00] =	vst v17;
	v35 =	vld.idx.msk [tilespmem:v35+s19+$0x0], $0xffff;
	v17 =	vadd.f32 v32, v12  }
0x454: {  	s0 =	sand.u32 $0x3FFFFF80, s21;
	v32 =	vor.u32 v0, v14;
	v0 =	vld [tilespmem:$0x1FDF0];
	[tilespmem:s30+$0xED00] =	vst v36  }
0x455: {  	s10 =	sshll.u32 s29, $0x7;
	v29 =	vadd.f32 v29, v11;
	[tilespmem:s0+$0xED00] =	vst v17;
	v34 =	vld.idx.msk [tilespmem:v50+s19+$0x0], $0xffff  }
0x456: {  	s29 =	sand.u32 $0x3FFFFF80, s10;
	v31 =	vld.idx.msk [tilespmem:v31+s19+$0x0], $0xffff  }
0x457: {  	s31 =	sshll.u32 s25, $0x7;
	v30 =	vadd.f32 v30, v15;
	[tilespmem:s29+$0xED00] =	vst v29;
	v29 =	vor.u32 v40, v19;
	v63 =	vld.idx.msk [tilespmem:v39+s19+$0x0], $0xffff  }
0x458: {  	s3 =	sand.u32 $0x3FFFFF80, s31;
	v17 =	vor.u32 v46, v21;
	v39 =	vld [tilespmem:$0x1FD60]  }
0x459: {  	[tilespmem:s3+$0xED00] =	vst v30;
	v28 =	vadd.f32 v28, v18;
	v37 =	vor.u32 v5, v25;
	v5 =	vld [tilespmem:$0x1FCA0]  }
0x45a: {  	v33 =	vadd.f32 v33, v20;
	v32 =	vld.idx.msk [tilespmem:v32+s19+$0x0], $0xffff  }
0x45b: {  	[tilespmem:s2+$0xED10] =	vst v28;
	v46 =	vor.u32 v0, v23;
	v0 =	vld [tilespmem:$0x1FF70]  }
0x45c: {  	[tilespmem:s7+$0xED10] =	vst v33;
	v29 =	vld.idx.msk [tilespmem:v29+s19+$0x0], $0xffff  }
0x45d: {  	v28 =	vadd.f32 v35, v22;
	v17 =	vld.idx.msk [tilespmem:v17+s19+$0x0], $0xffff  }
0x45e: {  	v37 =	vld.idx.msk [tilespmem:v37+s19+$0x0], $0xffff  }
0x45f: {  	[tilespmem:s8+$0xED10] =	vst v28;
	v30 =	vor.u32 v5, v24;
	v5 =	vld [tilespmem:$0x1FF40]  }
0x460: {  	v31 =	vadd.f32 v31, v12;
	v36 =	vld.idx.msk [tilespmem:v46+s19+$0x0], $0xffff  }
0x461: {  	v50 =	vor.u32 v61, v25;
	v61 =	vadd.f32 v63, v16;
	v63 =	vor.u32 v0, v26;
	v0 =	vld [tilespmem:$0x1FDE0]  }
0x462: {  	v46 =	vor.u32 v52, v14;
	[tilespmem:s0+$0xED10] =	vst v31;
	v31 =	vor.u32 v7, v21;
	v7 =	vld [tilespmem:$0x1FCF0]  }
0x463: {  	[tilespmem:s18+$0xED10] =	vst v61;
	v61 =	vld [tilespmem:$0x1FEA0]  }
0x464: {  	v32 =	vadd.f32 v32, v15;
	v30 =	vld.idx.msk [tilespmem:v30+s19+$0x0], $0xffff  }
0x465: {  	v17 =	vadd.f32 v17, v20;
	v28 =	vadd.f32 v37, v11;
	v37 =	vor.u32 v5, v27;
	v5 =	vld [tilespmem:$0x1FF00]  }
0x466: {  	[tilespmem:s3+$0xED10] =	vst v32;
	v38 =	vld.idx.msk [tilespmem:v63+s19+$0x0], $0xffff  }
0x467: {  	v34 =	vadd.f32 v34, v13;
	[tilespmem:s7+$0xED20] =	vst v17;
	v33 =	vld.idx.msk [tilespmem:v46+s19+$0x0], $0xffff  }
0x468: {  	v31 =	vld.idx.msk [tilespmem:v31+s19+$0x0], $0xffff  }
0x469: {  	[tilespmem:s30+$0xED10] =	vst v34;
	v34 =	vor.u32 v0, v23;
	v0 =	vld [tilespmem:$0x1FF60]  }
0x46a: {  	v29 =	vadd.f32 v29, v18;
	v46 =	vor.u32 v53, v25;
	v53 =	vor.u32 v3, v24;
	v3 =	vld [tilespmem:$0x1FBA0];
	[tilespmem:s29+$0xED10] =	vst v28  }
0x46b: {  	v28 =	vor.u32 v39, v19;
	v35 =	vld.idx.msk [tilespmem:v50+s19+$0x0], $0xffff  }
0x46c: {  	v59 =	vor.u32 v59, v14;
	[tilespmem:s2+$0xED20] =	vst v29;
	v29 =	vadd.f32 v36, v22;
	v37 =	vld.idx.msk [tilespmem:v37+s19+$0x0], $0xffff  }
0x46d: {  	v63 =	vor.u32 v5, v24;
	v5 =	vmovc v6;
	v6 =	vmovc v55;
	v55 =	vmov v47;
	v17 =	vadd.f32 v30, v16;
	v47 =	vld [tilespmem:$0x1FF40]  }
0x46e: {  	[tilespmem:s8+$0xED20] =	vst v29;
	v30 =	vor.u32 v56, v26;
	v56 =	vld [tilespmem:$0x1FF70];
	v33 =	vadd.f32 v33, v15  }
0x46f: {  	v34 =	vld.idx.msk [tilespmem:v34+s19+$0x0], $0xffff;
	[tilespmem:s18+$0xED20] =	vst v17  }
0x470: {  	v49 =	vor.u32 v49, v25;
	v28 =	vld.idx.msk [tilespmem:v28+s19+$0x0], $0xffff;
	v17 =	vadd.f32 v38, v12;
	[tilespmem:s3+$0xED20] =	vst v33  }
0x471: {  	v52 =	vor.u32 v6, v27;
	v38 =	vld.idx.msk [tilespmem:v59+s19+$0x0], $0xffff  }
0x472: {  	v29 =	vadd.f32 v35, v11;
	[tilespmem:s0+$0xED20] =	vst v17;
	v17 =	vor.u32 v0, v21;
	v0 =	vld [tilespmem:$0x1FEB0]  }
0x473: {  	v32 =	vld.idx.msk [tilespmem:v63+s19+$0x0], $0xffff;
	v37 =	vadd.f32 v37, v13  }
0x474: {  	v31 =	vadd.f32 v31, v20;
	[tilespmem:s29+$0xED20] =	vst v29;
	v29 =	vor.u32 v41, v19;
	v30 =	vld.idx.msk [tilespmem:v30+s19+$0x0], $0xffff  }
0x475: {  	v61 =	vor.u32 v61, v23;
	v36 =	vld.idx.msk [tilespmem:v49+s19+$0x0], $0xffff;
	v28 =	vadd.f32 v28, v18;
	[tilespmem:s30+$0xED20] =	vst v37  }
0x476: {  	[tilespmem:s7+$0xED30] =	vst v31;
	v35 =	vld.idx.msk [tilespmem:v52+s19+$0x0], $0xffff  }
0x477: {  	[tilespmem:s2+$0xED30] =	vst v28;
	v28 =	vadd.f32 v34, v22;
	v17 =	vld.idx.msk [tilespmem:v17+s19+$0x0], $0xffff  }
0x478: {  	v63 =	vor.u32 v8, v24;
	v49 =	vor.u32 v0, v26;
	v0 =	vld [tilespmem:$0x1FDD0]  }
0x479: {  	v29 =	vld.idx.msk [tilespmem:v29+s19+$0x0], $0xffff;
	v31 =	vadd.f32 v32, v16;
	[tilespmem:s8+$0xED30] =	vst v28  }
0x47a: {  	v37 =	vld.idx.msk [tilespmem:v61+s19+$0x0], $0xffff  }
0x47b: {  	v28 =	vadd.f32 v36, v11;
	[tilespmem:s18+$0xED30] =	vst v31;
	v31 =	vor.u32 v60, v14;
	v60 =	vor.u32 v4, v26;
	v4 =	vld [tilespmem:$0x1FB90]  }
0x47c: {  	v50 =	vor.u32 v55, v27;
	v30 =	vadd.f32 v30, v12;
	v61 =	vor.u32 v48, v27;
	v48 =	vld [tilespmem:$0x1FF00]  }
0x47d: {  	[tilespmem:s29+$0xED30] =	vst v28;
	v33 =	vld.idx.msk [tilespmem:v63+s19+$0x0], $0xffff  }
0x47e: {  	[tilespmem:s0+$0xED30] =	vst v30;
	v35 =	vadd.f32 v35, v13;
	v34 =	vld.idx.msk [tilespmem:v46+s19+$0x0], $0xffff  }
0x47f: {  	v30 =	vor.u32 v57, v21;
	v32 =	vld.idx.msk [tilespmem:v49+s19+$0x0], $0xffff  }
0x480: {  	v38 =	vadd.f32 v38, v15;
	v28 =	vor.u32 v42, v19;
	v52 =	vor.u32 v0, v23;
	v0 =	vld [tilespmem:$0x1FF90];
	[tilespmem:s30+$0xED30] =	vst v35  }
0x481: {  	v17 =	vadd.f32 v17, v20;
	v36 =	vld.idx.msk [tilespmem:v50+s19+$0x0], $0xffff  }
0x482: {  	[tilespmem:s3+$0xED30] =	vst v38;
	v29 =	vadd.f32 v29, v18;
	v50 =	vor.u32 v54, v25;
	v54 =	vor.u32 v3, v14;
	v3 =	vld [tilespmem:$0x1FCA0]  }
0x483: {  	[tilespmem:s7+$0xED40] =	vst v17;
	v31 =	vld.idx.msk [tilespmem:v31+s19+$0x0], $0xffff  }
0x484: {  	[tilespmem:s2+$0xED40] =	vst v29;
	v29 =	vadd.f32 v37, v22;
	v30 =	vld.idx.msk [tilespmem:v30+s19+$0x0], $0xffff  }
0x485: {  	v46 =	vor.u32 v7, v25;
	v28 =	vld.idx.msk [tilespmem:v28+s19+$0x0], $0xffff;
	v17 =	vadd.f32 v33, v16  }
0x486: {  	[tilespmem:s8+$0xED40] =	vst v29;
	v29 =	vadd.f32 v34, v11;
	v49 =	vor.u32 v0, v23;
	v0 =	vld [tilespmem:$0x1FD30]  }
0x487: {  	v35 =	vld.idx.msk [tilespmem:v52+s19+$0x0], $0xffff;
	[tilespmem:s18+$0xED40] =	vst v17;
	v17 =	vadd.f32 v32, v12  }
0x488: {  	[tilespmem:s29+$0xED40] =	vst v29;
	v38 =	vld.idx.msk [tilespmem:v53+s19+$0x0], $0xffff  }
0x489: {  	[tilespmem:s0+$0xED40] =	vst v17;
	v17 =	vor.u32 v51, v21;
	v51 =	vld [tilespmem:$0x1FF60]  }
0x48a: {  	v36 =	vadd.f32 v36, v13;
	v37 =	vld.idx.msk [tilespmem:v46+s19+$0x0], $0xffff  }
0x48b: {  	v63 =	vor.u32 v58, v14;
	v46 =	vld [tilespmem:$0x1FEE0]  }
0x48c: {  	[tilespmem:s30+$0xED40] =	vst v36;
	v33 =	vld.idx.msk [tilespmem:v60+s19+$0x0], $0xffff  }
0x48d: {  	v29 =	vor.u32 v44, v19;
	v31 =	vadd.f32 v31, v15;
	v34 =	vld.idx.msk [tilespmem:v61+s19+$0x0], $0xffff  }
0x48e: {  	v52 =	vor.u32 v0, v26;
	v0 =	vld [tilespmem:$0x1FF20]  }
0x48f: {  	v28 =	vadd.f32 v28, v18;
	[tilespmem:s3+$0xED40] =	vst v31;
	v31 =	vor.u32 v62, v24;
	v24 =	vor.u32 v2, v24;
	v2 =	vld [tilespmem:$0x1FBB0]  }
0x490: {  	v32 =	vld.idx.msk [tilespmem:v63+s19+$0x0], $0xffff  }
0x491: {  	v30 =	vadd.f32 v30, v20;
	[tilespmem:s2+$0xED50] =	vst v28;
	v28 =	vadd.f32 v35, v22;
	v35 =	vld [tilespmem:$0x1FE30]  }
0x492: {  	v29 =	vld.idx.msk [tilespmem:v29+s19+$0x0], $0xffff  }
0x493: {  	[tilespmem:s7+$0xED50] =	vst v30;
	v30 =	vadd.f32 v38, v16;
	v38 =	vld [tilespmem:$0x1FE90]  }
0x494: {  	v17 =	vld.idx.msk [tilespmem:v17+s19+$0x0], $0xffff;
	[tilespmem:s8+$0xED50] =	vst v28;
	v28 =	vadd.f32 v37, v11  }
0x495: {  	v36 =	vld.idx.msk [tilespmem:v49+s19+$0x0], $0xffff;
	[tilespmem:s18+$0xED50] =	vst v30  }
0x496: {  	[tilespmem:s29+$0xED50] =	vst v28;
	v28 =	vld.idx.msk [tilespmem:v31+s19+$0x0], $0xffff  }
0x497: {  	v53 =	vor.u32 v10, v27;
	v30 =	vadd.f32 v33, v12;
	v31 =	vadd.f32 v34, v13;
	v34 =	vld [tilespmem:$0x1FE20]  }
0x498: {  	v27 =	vor.u32 v2, v27;
	v2 =	vld [tilespmem:$0x1FBC0];
	v29 =	vadd.f32 v29, v18  }
0x499: {  	v19 =	vor.u32 v0, v19;
	[tilespmem:s0+$0xED50] =	vst v30;
	v30 =	vld.idx.msk [tilespmem:v50+s19+$0x0], $0xffff  }
0x49a: {  	v32 =	vadd.f32 v32, v15;
	[tilespmem:s2+$0xED60] =	vst v29;
	v29 =	vadd.f32 v36, v22;
	v36 =	vld [tilespmem:$0x1FDC0]  }
0x49b: {  	v23 =	vor.u32 v35, v23;
	[tilespmem:s30+$0xED50] =	vst v31;
	v31 =	vld.idx.msk [tilespmem:v52+s19+$0x0], $0xffff  }
0x49c: {  	[tilespmem:s3+$0xED50] =	vst v32;
	v17 =	vadd.f32 v17, v20;
	v58 =	vld.idx.msk [tilespmem:v53+s19+$0x0], $0xffff  }
0x49d: {  	v33 =	vld.idx.msk [tilespmem:v54+s19+$0x0], $0xffff;
	v21 =	vor.u32 v34, v21  }
0x49e: {  	v26 =	vor.u32 v5, v26;
	[tilespmem:s7+$0xED60] =	vst v17;
	v17 =	vld.idx.msk [tilespmem:v19+s19+$0x0], $0xffff;
	v19 =	vadd.f32 v28, v16  }
0x49f: {  	v37 =	vld [tilespmem:$0x1FD50];
	[tilespmem:s8+$0xED60] =	vst v29;
	v28 =	vadd.f32 v30, v11;
	v25 =	vor.u32 v36, v25  }
0x4a0: {  	v14 =	vor.u32 v2, v14;
	[tilespmem:s18+$0xED60] =	vst v19;
	v19 =	vld.idx.msk [tilespmem:v23+s19+$0x0], $0xffff;
	v59 =	vadd.f32 v31, v12  }
0x4a1: {  	[tilespmem:s29+$0xED60] =	vst v28;
	v24 =	vld.idx.msk [tilespmem:v24+s19+$0x0], $0xffff;
	v28 =	vadd.f32 v58, v13  }
0x4a2: {  	[tilespmem:s0+$0xED60] =	vst v59;
	v61 =	vadd.f32 v33, v15;
	v21 =	vld.idx.msk [tilespmem:v21+s19+$0x0], $0xffff  }
0x4a3: {  	v17 =	vadd.f32 v17, v18;
	[tilespmem:s30+$0xED60] =	vst v28;
	v18 =	vld.idx.msk [tilespmem:v26+s19+$0x0], $0xffff  }
0x4a4: {  	[tilespmem:s3+$0xED60] =	vst v61;
	v60 =	vld.idx.msk [tilespmem:v25+s19+$0x0], $0xffff  }
0x4a5: {  	[tilespmem:s2+$0xED70] =	vst v17;
	v17 =	vadd.f32 v19, v22;
	v14 =	vld.idx.msk [tilespmem:v14+s19+$0x0], $0xffff  }
0x4a6: {  	v62 =	vld.idx.msk [tilespmem:v27+s19+$0x0], $0xffff;
	v16 =	vadd.f32 v24, v16  }
0x4a7: {  	v32 =	vld [tilespmem:$0x1FF30];
	[tilespmem:s8+$0xED70] =	vst v17;
	v20 =	vadd.f32 v21, v20  }
0x4a8: {  	p2 =	por p0, p0;
	v54 =	vld [tilespmem:$0x1FE80];
	[tilespmem:s18+$0xED70] =	vst v16;
	v12 =	vadd.f32 v18, v12  }
.Ltmp5:
0x4a9: {  	v29 =	vld [tilespmem:$0x1FEC0];
	[tilespmem:s7+$0xED70] =	vst v20;
	v11 =	vadd.f32 v60, v11;
	(pc) =	sbr.rel @p2 .LBB2_9-.Ltmp5, $4  }
0x4aa: {  	v30 =	vld [tilespmem:$0x1FEF0];
	[tilespmem:s0+$0xED70] =	vst v12;
	v63 =	vadd.f32 v14, v15  }
0x4ab: {  	v31 =	vld [tilespmem:$0x1FF10];
	[tilespmem:s29+$0xED70] =	vst v11;
	v11 =	vadd.f32 v62, v13  }
0x4ac: {  	v33 =	vld [tilespmem:$0x1FE70];
	[tilespmem:s3+$0xED70] =	vst v63  }
0x4ad: {  	p0 =	por $0x0, $0x0;
	v57 =	vmov v44;
	s2 =	simm.s32 $0x10;
	v17 =	vld [tilespmem:$0x1FC90];
	[tilespmem:s30+$0xED70] =	vst v11  }
.Ltmp6:
0x4ae: {  	s0 =	sshll.u32 s6, $0x11;
	(pc) =	sbr.rel @p1 .LBB2_12-.Ltmp6, $4  }
0x4af: {  	s0 =	sor.u32 s4, s0  }
0x4b0: {  	s0 =	sshrl.u32 s0, $0x3  }
0x4b1: {  	v20 =	vmovc v5;
	v18 =	vmov v56;
	v16 =	vmov v45;
	v13 =	vmov v32;
	v24 =	vld [tilespmem:$0x1FF90];
	s0 =	sadd.s32 s1, s0  }
0x4b2: {  	v12 =	vmovc v54;
	v8 =	vmovc v48;
	v4 =	vmov v29;
	v47 =	vld [tilespmem:$0x1FED0];
	v2 =	vmov v30;
	v55 =	vmov v33;
	[hbm4b:s0+s11] =	stream.strided.scatter [tilespmem:s28], [sflag:$0x8], $0x1000, s12, s11, $0x38  }
.Ltmp7:
0x4b3: {  	s0 =	sshll.u32 s16, $0xB;
	(pc) =	sbr.rel .LBB2_2-.Ltmp7, $4  }
0x4b4: {  	s0 =	sadd.s32 $0xE00, s0  }
0x4b5: {  	s0 =	sand.u32 $0x3FE00, s0  }
0x4b6: {  	s16 =	sadd.s32 $0x1, s16;
	s0 =	sshrl.u32 s0, $0x2  }
0x4b7: {  	v7 =	vmov v24;
	[tilespmem:s19], [sflag:$0x4] =	stream.indirect.gather [hbm4b:s5+s13], $0x20, s0, s13, $0xb8;
	[tilespmem:$0xFD00] =	vst v63  }
.LBB2_13:
0x4b8: {  	_ =	sfence.sel $0x180000  }
0x4b9: {  	[bflag:$0x0] =	sbarrier.arrive $0xFFFF  }
0x4ba: {  	_ =	strace $0x90000047  }
0x4bb: {  	s0 =	stileid.u32;
	[bflag:$0x2] =	sbarrier.arrive $0xFFFF  }
0x4bc: {  	p0 =	sne.s32 s0, $0x0;
	s0 =	rddreg [dreg:$0x3]  }
0x4bd: {  	s0 =	sadd.s32 @!p0 $0x100000, s0  }
0x4be: {  	[sflag:s0] =	ssyncadd.tile.s32 @!p0 $0x1;
	_ =	shalt  }
.Lfunc_end2:
_tile_overlayer_lowered:
.L_overlay_start_2:
0x4bf: {  	(tag) =	ssettag $0x2  }
0x4c0: {  	s0 =	rddreg [dreg:$0x0];
	s2 =	stileid.u32  }
0x4c1: {  	s1 =	rddreg [dreg:$0x1];
	p0 =	sne.s32 s2, $0x0  }
0x4c2: {  	s3 =	rddreg [dreg:$0x2];
	[bflag:$0x3] =	sbarrier.arrive $0xFFFF;
	s2 =	simm.s32 @!p0 $0x1C09  }
0x4c3: {  	[timem:s3], [sflag:s2] =	dma.local @!p0 [hbm:s0], s1  }
0x4c4: {  	s0 =	simm.s32 @!p0 $0x9  }
0x4c5: {  	_ =	swait.ge @!p0 [sflag:s0], s1  }
0x4c6: {  	s1 =	ssub.s32 @!p0 $0x0, s1;
	[sflag:s0] =	ssyncset.done @!p0 $0x0  }
0x4c7: {  	[sflag:s0] =	ssyncadd.s32 @!p0 s1  }
0x4c8: {  	[bflag:$0x3] =	sbarrier.arrive $0xFFFF  }
0x4c9: {  	_ =	shalt  }

</sc_bundles>
